<compile_context>
chip_gen: v7x
topology: tpu7x:2x2x1
jax: 0.10.2.dev20260603
libtpu: 0.0.44.dev20260713+nightly
codegen_flags: <defaults>
</compile_context>

<pallas_src>
import functools
import math

import jax
import jax.numpy as jnp
from jax import lax
from jax.experimental import pallas as pl
from jax.experimental.pallas import tpu as pltpu
from jax.experimental.pallas import tpu_sc as plsc

N = 10000
E = 320000
G = 64
DIN = 128
H = 64
NC = 2
NS = 16
NW = NC * NS
CH = 80
NSTEP = 125
EPAD = NW * NSTEP * CH
PADROW = N + 8
ROWS_T = 632
NPAD = ROWS_T * NS
BN = 2000
NB = N // BN
K1 = 1.0 / math.sqrt(1.0 + 1e-5)

_MESH = plsc.VectorSubcoreMesh(core_axis_name="c", subcore_axis_name="s")
_SC_PARAMS = pltpu.CompilerParams(use_tc_tiling_on_sc=False)



@functools.partial(
    pl.kernel,
    out_type=jax.ShapeDtypeStruct((NC, NPAD, 16), jnp.float32),
    mesh=_MESH,
    scratch_types=[
        pltpu.VMEM((NSTEP, CH), jnp.int32),
        pltpu.VMEM((CH, 16), jnp.float32),
        pltpu.VMEM((ROWS_T, 16), jnp.float32),
        pltpu.VMEM_SHARED((NPAD, 16), jnp.float32),
    ],
    compiler_params=_SC_PARAMS,
)
def _sc_degree(dst_hbm, out_hbm, dst_v, ones_v, zero_v, acc):
    c = lax.axis_index("c")
    s = lax.axis_index("s")
    wid = c * NS + s

    def _ones(r, carry):
        ones_v[r, pl.ds(0, 16)] = jnp.ones((16,), jnp.float32)
        return carry

    def _zero(r, carry):
        zero_v[r, pl.ds(0, 16)] = jnp.zeros((16,), jnp.float32)
        return carry

    lax.fori_loop(0, CH, _ones, 0)
    lax.fori_loop(0, ROWS_T, _zero, 0)
    pltpu.sync_copy(zero_v, acc.at[pl.ds(s * ROWS_T, ROWS_T)])
    pltpu.sync_copy(dst_hbm.at[wid], dst_v)
    plsc.subcore_barrier()

    def _step(i, carry):
        pltpu.sync_copy(ones_v, acc.at[dst_v.at[i]], add=True)
        return carry

    lax.fori_loop(0, NSTEP, _step, 0)
    plsc.subcore_barrier()
    pltpu.sync_copy(acc.at[pl.ds(s * ROWS_T, ROWS_T)],
                    out_hbm.at[c, pl.ds(s * ROWS_T, ROWS_T)])


@functools.partial(
    pl.kernel,
    out_type=jax.ShapeDtypeStruct((NC, NPAD, H), jnp.float32),
    mesh=_MESH,
    scratch_types=[
        pltpu.VMEM((NSTEP, CH), jnp.int32),
        pltpu.VMEM((NSTEP, CH), jnp.int32),
        pltpu.VMEM((CH, H), jnp.float32),
        pltpu.VMEM((ROWS_T, H), jnp.float32),
        pltpu.VMEM_SHARED((NPAD, H), jnp.float32),
        pltpu.SemaphoreType.DMA,
    ],
    compiler_params=_SC_PARAMS,
)
def _sc_gather_scatter(y_hbm, src_hbm, dst_hbm, out_hbm,
                       src_v, dst_v, rows, zero_v, acc, sem):
    c = lax.axis_index("c")
    s = lax.axis_index("s")
    wid = c * NS + s

    def _zero(r, carry):
        for k in range(H // 16):
            zero_v[r, pl.ds(16 * k, 16)] = jnp.zeros((16,), jnp.float32)
        return carry

    lax.fori_loop(0, ROWS_T, _zero, 0)
    pltpu.sync_copy(zero_v, acc.at[pl.ds(s * ROWS_T, ROWS_T)])
    pltpu.sync_copy(src_hbm.at[wid], src_v)
    pltpu.sync_copy(dst_hbm.at[wid], dst_v)
    plsc.subcore_barrier()

    @plsc.parallel_loop(0, NSTEP, step=1, unroll=2)
    def _step(i):
        pltpu.async_copy(y_hbm.at[src_v.at[i]], rows, sem).wait()
        pltpu.sync_copy(rows, acc.at[dst_v.at[i]], add=True)
    plsc.subcore_barrier()
    pltpu.sync_copy(acc.at[pl.ds(s * ROWS_T, ROWS_T)],
                    out_hbm.at[c, pl.ds(s * ROWS_T, ROWS_T)])



def _tc_mm1_body(x_ref, w_ref, xw_ref):
    xw_ref[...] = jnp.dot(x_ref[...], w_ref[...],
                          preferred_element_type=jnp.float32)


def _tc_mm1(x, w1):
    return pl.pallas_call(
        _tc_mm1_body,
        grid=(NB,),
        in_specs=[
            pl.BlockSpec((BN, DIN), lambda i: (i, 0)),
            pl.BlockSpec((DIN, H), lambda i: (0, 0)),
        ],
        out_specs=pl.BlockSpec((BN, H), lambda i: (i, 0)),
        out_shape=jax.ShapeDtypeStruct((N, H), jnp.float32),
    )(x, w1)


def _tc_scale_body(deg_ref, xw_ref, y_ref, dinv_ref):
    deg = deg_ref[0] + deg_ref[1] + 1.0
    dinv = lax.rsqrt(deg[:, :1])
    y_ref[...] = xw_ref[...] * dinv
    dinv_ref[...] = jnp.broadcast_to(dinv, (BN, H))


def _tc_scale(deg, xw):
    return pl.pallas_call(
        _tc_scale_body,
        grid=(NB,),
        in_specs=[
            pl.BlockSpec((NC, BN, 16), lambda i: (0, i, 0)),
            pl.BlockSpec((BN, H), lambda i: (i, 0)),
        ],
        out_specs=[
            pl.BlockSpec((BN, H), lambda i: (i, 0)),
            pl.BlockSpec((BN, H), lambda i: (i, 0)),
        ],
        out_shape=[
            jax.ShapeDtypeStruct((N, H), jnp.float32),
            jax.ShapeDtypeStruct((N, H), jnp.float32),
        ],
    )(deg, xw)


def _make_tc_layer(has_res):
    def body(parts_ref, y_ref, dinv_ref, *rest):
        if has_res:
            res_ref, b_ref, g_ref, be_ref, w_ref, x_out, y_out = rest
        else:
            b_ref, g_ref, be_ref, w_ref, x_out, y_out = rest
        dinv = dinv_ref[...]
        agg = (parts_ref[0] + parts_ref[1] + y_ref[...]) * dinv
        h = (agg + b_ref[...]) * K1 * g_ref[...] + be_ref[...]
        xl = jnp.maximum(h, 0.0)
        if has_res:
            xl = xl + res_ref[...]
        x_out[...] = xl
        y_out[...] = jnp.dot(xl, w_ref[...],
                             preferred_element_type=jnp.float32) * dinv

    node = pl.BlockSpec((BN, H), lambda i: (i, 0))
    row = pl.BlockSpec((1, H), lambda i: (0, 0))
    in_specs = [pl.BlockSpec((NC, BN, H), lambda i: (0, i, 0)), node, node]
    if has_res:
        in_specs.append(node)
    in_specs += [row, row, row, pl.BlockSpec((H, H), lambda i: (0, 0))]

    def run(*args):
        return pl.pallas_call(
            body,
            grid=(NB,),
            in_specs=in_specs,
            out_specs=[node, node],
            out_shape=[
                jax.ShapeDtypeStruct((N, H), jnp.float32),
                jax.ShapeDtypeStruct((N, H), jnp.float32),
            ],
        )(*args)

    return run


_tc_layer_nores = _make_tc_layer(False)
_tc_layer_res = _make_tc_layer(True)


def _tc_final_body(parts_ref, y_ref, dinv_ref, b_ref, batch_ref,
                   wl1_ref, bl1_ref, wl2_ref, bl2_ref, out_ref, acc):
    i = pl.program_id(0)
    x4 = (parts_ref[0] + parts_ref[1] + y_ref[...]) * dinv_ref[...] + b_ref[...]
    bvec = batch_ref[0, 0, :]
    oht = (lax.broadcasted_iota(jnp.int32, (G, BN), 0)
           == bvec[None, :]).astype(jnp.float32)
    aug = jnp.concatenate([x4, jnp.ones_like(x4)], axis=1)
    part = jnp.dot(oht, aug, preferred_element_type=jnp.float32)
    acc[...] = jnp.where(i == 0, part, acc[...] + part)

    @pl.when(i == NB - 1)
    def _():
        sums = acc[:, :H]
        cnt = acc[:, H:H + 1]
        pooled = sums / jnp.maximum(cnt, 1.0)
        hmid = jnp.maximum(
            jnp.dot(pooled, wl1_ref[...], preferred_element_type=jnp.float32)
            + bl1_ref[...], 0.0)
        logits = jnp.dot(hmid, wl2_ref[...],
                         preferred_element_type=jnp.float32) + bl2_ref[...]
        m = jnp.max(logits, axis=1, keepdims=True)
        lse = m + jnp.log(jnp.sum(jnp.exp(logits - m), axis=1, keepdims=True))
        out_ref[...] = logits - lse


def _tc_final(parts, y4, dinv, b4, batch3, wl1, bl1, wl2, bl2):
    node = pl.BlockSpec((BN, H), lambda i: (i, 0))
    return pl.pallas_call(
        _tc_final_body,
        grid=(NB,),
        in_specs=[
            pl.BlockSpec((NC, BN, H), lambda i: (0, i, 0)),
            node, node,
            pl.BlockSpec((1, H), lambda i: (0, 0)),
            pl.BlockSpec((1, 1, BN), lambda i: (i, 0, 0)),
            pl.BlockSpec((H, H // 2), lambda i: (0, 0)),
            pl.BlockSpec((1, H // 2), lambda i: (0, 0)),
            pl.BlockSpec((H // 2, 2), lambda i: (0, 0)),
            pl.BlockSpec((1, 2), lambda i: (0, 0)),
        ],
        out_specs=pl.BlockSpec((G, 2), lambda i: (0, 0)),
        out_shape=jax.ShapeDtypeStruct((G, 2), jnp.float32),
        scratch_shapes=[pltpu.VMEM((G, 2 * H), jnp.float32)],
    )(parts, y4, dinv, b4, batch3, wl1, bl1, wl2, bl2)



def kernel(x, edge_index, batch, W1, b1, W2, b2, W3, b3, W4, b4,
           g1, be1, g2, be2, g3, be3, Wl1, bl1, Wl2, bl2):
    src = edge_index[0].astype(jnp.int32).reshape(NW, NSTEP, CH)
    dst = edge_index[1].astype(jnp.int32).reshape(NW, NSTEP, CH)
    batch3 = batch.astype(jnp.int32).reshape(NB, 1, BN)
    b1r, g1r, be1r = b1.reshape(1, H), g1.reshape(1, H), be1.reshape(1, H)
    b2r, g2r, be2r = b2.reshape(1, H), g2.reshape(1, H), be2.reshape(1, H)
    b3r, g3r, be3r = b3.reshape(1, H), g3.reshape(1, H), be3.reshape(1, H)
    b4r = b4.reshape(1, H)

    deg = _sc_degree(dst)
    xw1 = _tc_mm1(x, W1)
    y1, dinv = _tc_scale(deg, xw1)
    p1 = _sc_gather_scatter(y1, src, dst)
    x1, y2 = _tc_layer_nores(p1, y1, dinv, b1r, g1r, be1r, W2)
    p2 = _sc_gather_scatter(y2, src, dst)
    x2, y3 = _tc_layer_res(p2, y2, dinv, x1, b2r, g2r, be2r, W3)
    p3 = _sc_gather_scatter(y3, src, dst)
    x3, y4 = _tc_layer_res(p3, y3, dinv, x2, b3r, g3r, be3r, W4)
    p4 = _sc_gather_scatter(y4, src, dst)
    return _tc_final(p4, y4, dinv, b4r, batch3,
                     Wl1, bl1.reshape(1, H // 2), Wl2, bl2.reshape(1, 2))

# --- scband reference (transcript-rebuilt; emitter-appended) ---
"""Pipeline reference for scband-deep-pose-gcn-86431921865001 (READ-ONLY COPY).

The authoritative reference and input builder live on the scoring server;
editing this copy changes nothing except your own understanding.
"""

import jax, jax.numpy as jnp
import numpy as np

N_NODES = 10000
N_EDGES = 320000
N_GRAPHS = 64
D_IN = 128
H = 64
N_CLASSES = 2
EPS = 1e-5


def gcn_conv(x, src, dst, W, b):
    n = x.shape[0]
    loop = jnp.arange(n, dtype=src.dtype)
    s = jnp.concatenate([src, loop])
    d = jnp.concatenate([dst, loop])
    xw = x @ W
    deg = jnp.zeros((n,), dtype=x.dtype).at[d].add(1.0)
    dinv = 1.0 / jnp.sqrt(jnp.clip(deg, 1.0))
    norm = dinv[s] * dinv[d]
    msg = xw[s] * norm[:, None]
    out = jnp.zeros((n, W.shape[1]), dtype=x.dtype).at[d].add(msg)
    return out + b


def batch_norm_eval(h, gamma, beta):
    # eval-mode BN with default running stats (mean=0, var=1)
    return h / jnp.sqrt(1.0 + EPS) * gamma + beta


def setup_inputs(seed: int = 0) -> dict:
    key = jax.random.key(seed)
    ks = jax.random.split(key, 24)
    x = jax.random.normal(ks[0], (N_NODES, D_IN), dtype=jnp.float32)
    edge_index = jax.random.randint(ks[1], (2, N_EDGES), 0, N_NODES, dtype=jnp.int64)
    batch = jnp.sort(jax.random.randint(ks[2], (N_NODES,), 0, N_GRAPHS, dtype=jnp.int64))
    def glorot(k, fan_in, fan_out):
        lim = np.sqrt(6.0 / (fan_in + fan_out))
        return jax.random.uniform(k, (fan_in, fan_out), dtype=jnp.float32, minval=-lim, maxval=lim)
    W1 = glorot(ks[3], D_IN, H); b1 = jnp.zeros((H,), jnp.float32)
    W2 = glorot(ks[4], H, H); b2 = jnp.zeros((H,), jnp.float32)
    W3 = glorot(ks[5], H, H); b3 = jnp.zeros((H,), jnp.float32)
    W4 = glorot(ks[6], H, H); b4 = jnp.zeros((H,), jnp.float32)
    g1 = jnp.ones((H,), jnp.float32); be1 = jnp.zeros((H,), jnp.float32)
    g2 = jnp.ones((H,), jnp.float32); be2 = jnp.zeros((H,), jnp.float32)
    g3 = jnp.ones((H,), jnp.float32); be3 = jnp.zeros((H,), jnp.float32)
    Wl1 = glorot(ks[7], H, H // 2); bl1 = jnp.zeros((H // 2,), jnp.float32)
    Wl2 = glorot(ks[8], H // 2, N_CLASSES); bl2 = jnp.zeros((N_CLASSES,), jnp.float32)
    return {"x": x, "edge_index": edge_index, "batch": batch,
            "W1": W1, "b1": b1, "W2": W2, "b2": b2, "W3": W3, "b3": b3, "W4": W4, "b4": b4,
            "g1": g1, "be1": be1, "g2": g2, "be2": be2, "g3": g3, "be3": be3,
            "Wl1": Wl1, "bl1": bl1, "Wl2": Wl2, "bl2": bl2}


def reference(x, edge_index, batch, W1, b1, W2, b2, W3, b3, W4, b4,
              g1, be1, g2, be2, g3, be3, Wl1, bl1, Wl2, bl2):
    src, dst = edge_index[0], edge_index[1]
    x1 = gcn_conv(x, src, dst, W1, b1)
    x1 = jax.nn.relu(batch_norm_eval(x1, g1, be1))
    x2 = gcn_conv(x1, src, dst, W2, b2)
    x2 = jax.nn.relu(batch_norm_eval(x2, g2, be2))
    x2 = x2 + x1
    x3 = gcn_conv(x2, src, dst, W3, b3)
    x3 = jax.nn.relu(batch_norm_eval(x3, g3, be3))
    x3 = x3 + x2
    x4 = gcn_conv(x3, src, dst, W4, b4)
    sums = jax.ops.segment_sum(x4, batch, num_segments=N_GRAPHS)
    cnts = jax.ops.segment_sum(jnp.ones((x4.shape[0],), x4.dtype), batch, num_segments=N_GRAPHS)
    pooled = sums / jnp.clip(cnts, 1.0)[:, None]
    h = jax.nn.relu(pooled @ Wl1 + bl1)
    logits = h @ Wl2 + bl2
    return jax.nn.log_softmax(logits, axis=1)

if __name__ == "__main__":
    import jax
    _d = setup_inputs()
    print(jax.jit(kernel)(*tuple(_d.values())))

</pallas_src>

<mosaic_0001>
#map = affine_map<(d0, d1) -> (0, 0)>
#map1 = affine_map<(d0, d1) -> (0, 0, 0)>
module attributes {stable_mosaic.version = 14 : i64} {
  func.func @_sc_gather_scatter(%arg0: i32, %arg1: i32, %arg2: memref<10000x64xf32, #tpu.memory_space<hbm>>, %arg3: memref<32x125x80xi32, #tpu.memory_space<hbm>>, %arg4: memref<32x125x80xi32, #tpu.memory_space<hbm>>, %arg5: memref<2x10112x64xf32, #tpu.memory_space<hbm>>, %arg6: memref<125x80xi32, #tpu.memory_space<vmem>>, %arg7: memref<125x80xi32, #tpu.memory_space<vmem>>, %arg8: memref<80x64xf32, #tpu.memory_space<vmem>>, %arg9: memref<632x64xf32, #tpu.memory_space<vmem>>, %arg10: memref<10112x64xf32, #tpu.memory_space<vmem_shared>>, %arg11: memref<!tpu.dma_semaphore, #tpu.memory_space<semaphore_mem>>) attributes {dimension_semantics = [#tpu.dimension_semantics<core_parallel>, #tpu.dimension_semantics<subcore_parallel>], iteration_bounds = array<i64: 2, 16>, scalar_prefetch = 0 : i64, scratch_operands = 6 : i64, tpu.core_type = #tpu.core_type<sc_vector_subcore>, window_params = [{transform_indices = #map}, {transform_indices = #map1}, {transform_indices = #map1}, {transform_indices = #map1}]} {
    %mul3A = arith.constant 16 : i32
    %mul3A_0 = arith.muli %arg0, %mul3A : i32
    %add3A = arith.addi %mul3A_0, %arg1 : i32
    %scan3A = arith.constant 0 : i32
    %scan3A_1 = arith.constant 0 : i32
    %scan3A_2 = arith.constant 632 : i32
    %scan3A_3 = arith.addi %scan3A_1, %scan3A_2 : i32
    %scan3A_4 = arith.constant 1 : i32
    scf.for %scan3A_15 = %scan3A_1 to %scan3A_3 step %scan3A_4  : i32 {
      %broadcast_in_dim3A = arith.constant 0.000000e+00 : f32
      %broadcast_in_dim3A_16 = vector.broadcast %broadcast_in_dim3A : f32 to vector<16xf32>
      %swap3A = arith.index_cast %scan3A_15 : i32 to index
      %swap3A_17 = arith.constant 0 : index
      %swap3A_18 = tpu.vector_load %arg9[%swap3A, %swap3A_17] {strides = array<i32>} : memref<632x64xf32, #tpu.memory_space<vmem>>, vector<1x16xf32>,
      %swap3A_19 = vector.shape_cast %swap3A_18 : vector<1x16xf32> to vector<16xf32>
      %swap3A_20 = vector.shape_cast %broadcast_in_dim3A_16 : vector<16xf32> to vector<1x16xf32>
      tpu.vector_store %arg9[%swap3A, %swap3A_17], %swap3A_20 {strides = array<i32>} : memref<632x64xf32, #tpu.memory_space<vmem>>, vector<1x16xf32>,
      %broadcast_in_dim3A_21 = arith.constant 0.000000e+00 : f32
      %broadcast_in_dim3A_22 = vector.broadcast %broadcast_in_dim3A_21 : f32 to vector<16xf32>
      %swap3A_23 = arith.index_cast %scan3A_15 : i32 to index
      %swap3A_24 = arith.constant 16 : index
      %swap3A_25 = tpu.vector_load %arg9[%swap3A_23, %swap3A_24] {strides = array<i32>} : memref<632x64xf32, #tpu.memory_space<vmem>>, vector<1x16xf32>,
      %swap3A_26 = vector.shape_cast %swap3A_25 : vector<1x16xf32> to vector<16xf32>
      %swap3A_27 = vector.shape_cast %broadcast_in_dim3A_22 : vector<16xf32> to vector<1x16xf32>
      tpu.vector_store %arg9[%swap3A_23, %swap3A_24], %swap3A_27 {strides = array<i32>} : memref<632x64xf32, #tpu.memory_space<vmem>>, vector<1x16xf32>,
      %broadcast_in_dim3A_28 = arith.constant 0.000000e+00 : f32
      %broadcast_in_dim3A_29 = vector.broadcast %broadcast_in_dim3A_28 : f32 to vector<16xf32>
      %swap3A_30 = arith.index_cast %scan3A_15 : i32 to index
      %swap3A_31 = arith.constant 32 : index
      %swap3A_32 = tpu.vector_load %arg9[%swap3A_30, %swap3A_31] {strides = array<i32>} : memref<632x64xf32, #tpu.memory_space<vmem>>, vector<1x16xf32>,
      %swap3A_33 = vector.shape_cast %swap3A_32 : vector<1x16xf32> to vector<16xf32>
      %swap3A_34 = vector.shape_cast %broadcast_in_dim3A_29 : vector<16xf32> to vector<1x16xf32>
      tpu.vector_store %arg9[%swap3A_30, %swap3A_31], %swap3A_34 {strides = array<i32>} : memref<632x64xf32, #tpu.memory_space<vmem>>, vector<1x16xf32>,
      %broadcast_in_dim3A_35 = arith.constant 0.000000e+00 : f32
      %broadcast_in_dim3A_36 = vector.broadcast %broadcast_in_dim3A_35 : f32 to vector<16xf32>
      %swap3A_37 = arith.index_cast %scan3A_15 : i32 to index
      %swap3A_38 = arith.constant 48 : index
      %swap3A_39 = tpu.vector_load %arg9[%swap3A_37, %swap3A_38] {strides = array<i32>} : memref<632x64xf32, #tpu.memory_space<vmem>>, vector<1x16xf32>,
      %swap3A_40 = vector.shape_cast %swap3A_39 : vector<1x16xf32> to vector<16xf32>
      %swap3A_41 = vector.shape_cast %broadcast_in_dim3A_36 : vector<16xf32> to vector<1x16xf32>
      tpu.vector_store %arg9[%swap3A_37, %swap3A_38], %swap3A_41 {strides = array<i32>} : memref<632x64xf32, #tpu.memory_space<vmem>>, vector<1x16xf32>,
    }
    %scan3A_5 = arith.constant 632 : i32
    %mul3A_6 = arith.constant 632 : i32
    %mul3A_7 = arith.muli %arg1, %mul3A_6 : i32
    "tpu.region"() ({
      %run_scoped3A = tpu.sem_alloc : memref<!tpu.dma_semaphore, #tpu.memory_space<semaphore_mem>>
      %dma_start3A = arith.constant 0 : i32
      %dma_start3A_15 = tpu.memref_slice %arg10[%mul3A_7, %dma_start3A] : memref<10112x64xf32, #tpu.memory_space<vmem_shared>> -> memref<632x64xf32, #tpu.memory_space<vmem_shared>>
      %dma_start3A_16 = arith.constant 0 : i32
      %dma_start3A_17 = tpu.memref_slice %arg10[%mul3A_7, %dma_start3A_16] : memref<10112x64xf32, #tpu.memory_space<vmem_shared>> -> memref<632x64xf32, #tpu.memory_space<vmem_shared>>
      tpu.enqueue_dma source(%arg9 : memref<632x64xf32, #tpu.memory_space<vmem>>) target(%dma_start3A_17 : memref<632x64xf32, #tpu.memory_space<vmem_shared>>) target_semaphore(%run_scoped3A : memref<!tpu.dma_semaphore, #tpu.memory_space<semaphore_mem>>)
      %dma_wait3A = arith.constant 0 : i32
      %dma_wait3A_18 = tpu.memref_slice %arg10[%mul3A_7, %dma_wait3A] : memref<10112x64xf32, #tpu.memory_space<vmem_shared>> -> memref<632x64xf32, #tpu.memory_space<vmem_shared>>
      %dma_wait3A_19 = arith.constant 0 : i32
      %dma_wait3A_20 = tpu.memref_slice %arg10[%mul3A_7, %dma_wait3A_19] : memref<10112x64xf32, #tpu.memory_space<vmem_shared>> -> memref<632x64xf32, #tpu.memory_space<vmem_shared>>
      tpu.wait_dma2 semaphore(%run_scoped3A : memref<!tpu.dma_semaphore, #tpu.memory_space<semaphore_mem>>) src(%arg9 : memref<632x64xf32, #tpu.memory_space<vmem>>) dst(%dma_wait3A_20 : memref<632x64xf32, #tpu.memory_space<vmem_shared>>)
      tpu.yield
    }) : () -> ()
    "tpu.region"() ({
      %run_scoped3A = tpu.sem_alloc : memref<!tpu.dma_semaphore, #tpu.memory_space<semaphore_mem>>
      %dma_start3A = arith.constant 0 : i32
      %dma_start3A_15 = arith.constant 0 : i32
      %dma_start3A_16 = tpu.memref_slice %arg3[%add3A, %dma_start3A, %dma_start3A_15] : memref<32x125x80xi32, #tpu.memory_space<hbm>> -> memref<1x125x80xi32, #tpu.memory_space<hbm>>
      %dma_start3A_17 = tpu.memref_squeeze %dma_start3A_16 : memref<1x125x80xi32, #tpu.memory_space<hbm>> -> memref<125x80xi32, #tpu.memory_space<hbm>>
      %dma_start3A_18 = arith.constant 0 : i32
      %dma_start3A_19 = arith.constant 0 : i32
      %dma_start3A_20 = tpu.memref_slice %arg3[%add3A, %dma_start3A_18, %dma_start3A_19] : memref<32x125x80xi32, #tpu.memory_space<hbm>> -> memref<1x125x80xi32, #tpu.memory_space<hbm>>
      %dma_start3A_21 = tpu.memref_squeeze %dma_start3A_20 : memref<1x125x80xi32, #tpu.memory_space<hbm>> -> memref<125x80xi32, #tpu.memory_space<hbm>>
      tpu.enqueue_dma source(%dma_start3A_21 : memref<125x80xi32, #tpu.memory_space<hbm>>) target(%arg6 : memref<125x80xi32, #tpu.memory_space<vmem>>) target_semaphore(%run_scoped3A : memref<!tpu.dma_semaphore, #tpu.memory_space<semaphore_mem>>)
      %dma_wait3A = arith.constant 0 : i32
      %dma_wait3A_22 = arith.constant 0 : i32
      %dma_wait3A_23 = tpu.memref_slice %arg3[%add3A, %dma_wait3A, %dma_wait3A_22] : memref<32x125x80xi32, #tpu.memory_space<hbm>> -> memref<1x125x80xi32, #tpu.memory_space<hbm>>
      %dma_wait3A_24 = tpu.memref_squeeze %dma_wait3A_23 : memref<1x125x80xi32, #tpu.memory_space<hbm>> -> memref<125x80xi32, #tpu.memory_space<hbm>>
      %dma_wait3A_25 = arith.constant 0 : i32
      %dma_wait3A_26 = arith.constant 0 : i32
      %dma_wait3A_27 = tpu.memref_slice %arg3[%add3A, %dma_wait3A_25, %dma_wait3A_26] : memref<32x125x80xi32, #tpu.memory_space<hbm>> -> memref<1x125x80xi32, #tpu.memory_space<hbm>>
      %dma_wait3A_28 = tpu.memref_squeeze %dma_wait3A_27 : memref<1x125x80xi32, #tpu.memory_space<hbm>> -> memref<125x80xi32, #tpu.memory_space<hbm>>
      tpu.wait_dma2 semaphore(%run_scoped3A : memref<!tpu.dma_semaphore, #tpu.memory_space<semaphore_mem>>) src(%dma_wait3A_28 : memref<125x80xi32, #tpu.memory_space<hbm>>) dst(%arg6 : memref<125x80xi32, #tpu.memory_space<vmem>>)
      tpu.yield
    }) : () -> ()
    "tpu.region"() ({
      %run_scoped3A = tpu.sem_alloc : memref<!tpu.dma_semaphore, #tpu.memory_space<semaphore_mem>>
      %dma_start3A = arith.constant 0 : i32
      %dma_start3A_15 = arith.constant 0 : i32
      %dma_start3A_16 = tpu.memref_slice %arg4[%add3A, %dma_start3A, %dma_start3A_15] : memref<32x125x80xi32, #tpu.memory_space<hbm>> -> memref<1x125x80xi32, #tpu.memory_space<hbm>>
      %dma_start3A_17 = tpu.memref_squeeze %dma_start3A_16 : memref<1x125x80xi32, #tpu.memory_space<hbm>> -> memref<125x80xi32, #tpu.memory_space<hbm>>
      %dma_start3A_18 = arith.constant 0 : i32
      %dma_start3A_19 = arith.constant 0 : i32
      %dma_start3A_20 = tpu.memref_slice %arg4[%add3A, %dma_start3A_18, %dma_start3A_19] : memref<32x125x80xi32, #tpu.memory_space<hbm>> -> memref<1x125x80xi32, #tpu.memory_space<hbm>>
      %dma_start3A_21 = tpu.memref_squeeze %dma_start3A_20 : memref<1x125x80xi32, #tpu.memory_space<hbm>> -> memref<125x80xi32, #tpu.memory_space<hbm>>
      tpu.enqueue_dma source(%dma_start3A_21 : memref<125x80xi32, #tpu.memory_space<hbm>>) target(%arg7 : memref<125x80xi32, #tpu.memory_space<vmem>>) target_semaphore(%run_scoped3A : memref<!tpu.dma_semaphore, #tpu.memory_space<semaphore_mem>>)
      %dma_wait3A = arith.constant 0 : i32
      %dma_wait3A_22 = arith.constant 0 : i32
      %dma_wait3A_23 = tpu.memref_slice %arg4[%add3A, %dma_wait3A, %dma_wait3A_22] : memref<32x125x80xi32, #tpu.memory_space<hbm>> -> memref<1x125x80xi32, #tpu.memory_space<hbm>>
      %dma_wait3A_24 = tpu.memref_squeeze %dma_wait3A_23 : memref<1x125x80xi32, #tpu.memory_space<hbm>> -> memref<125x80xi32, #tpu.memory_space<hbm>>
      %dma_wait3A_25 = arith.constant 0 : i32
      %dma_wait3A_26 = arith.constant 0 : i32
      %dma_wait3A_27 = tpu.memref_slice %arg4[%add3A, %dma_wait3A_25, %dma_wait3A_26] : memref<32x125x80xi32, #tpu.memory_space<hbm>> -> memref<1x125x80xi32, #tpu.memory_space<hbm>>
      %dma_wait3A_28 = tpu.memref_squeeze %dma_wait3A_27 : memref<1x125x80xi32, #tpu.memory_space<hbm>> -> memref<125x80xi32, #tpu.memory_space<hbm>>
      tpu.wait_dma2 semaphore(%run_scoped3A : memref<!tpu.dma_semaphore, #tpu.memory_space<semaphore_mem>>) src(%dma_wait3A_28 : memref<125x80xi32, #tpu.memory_space<hbm>>) dst(%arg7 : memref<125x80xi32, #tpu.memory_space<vmem>>)
      tpu.yield
    }) : () -> ()
    %barrier3A = arith.constant 0 : index
    tpu.barrier barrier_id(%barrier3A)
    %parallel_loop3A = arith.constant 0 : i32
    %parallel_loop3A_8 = arith.constant 125 : i32
    %parallel_loop3A_9 = arith.constant 1 : i32
    scf.for %parallel_loop3A_15 = %parallel_loop3A to %parallel_loop3A_8 step %parallel_loop3A_9  : i32 {
      %parallel_loop3A_16 = arith.constant 0 : i32
      %parallel_loop3A_17 = tpu.memref_slice %arg6[%parallel_loop3A_15, %parallel_loop3A_16] : memref<125x80xi32, #tpu.memory_space<vmem>> -> memref<1x80xi32, #tpu.memory_space<vmem>>
      %parallel_loop3A_18 = tpu.memref_squeeze %parallel_loop3A_17 : memref<1x80xi32, #tpu.memory_space<vmem>> -> memref<80xi32, #tpu.memory_space<vmem>>
      %parallel_loop3A_19 = arith.constant 0 : i32
      %parallel_loop3A_20 = arith.constant 0 : i32
      %parallel_loop3A_21 = tpu.memref_slice %arg2[%parallel_loop3A_19, %parallel_loop3A_20] : memref<10000x64xf32, #tpu.memory_space<hbm>> -> memref<10000x64xf32, #tpu.memory_space<hbm>>
      tpu.enqueue_indirect_dma source(%parallel_loop3A_21 : memref<10000x64xf32, #tpu.memory_space<hbm>>) target(%arg8 : memref<80x64xf32, #tpu.memory_space<vmem>>) offsets(%parallel_loop3A_18 : memref<80xi32, #tpu.memory_space<vmem>>) semaphore(%arg11 : memref<!tpu.dma_semaphore, #tpu.memory_space<semaphore_mem>>)
      %parallel_loop3A_22 = arith.constant 0 : i32
      %parallel_loop3A_23 = tpu.memref_slice %arg6[%parallel_loop3A_15, %parallel_loop3A_22] : memref<125x80xi32, #tpu.memory_space<vmem>> -> memref<1x80xi32, #tpu.memory_space<vmem>>
      %parallel_loop3A_24 = tpu.memref_squeeze %parallel_loop3A_23 : memref<1x80xi32, #tpu.memory_space<vmem>> -> memref<80xi32, #tpu.memory_space<vmem>>
      %parallel_loop3A_25 = arith.constant 0 : i32
      %parallel_loop3A_26 = arith.constant 0 : i32
      %parallel_loop3A_27 = tpu.memref_slice %arg2[%parallel_loop3A_25, %parallel_loop3A_26] : memref<10000x64xf32, #tpu.memory_space<hbm>> -> memref<10000x64xf32, #tpu.memory_space<hbm>>
      tpu.wait_indirect_dma semaphore(%arg11 : memref<!tpu.dma_semaphore, #tpu.memory_space<semaphore_mem>>) src(%parallel_loop3A_27 : memref<10000x64xf32, #tpu.memory_space<hbm>>) dst(%arg8 : memref<80x64xf32, #tpu.memory_space<vmem>>)
      "tpu.region"() ({
        %parallel_loop3A_28 = tpu.sem_alloc : memref<!tpu.dma_semaphore, #tpu.memory_space<semaphore_mem>>
        %parallel_loop3A_29 = arith.constant 0 : i32
        %parallel_loop3A_30 = tpu.memref_slice %arg7[%parallel_loop3A_15, %parallel_loop3A_29] : memref<125x80xi32, #tpu.memory_space<vmem>> -> memref<1x80xi32, #tpu.memory_space<vmem>>
        %parallel_loop3A_31 = tpu.memref_squeeze %parallel_loop3A_30 : memref<1x80xi32, #tpu.memory_space<vmem>> -> memref<80xi32, #tpu.memory_space<vmem>>
        %parallel_loop3A_32 = arith.constant 0 : i32
        %parallel_loop3A_33 = arith.constant 0 : i32
        %parallel_loop3A_34 = tpu.memref_slice %arg10[%parallel_loop3A_32, %parallel_loop3A_33] : memref<10112x64xf32, #tpu.memory_space<vmem_shared>> -> memref<10112x64xf32, #tpu.memory_space<vmem_shared>>
        tpu.enqueue_indirect_dma source(%arg8 : memref<80x64xf32, #tpu.memory_space<vmem>>) target(%parallel_loop3A_34 : memref<10112x64xf32, #tpu.memory_space<vmem_shared>>) offsets(%parallel_loop3A_31 : memref<80xi32, #tpu.memory_space<vmem>>) semaphore(%parallel_loop3A_28 : memref<!tpu.dma_semaphore, #tpu.memory_space<semaphore_mem>>) {add = true}
        %parallel_loop3A_35 = arith.constant 0 : i32
        %parallel_loop3A_36 = tpu.memref_slice %arg7[%parallel_loop3A_15, %parallel_loop3A_35] : memref<125x80xi32, #tpu.memory_space<vmem>> -> memref<1x80xi32, #tpu.memory_space<vmem>>
        %parallel_loop3A_37 = tpu.memref_squeeze %parallel_loop3A_36 : memref<1x80xi32, #tpu.memory_space<vmem>> -> memref<80xi32, #tpu.memory_space<vmem>>
        %parallel_loop3A_38 = arith.constant 0 : i32
        %parallel_loop3A_39 = arith.constant 0 : i32
        %parallel_loop3A_40 = tpu.memref_slice %arg10[%parallel_loop3A_38, %parallel_loop3A_39] : memref<10112x64xf32, #tpu.memory_space<vmem_shared>> -> memref<10112x64xf32, #tpu.memory_space<vmem_shared>>
        tpu.wait_indirect_dma semaphore(%parallel_loop3A_28 : memref<!tpu.dma_semaphore, #tpu.memory_space<semaphore_mem>>) src(%arg8 : memref<80x64xf32, #tpu.memory_space<vmem>>) dst(%parallel_loop3A_40 : memref<10112x64xf32, #tpu.memory_space<vmem_shared>>)
        tpu.yield
      }) : () -> ()
    } {sc.loop_unroll_factor = 2 : i64, sc.parallel_access}
    %barrier3A_10 = arith.constant 0 : index
    tpu.barrier barrier_id(%barrier3A_10)
    %mul3A_11 = arith.constant 632 : i32
    %mul3A_12 = arith.muli %arg1, %mul3A_11 : i32
    %mul3A_13 = arith.constant 632 : i32
    %mul3A_14 = arith.muli %arg1, %mul3A_13 : i32
    "tpu.region"() ({
      %run_scoped3A = tpu.sem_alloc : memref<!tpu.dma_semaphore, #tpu.memory_space<semaphore_mem>>
      %dma_start3A = arith.constant 0 : i32
      %dma_start3A_15 = tpu.memref_slice %arg5[%arg0, %mul3A_14, %dma_start3A] : memref<2x10112x64xf32, #tpu.memory_space<hbm>> -> memref<1x632x64xf32, #tpu.memory_space<hbm>>
      %dma_start3A_16 = tpu.memref_squeeze %dma_start3A_15 : memref<1x632x64xf32, #tpu.memory_space<hbm>> -> memref<632x64xf32, #tpu.memory_space<hbm>>
      %dma_start3A_17 = arith.constant 0 : i32
      %dma_start3A_18 = tpu.memref_slice %arg10[%mul3A_12, %dma_start3A_17] : memref<10112x64xf32, #tpu.memory_space<vmem_shared>> -> memref<632x64xf32, #tpu.memory_space<vmem_shared>>
      tpu.enqueue_dma source(%dma_start3A_18 : memref<632x64xf32, #tpu.memory_space<vmem_shared>>) target(%dma_start3A_16 : memref<632x64xf32, #tpu.memory_space<hbm>>) target_semaphore(%run_scoped3A : memref<!tpu.dma_semaphore, #tpu.memory_space<semaphore_mem>>)
      %dma_wait3A = arith.constant 0 : i32
      %dma_wait3A_19 = tpu.memref_slice %arg5[%arg0, %mul3A_14, %dma_wait3A] : memref<2x10112x64xf32, #tpu.memory_space<hbm>> -> memref<1x632x64xf32, #tpu.memory_space<hbm>>
      %dma_wait3A_20 = tpu.memref_squeeze %dma_wait3A_19 : memref<1x632x64xf32, #tpu.memory_space<hbm>> -> memref<632x64xf32, #tpu.memory_space<hbm>>
      %dma_wait3A_21 = arith.constant 0 : i32
      %dma_wait3A_22 = tpu.memref_slice %arg10[%mul3A_12, %dma_wait3A_21] : memref<10112x64xf32, #tpu.memory_space<vmem_shared>> -> memref<632x64xf32, #tpu.memory_space<vmem_shared>>
      tpu.wait_dma2 semaphore(%run_scoped3A : memref<!tpu.dma_semaphore, #tpu.memory_space<semaphore_mem>>) src(%dma_wait3A_22 : memref<632x64xf32, #tpu.memory_space<vmem_shared>>) dst(%dma_wait3A_20 : memref<632x64xf32, #tpu.memory_space<hbm>>)
      tpu.yield
    }) : () -> ()
    return
  }
}

#map = affine_map<(d0, d1) -> (0, 0, 0)>
module attributes {stable_mosaic.version = 14 : i64} {
  func.func @_sc_degree(%arg0: i32, %arg1: i32, %arg2: memref<32x125x80xi32, #tpu.memory_space<hbm>>, %arg3: memref<2x10112x16xf32, #tpu.memory_space<hbm>>, %arg4: memref<125x80xi32, #tpu.memory_space<vmem>>, %arg5: memref<80x16xf32, #tpu.memory_space<vmem>>, %arg6: memref<632x16xf32, #tpu.memory_space<vmem>>, %arg7: memref<10112x16xf32, #tpu.memory_space<vmem_shared>>) attributes {dimension_semantics = [#tpu.dimension_semantics<core_parallel>, #tpu.dimension_semantics<subcore_parallel>], iteration_bounds = array<i64: 2, 16>, scalar_prefetch = 0 : i64, scratch_operands = 4 : i64, tpu.core_type = #tpu.core_type<sc_vector_subcore>, window_params = [{transform_indices = #map}, {transform_indices = #map}]} {
    %mul3A = arith.constant 16 : i32
    %mul3A_0 = arith.muli %arg0, %mul3A : i32
    %add3A = arith.addi %mul3A_0, %arg1 : i32
    %scan3A = arith.constant 0 : i32
    %scan3A_1 = arith.constant 0 : i32
    %scan3A_2 = arith.constant 80 : i32
    %scan3A_3 = arith.addi %scan3A_1, %scan3A_2 : i32
    %scan3A_4 = arith.constant 1 : i32
    scf.for %scan3A_25 = %scan3A_1 to %scan3A_3 step %scan3A_4  : i32 {
      %broadcast_in_dim3A = arith.constant 1.000000e+00 : f32
      %broadcast_in_dim3A_26 = vector.broadcast %broadcast_in_dim3A : f32 to vector<16xf32>
      %swap3A = arith.index_cast %scan3A_25 : i32 to index
      %swap3A_27 = arith.constant 0 : index
      %swap3A_28 = tpu.vector_load %arg5[%swap3A, %swap3A_27] {strides = array<i32>} : memref<80x16xf32, #tpu.memory_space<vmem>>, vector<1x16xf32>,
      %swap3A_29 = vector.shape_cast %swap3A_28 : vector<1x16xf32> to vector<16xf32>
      %swap3A_30 = vector.shape_cast %broadcast_in_dim3A_26 : vector<16xf32> to vector<1x16xf32>
      tpu.vector_store %arg5[%swap3A, %swap3A_27], %swap3A_30 {strides = array<i32>} : memref<80x16xf32, #tpu.memory_space<vmem>>, vector<1x16xf32>,
    }
    %scan3A_5 = arith.constant 80 : i32
    %scan3A_6 = arith.constant 0 : i32
    %scan3A_7 = arith.constant 0 : i32
    %scan3A_8 = arith.constant 632 : i32
    %scan3A_9 = arith.addi %scan3A_7, %scan3A_8 : i32
    %scan3A_10 = arith.constant 1 : i32
    scf.for %scan3A_25 = %scan3A_7 to %scan3A_9 step %scan3A_10  : i32 {
      %broadcast_in_dim3A = arith.constant 0.000000e+00 : f32
      %broadcast_in_dim3A_26 = vector.broadcast %broadcast_in_dim3A : f32 to vector<16xf32>
      %swap3A = arith.index_cast %scan3A_25 : i32 to index
      %swap3A_27 = arith.constant 0 : index
      %swap3A_28 = tpu.vector_load %arg6[%swap3A, %swap3A_27] {strides = array<i32>} : memref<632x16xf32, #tpu.memory_space<vmem>>, vector<1x16xf32>,
      %swap3A_29 = vector.shape_cast %swap3A_28 : vector<1x16xf32> to vector<16xf32>
      %swap3A_30 = vector.shape_cast %broadcast_in_dim3A_26 : vector<16xf32> to vector<1x16xf32>
      tpu.vector_store %arg6[%swap3A, %swap3A_27], %swap3A_30 {strides = array<i32>} : memref<632x16xf32, #tpu.memory_space<vmem>>, vector<1x16xf32>,
    }
    %scan3A_11 = arith.constant 632 : i32
    %mul3A_12 = arith.constant 632 : i32
    %mul3A_13 = arith.muli %arg1, %mul3A_12 : i32
    "tpu.region"() ({
      %run_scoped3A = tpu.sem_alloc : memref<!tpu.dma_semaphore, #tpu.memory_space<semaphore_mem>>
      %dma_start3A = arith.constant 0 : i32
      %dma_start3A_25 = tpu.memref_slice %arg7[%mul3A_13, %dma_start3A] : memref<10112x16xf32, #tpu.memory_space<vmem_shared>> -> memref<632x16xf32, #tpu.memory_space<vmem_shared>>
      %dma_start3A_26 = arith.constant 0 : i32
      %dma_start3A_27 = tpu.memref_slice %arg7[%mul3A_13, %dma_start3A_26] : memref<10112x16xf32, #tpu.memory_space<vmem_shared>> -> memref<632x16xf32, #tpu.memory_space<vmem_shared>>
      tpu.enqueue_dma source(%arg6 : memref<632x16xf32, #tpu.memory_space<vmem>>) target(%dma_start3A_27 : memref<632x16xf32, #tpu.memory_space<vmem_shared>>) target_semaphore(%run_scoped3A : memref<!tpu.dma_semaphore, #tpu.memory_space<semaphore_mem>>)
      %dma_wait3A = arith.constant 0 : i32
      %dma_wait3A_28 = tpu.memref_slice %arg7[%mul3A_13, %dma_wait3A] : memref<10112x16xf32, #tpu.memory_space<vmem_shared>> -> memref<632x16xf32, #tpu.memory_space<vmem_shared>>
      %dma_wait3A_29 = arith.constant 0 : i32
      %dma_wait3A_30 = tpu.memref_slice %arg7[%mul3A_13, %dma_wait3A_29] : memref<10112x16xf32, #tpu.memory_space<vmem_shared>> -> memref<632x16xf32, #tpu.memory_space<vmem_shared>>
      tpu.wait_dma2 semaphore(%run_scoped3A : memref<!tpu.dma_semaphore, #tpu.memory_space<semaphore_mem>>) src(%arg6 : memref<632x16xf32, #tpu.memory_space<vmem>>) dst(%dma_wait3A_30 : memref<632x16xf32, #tpu.memory_space<vmem_shared>>)
      tpu.yield
    }) : () -> ()
    "tpu.region"() ({
      %run_scoped3A = tpu.sem_alloc : memref<!tpu.dma_semaphore, #tpu.memory_space<semaphore_mem>>
      %dma_start3A = arith.constant 0 : i32
      %dma_start3A_25 = arith.constant 0 : i32
      %dma_start3A_26 = tpu.memref_slice %arg2[%add3A, %dma_start3A, %dma_start3A_25] : memref<32x125x80xi32, #tpu.memory_space<hbm>> -> memref<1x125x80xi32, #tpu.memory_space<hbm>>
      %dma_start3A_27 = tpu.memref_squeeze %dma_start3A_26 : memref<1x125x80xi32, #tpu.memory_space<hbm>> -> memref<125x80xi32, #tpu.memory_space<hbm>>
      %dma_start3A_28 = arith.constant 0 : i32
      %dma_start3A_29 = arith.constant 0 : i32
      %dma_start3A_30 = tpu.memref_slice %arg2[%add3A, %dma_start3A_28, %dma_start3A_29] : memref<32x125x80xi32, #tpu.memory_space<hbm>> -> memref<1x125x80xi32, #tpu.memory_space<hbm>>
      %dma_start3A_31 = tpu.memref_squeeze %dma_start3A_30 : memref<1x125x80xi32, #tpu.memory_space<hbm>> -> memref<125x80xi32, #tpu.memory_space<hbm>>
      tpu.enqueue_dma source(%dma_start3A_31 : memref<125x80xi32, #tpu.memory_space<hbm>>) target(%arg4 : memref<125x80xi32, #tpu.memory_space<vmem>>) target_semaphore(%run_scoped3A : memref<!tpu.dma_semaphore, #tpu.memory_space<semaphore_mem>>)
      %dma_wait3A = arith.constant 0 : i32
      %dma_wait3A_32 = arith.constant 0 : i32
      %dma_wait3A_33 = tpu.memref_slice %arg2[%add3A, %dma_wait3A, %dma_wait3A_32] : memref<32x125x80xi32, #tpu.memory_space<hbm>> -> memref<1x125x80xi32, #tpu.memory_space<hbm>>
      %dma_wait3A_34 = tpu.memref_squeeze %dma_wait3A_33 : memref<1x125x80xi32, #tpu.memory_space<hbm>> -> memref<125x80xi32, #tpu.memory_space<hbm>>
      %dma_wait3A_35 = arith.constant 0 : i32
      %dma_wait3A_36 = arith.constant 0 : i32
      %dma_wait3A_37 = tpu.memref_slice %arg2[%add3A, %dma_wait3A_35, %dma_wait3A_36] : memref<32x125x80xi32, #tpu.memory_space<hbm>> -> memref<1x125x80xi32, #tpu.memory_space<hbm>>
      %dma_wait3A_38 = tpu.memref_squeeze %dma_wait3A_37 : memref<1x125x80xi32, #tpu.memory_space<hbm>> -> memref<125x80xi32, #tpu.memory_space<hbm>>
      tpu.wait_dma2 semaphore(%run_scoped3A : memref<!tpu.dma_semaphore, #tpu.memory_space<semaphore_mem>>) src(%dma_wait3A_38 : memref<125x80xi32, #tpu.memory_space<hbm>>) dst(%arg4 : memref<125x80xi32, #tpu.memory_space<vmem>>)
      tpu.yield
    }) : () -> ()
    %barrier3A = arith.constant 0 : index
    tpu.barrier barrier_id(%barrier3A)
    %scan3A_14 = arith.constant 0 : i32
    %scan3A_15 = arith.constant 0 : i32
    %scan3A_16 = arith.constant 125 : i32
    %scan3A_17 = arith.addi %scan3A_15, %scan3A_16 : i32
    %scan3A_18 = arith.constant 1 : i32
    scf.for %scan3A_25 = %scan3A_15 to %scan3A_17 step %scan3A_18  : i32 {
      "tpu.region"() ({
        %run_scoped3A = tpu.sem_alloc : memref<!tpu.dma_semaphore, #tpu.memory_space<semaphore_mem>>
        %dma_start3A = arith.constant 0 : i32
        %dma_start3A_26 = tpu.memref_slice %arg4[%scan3A_25, %dma_start3A] : memref<125x80xi32, #tpu.memory_space<vmem>> -> memref<1x80xi32, #tpu.memory_space<vmem>>
        %dma_start3A_27 = tpu.memref_squeeze %dma_start3A_26 : memref<1x80xi32, #tpu.memory_space<vmem>> -> memref<80xi32, #tpu.memory_space<vmem>>
        %dma_start3A_28 = arith.constant 0 : i32
        %dma_start3A_29 = arith.constant 0 : i32
        %dma_start3A_30 = tpu.memref_slice %arg7[%dma_start3A_28, %dma_start3A_29] : memref<10112x16xf32, #tpu.memory_space<vmem_shared>> -> memref<10112x16xf32, #tpu.memory_space<vmem_shared>>
        tpu.enqueue_indirect_dma source(%arg5 : memref<80x16xf32, #tpu.memory_space<vmem>>) target(%dma_start3A_30 : memref<10112x16xf32, #tpu.memory_space<vmem_shared>>) offsets(%dma_start3A_27 : memref<80xi32, #tpu.memory_space<vmem>>) semaphore(%run_scoped3A : memref<!tpu.dma_semaphore, #tpu.memory_space<semaphore_mem>>) {add = true}
        %dma_wait3A = arith.constant 0 : i32
        %dma_wait3A_31 = tpu.memref_slice %arg4[%scan3A_25, %dma_wait3A] : memref<125x80xi32, #tpu.memory_space<vmem>> -> memref<1x80xi32, #tpu.memory_space<vmem>>
        %dma_wait3A_32 = tpu.memref_squeeze %dma_wait3A_31 : memref<1x80xi32, #tpu.memory_space<vmem>> -> memref<80xi32, #tpu.memory_space<vmem>>
        %dma_wait3A_33 = arith.constant 0 : i32
        %dma_wait3A_34 = arith.constant 0 : i32
        %dma_wait3A_35 = tpu.memref_slice %arg7[%dma_wait3A_33, %dma_wait3A_34] : memref<10112x16xf32, #tpu.memory_space<vmem_shared>> -> memref<10112x16xf32, #tpu.memory_space<vmem_shared>>
        tpu.wait_indirect_dma semaphore(%run_scoped3A : memref<!tpu.dma_semaphore, #tpu.memory_space<semaphore_mem>>) src(%arg5 : memref<80x16xf32, #tpu.memory_space<vmem>>) dst(%dma_wait3A_35 : memref<10112x16xf32, #tpu.memory_space<vmem_shared>>)
        tpu.yield
      }) : () -> ()
    }
    %scan3A_19 = arith.constant 125 : i32
    %barrier3A_20 = arith.constant 0 : index
    tpu.barrier barrier_id(%barrier3A_20)
    %mul3A_21 = arith.constant 632 : i32
    %mul3A_22 = arith.muli %arg1, %mul3A_21 : i32
    %mul3A_23 = arith.constant 632 : i32
    %mul3A_24 = arith.muli %arg1, %mul3A_23 : i32
    "tpu.region"() ({
      %run_scoped3A = tpu.sem_alloc : memref<!tpu.dma_semaphore, #tpu.memory_space<semaphore_mem>>
      %dma_start3A = arith.constant 0 : i32
      %dma_start3A_25 = tpu.memref_slice %arg3[%arg0, %mul3A_24, %dma_start3A] : memref<2x10112x16xf32, #tpu.memory_space<hbm>> -> memref<1x632x16xf32, #tpu.memory_space<hbm>>
      %dma_start3A_26 = tpu.memref_squeeze %dma_start3A_25 : memref<1x632x16xf32, #tpu.memory_space<hbm>> -> memref<632x16xf32, #tpu.memory_space<hbm>>
      %dma_start3A_27 = arith.constant 0 : i32
      %dma_start3A_28 = tpu.memref_slice %arg7[%mul3A_22, %dma_start3A_27] : memref<10112x16xf32, #tpu.memory_space<vmem_shared>> -> memref<632x16xf32, #tpu.memory_space<vmem_shared>>
      tpu.enqueue_dma source(%dma_start3A_28 : memref<632x16xf32, #tpu.memory_space<vmem_shared>>) target(%dma_start3A_26 : memref<632x16xf32, #tpu.memory_space<hbm>>) target_semaphore(%run_scoped3A : memref<!tpu.dma_semaphore, #tpu.memory_space<semaphore_mem>>)
      %dma_wait3A = arith.constant 0 : i32
      %dma_wait3A_29 = tpu.memref_slice %arg3[%arg0, %mul3A_24, %dma_wait3A] : memref<2x10112x16xf32, #tpu.memory_space<hbm>> -> memref<1x632x16xf32, #tpu.memory_space<hbm>>
      %dma_wait3A_30 = tpu.memref_squeeze %dma_wait3A_29 : memref<1x632x16xf32, #tpu.memory_space<hbm>> -> memref<632x16xf32, #tpu.memory_space<hbm>>
      %dma_wait3A_31 = arith.constant 0 : i32
      %dma_wait3A_32 = tpu.memref_slice %arg7[%mul3A_22, %dma_wait3A_31] : memref<10112x16xf32, #tpu.memory_space<vmem_shared>> -> memref<632x16xf32, #tpu.memory_space<vmem_shared>>
      tpu.wait_dma2 semaphore(%run_scoped3A : memref<!tpu.dma_semaphore, #tpu.memory_space<semaphore_mem>>) src(%dma_wait3A_32 : memref<632x16xf32, #tpu.memory_space<vmem_shared>>) dst(%dma_wait3A_30 : memref<632x16xf32, #tpu.memory_space<hbm>>)
      tpu.yield
    }) : () -> ()
    return
  }
}

#map = affine_map<(d0, d1) -> (0, 0)>
#map1 = affine_map<(d0, d1) -> (0, 0, 0)>
module attributes {stable_mosaic.version = 14 : i64} {
  func.func @_sc_gather_scatter(%arg0: i32, %arg1: i32, %arg2: memref<10000x64xf32, #tpu.memory_space<hbm>>, %arg3: memref<32x125x80xi32, #tpu.memory_space<hbm>>, %arg4: memref<32x125x80xi32, #tpu.memory_space<hbm>>, %arg5: memref<2x10112x64xf32, #tpu.memory_space<hbm>>, %arg6: memref<125x80xi32, #tpu.memory_space<vmem>>, %arg7: memref<125x80xi32, #tpu.memory_space<vmem>>, %arg8: memref<80x64xf32, #tpu.memory_space<vmem>>, %arg9: memref<632x64xf32, #tpu.memory_space<vmem>>, %arg10: memref<10112x64xf32, #tpu.memory_space<vmem_shared>>, %arg11: memref<!tpu.dma_semaphore, #tpu.memory_space<semaphore_mem>>) attributes {dimension_semantics = [#tpu.dimension_semantics<core_parallel>, #tpu.dimension_semantics<subcore_parallel>], iteration_bounds = array<i64: 2, 16>, scalar_prefetch = 0 : i64, scratch_operands = 6 : i64, tpu.core_type = #tpu.core_type<sc_vector_subcore>, window_params = [{transform_indices = #map}, {transform_indices = #map1}, {transform_indices = #map1}, {transform_indices = #map1}]} {
    %mul3A = arith.constant 16 : i32
    %mul3A_0 = arith.muli %arg0, %mul3A : i32
    %add3A = arith.addi %mul3A_0, %arg1 : i32
    %scan3A = arith.constant 0 : i32
    %scan3A_1 = arith.constant 0 : i32
    %scan3A_2 = arith.constant 632 : i32
    %scan3A_3 = arith.addi %scan3A_1, %scan3A_2 : i32
    %scan3A_4 = arith.constant 1 : i32
    scf.for %scan3A_15 = %scan3A_1 to %scan3A_3 step %scan3A_4  : i32 {
      %broadcast_in_dim3A = arith.constant 0.000000e+00 : f32
      %broadcast_in_dim3A_16 = vector.broadcast %broadcast_in_dim3A : f32 to vector<16xf32>
      %swap3A = arith.index_cast %scan3A_15 : i32 to index
      %swap3A_17 = arith.constant 0 : index
      %swap3A_18 = tpu.vector_load %arg9[%swap3A, %swap3A_17] {strides = array<i32>} : memref<632x64xf32, #tpu.memory_space<vmem>>, vector<1x16xf32>,
      %swap3A_19 = vector.shape_cast %swap3A_18 : vector<1x16xf32> to vector<16xf32>
      %swap3A_20 = vector.shape_cast %broadcast_in_dim3A_16 : vector<16xf32> to vector<1x16xf32>
      tpu.vector_store %arg9[%swap3A, %swap3A_17], %swap3A_20 {strides = array<i32>} : memref<632x64xf32, #tpu.memory_space<vmem>>, vector<1x16xf32>,
      %broadcast_in_dim3A_21 = arith.constant 0.000000e+00 : f32
      %broadcast_in_dim3A_22 = vector.broadcast %broadcast_in_dim3A_21 : f32 to vector<16xf32>
      %swap3A_23 = arith.index_cast %scan3A_15 : i32 to index
      %swap3A_24 = arith.constant 16 : index
      %swap3A_25 = tpu.vector_load %arg9[%swap3A_23, %swap3A_24] {strides = array<i32>} : memref<632x64xf32, #tpu.memory_space<vmem>>, vector<1x16xf32>,
      %swap3A_26 = vector.shape_cast %swap3A_25 : vector<1x16xf32> to vector<16xf32>
      %swap3A_27 = vector.shape_cast %broadcast_in_dim3A_22 : vector<16xf32> to vector<1x16xf32>
      tpu.vector_store %arg9[%swap3A_23, %swap3A_24], %swap3A_27 {strides = array<i32>} : memref<632x64xf32, #tpu.memory_space<vmem>>, vector<1x16xf32>,
      %broadcast_in_dim3A_28 = arith.constant 0.000000e+00 : f32
      %broadcast_in_dim3A_29 = vector.broadcast %broadcast_in_dim3A_28 : f32 to vector<16xf32>
      %swap3A_30 = arith.index_cast %scan3A_15 : i32 to index
      %swap3A_31 = arith.constant 32 : index
      %swap3A_32 = tpu.vector_load %arg9[%swap3A_30, %swap3A_31] {strides = array<i32>} : memref<632x64xf32, #tpu.memory_space<vmem>>, vector<1x16xf32>,
      %swap3A_33 = vector.shape_cast %swap3A_32 : vector<1x16xf32> to vector<16xf32>
      %swap3A_34 = vector.shape_cast %broadcast_in_dim3A_29 : vector<16xf32> to vector<1x16xf32>
      tpu.vector_store %arg9[%swap3A_30, %swap3A_31], %swap3A_34 {strides = array<i32>} : memref<632x64xf32, #tpu.memory_space<vmem>>, vector<1x16xf32>,
      %broadcast_in_dim3A_35 = arith.constant 0.000000e+00 : f32
      %broadcast_in_dim3A_36 = vector.broadcast %broadcast_in_dim3A_35 : f32 to vector<16xf32>
      %swap3A_37 = arith.index_cast %scan3A_15 : i32 to index
      %swap3A_38 = arith.constant 48 : index
      %swap3A_39 = tpu.vector_load %arg9[%swap3A_37, %swap3A_38] {strides = array<i32>} : memref<632x64xf32, #tpu.memory_space<vmem>>, vector<1x16xf32>,
      %swap3A_40 = vector.shape_cast %swap3A_39 : vector<1x16xf32> to vector<16xf32>
      %swap3A_41 = vector.shape_cast %broadcast_in_dim3A_36 : vector<16xf32> to vector<1x16xf32>
      tpu.vector_store %arg9[%swap3A_37, %swap3A_38], %swap3A_41 {strides = array<i32>} : memref<632x64xf32, #tpu.memory_space<vmem>>, vector<1x16xf32>,
    }
    %scan3A_5 = arith.constant 632 : i32
    %mul3A_6 = arith.constant 632 : i32
    %mul3A_7 = arith.muli %arg1, %mul3A_6 : i32
    "tpu.region"() ({
      %run_scoped3A = tpu.sem_alloc : memref<!tpu.dma_semaphore, #tpu.memory_space<semaphore_mem>>
      %dma_start3A = arith.constant 0 : i32
      %dma_start3A_15 = tpu.memref_slice %arg10[%mul3A_7, %dma_start3A] : memref<10112x64xf32, #tpu.memory_space<vmem_shared>> -> memref<632x64xf32, #tpu.memory_space<vmem_shared>>
      %dma_start3A_16 = arith.constant 0 : i32
      %dma_start3A_17 = tpu.memref_slice %arg10[%mul3A_7, %dma_start3A_16] : memref<10112x64xf32, #tpu.memory_space<vmem_shared>> -> memref<632x64xf32, #tpu.memory_space<vmem_shared>>
      tpu.enqueue_dma source(%arg9 : memref<632x64xf32, #tpu.memory_space<vmem>>) target(%dma_start3A_17 : memref<632x64xf32, #tpu.memory_space<vmem_shared>>) target_semaphore(%run_scoped3A : memref<!tpu.dma_semaphore, #tpu.memory_space<semaphore_mem>>)
      %dma_wait3A = arith.constant 0 : i32
      %dma_wait3A_18 = tpu.memref_slice %arg10[%mul3A_7, %dma_wait3A] : memref<10112x64xf32, #tpu.memory_space<vmem_shared>> -> memref<632x64xf32, #tpu.memory_space<vmem_shared>>
      %dma_wait3A_19 = arith.constant 0 : i32
      %dma_wait3A_20 = tpu.memref_slice %arg10[%mul3A_7, %dma_wait3A_19] : memref<10112x64xf32, #tpu.memory_space<vmem_shared>> -> memref<632x64xf32, #tpu.memory_space<vmem_shared>>
      tpu.wait_dma2 semaphore(%run_scoped3A : memref<!tpu.dma_semaphore, #tpu.memory_space<semaphore_mem>>) src(%arg9 : memref<632x64xf32, #tpu.memory_space<vmem>>) dst(%dma_wait3A_20 : memref<632x64xf32, #tpu.memory_space<vmem_shared>>)
      tpu.yield
    }) : () -> ()
    "tpu.region"() ({
      %run_scoped3A = tpu.sem_alloc : memref<!tpu.dma_semaphore, #tpu.memory_space<semaphore_mem>>
      %dma_start3A = arith.constant 0 : i32
      %dma_start3A_15 = arith.constant 0 : i32
      %dma_start3A_16 = tpu.memref_slice %arg3[%add3A, %dma_start3A, %dma_start3A_15] : memref<32x125x80xi32, #tpu.memory_space<hbm>> -> memref<1x125x80xi32, #tpu.memory_space<hbm>>
      %dma_start3A_17 = tpu.memref_squeeze %dma_start3A_16 : memref<1x125x80xi32, #tpu.memory_space<hbm>> -> memref<125x80xi32, #tpu.memory_space<hbm>>
      %dma_start3A_18 = arith.constant 0 : i32
      %dma_start3A_19 = arith.constant 0 : i32
      %dma_start3A_20 = tpu.memref_slice %arg3[%add3A, %dma_start3A_18, %dma_start3A_19] : memref<32x125x80xi32, #tpu.memory_space<hbm>> -> memref<1x125x80xi32, #tpu.memory_space<hbm>>
      %dma_start3A_21 = tpu.memref_squeeze %dma_start3A_20 : memref<1x125x80xi32, #tpu.memory_space<hbm>> -> memref<125x80xi32, #tpu.memory_space<hbm>>
      tpu.enqueue_dma source(%dma_start3A_21 : memref<125x80xi32, #tpu.memory_space<hbm>>) target(%arg6 : memref<125x80xi32, #tpu.memory_space<vmem>>) target_semaphore(%run_scoped3A : memref<!tpu.dma_semaphore, #tpu.memory_space<semaphore_mem>>)
      %dma_wait3A = arith.constant 0 : i32
      %dma_wait3A_22 = arith.constant 0 : i32
      %dma_wait3A_23 = tpu.memref_slice %arg3[%add3A, %dma_wait3A, %dma_wait3A_22] : memref<32x125x80xi32, #tpu.memory_space<hbm>> -> memref<1x125x80xi32, #tpu.memory_space<hbm>>
      %dma_wait3A_24 = tpu.memref_squeeze %dma_wait3A_23 : memref<1x125x80xi32, #tpu.memory_space<hbm>> -> memref<125x80xi32, #tpu.memory_space<hbm>>
      %dma_wait3A_25 = arith.constant 0 : i32
      %dma_wait3A_26 = arith.constant 0 : i32
      %dma_wait3A_27 = tpu.memref_slice %arg3[%add3A, %dma_wait3A_25, %dma_wait3A_26] : memref<32x125x80xi32, #tpu.memory_space<hbm>> -> memref<1x125x80xi32, #tpu.memory_space<hbm>>
      %dma_wait3A_28 = tpu.memref_squeeze %dma_wait3A_27 : memref<1x125x80xi32, #tpu.memory_space<hbm>> -> memref<125x80xi32, #tpu.memory_space<hbm>>
      tpu.wait_dma2 semaphore(%run_scoped3A : memref<!tpu.dma_semaphore, #tpu.memory_space<semaphore_mem>>) src(%dma_wait3A_28 : memref<125x80xi32, #tpu.memory_space<hbm>>) dst(%arg6 : memref<125x80xi32, #tpu.memory_space<vmem>>)
      tpu.yield
    }) : () -> ()
    "tpu.region"() ({
      %run_scoped3A = tpu.sem_alloc : memref<!tpu.dma_semaphore, #tpu.memory_space<semaphore_mem>>
      %dma_start3A = arith.constant 0 : i32
      %dma_start3A_15 = arith.constant 0 : i32
      %dma_start3A_16 = tpu.memref_slice %arg4[%add3A, %dma_start3A, %dma_start3A_15] : memref<32x125x80xi32, #tpu.memory_space<hbm>> -> memref<1x125x80xi32, #tpu.memory_space<hbm>>
      %dma_start3A_17 = tpu.memref_squeeze %dma_start3A_16 : memref<1x125x80xi32, #tpu.memory_space<hbm>> -> memref<125x80xi32, #tpu.memory_space<hbm>>
      %dma_start3A_18 = arith.constant 0 : i32
      %dma_start3A_19 = arith.constant 0 : i32
      %dma_start3A_20 = tpu.memref_slice %arg4[%add3A, %dma_start3A_18, %dma_start3A_19] : memref<32x125x80xi32, #tpu.memory_space<hbm>> -> memref<1x125x80xi32, #tpu.memory_space<hbm>>
      %dma_start3A_21 = tpu.memref_squeeze %dma_start3A_20 : memref<1x125x80xi32, #tpu.memory_space<hbm>> -> memref<125x80xi32, #tpu.memory_space<hbm>>
      tpu.enqueue_dma source(%dma_start3A_21 : memref<125x80xi32, #tpu.memory_space<hbm>>) target(%arg7 : memref<125x80xi32, #tpu.memory_space<vmem>>) target_semaphore(%run_scoped3A : memref<!tpu.dma_semaphore, #tpu.memory_space<semaphore_mem>>)
      %dma_wait3A = arith.constant 0 : i32
      %dma_wait3A_22 = arith.constant 0 : i32
      %dma_wait3A_23 = tpu.memref_slice %arg4[%add3A, %dma_wait3A, %dma_wait3A_22] : memref<32x125x80xi32, #tpu.memory_space<hbm>> -> memref<1x125x80xi32, #tpu.memory_space<hbm>>
      %dma_wait3A_24 = tpu.memref_squeeze %dma_wait3A_23 : memref<1x125x80xi32, #tpu.memory_space<hbm>> -> memref<125x80xi32, #tpu.memory_space<hbm>>
      %dma_wait3A_25 = arith.constant 0 : i32
      %dma_wait3A_26 = arith.constant 0 : i32
      %dma_wait3A_27 = tpu.memref_slice %arg4[%add3A, %dma_wait3A_25, %dma_wait3A_26] : memref<32x125x80xi32, #tpu.memory_space<hbm>> -> memref<1x125x80xi32, #tpu.memory_space<hbm>>
      %dma_wait3A_28 = tpu.memref_squeeze %dma_wait3A_27 : memref<1x125x80xi32, #tpu.memory_space<hbm>> -> memref<125x80xi32, #tpu.memory_space<hbm>>
      tpu.wait_dma2 semaphore(%run_scoped3A : memref<!tpu.dma_semaphore, #tpu.memory_space<semaphore_mem>>) src(%dma_wait3A_28 : memref<125x80xi32, #tpu.memory_space<hbm>>) dst(%arg7 : memref<125x80xi32, #tpu.memory_space<vmem>>)
      tpu.yield
    }) : () -> ()
    %barrier3A = arith.constant 0 : index
    tpu.barrier barrier_id(%barrier3A)
    %parallel_loop3A = arith.constant 0 : i32
    %parallel_loop3A_8 = arith.constant 125 : i32
    %parallel_loop3A_9 = arith.constant 1 : i32
    scf.for %parallel_loop3A_15 = %parallel_loop3A to %parallel_loop3A_8 step %parallel_loop3A_9  : i32 {
      %parallel_loop3A_16 = arith.constant 0 : i32
      %parallel_loop3A_17 = tpu.memref_slice %arg6[%parallel_loop3A_15, %parallel_loop3A_16] : memref<125x80xi32, #tpu.memory_space<vmem>> -> memref<1x80xi32, #tpu.memory_space<vmem>>
      %parallel_loop3A_18 = tpu.memref_squeeze %parallel_loop3A_17 : memref<1x80xi32, #tpu.memory_space<vmem>> -> memref<80xi32, #tpu.memory_space<vmem>>
      %parallel_loop3A_19 = arith.constant 0 : i32
      %parallel_loop3A_20 = arith.constant 0 : i32
      %parallel_loop3A_21 = tpu.memref_slice %arg2[%parallel_loop3A_19, %parallel_loop3A_20] : memref<10000x64xf32, #tpu.memory_space<hbm>> -> memref<10000x64xf32, #tpu.memory_space<hbm>>
      tpu.enqueue_indirect_dma source(%parallel_loop3A_21 : memref<10000x64xf32, #tpu.memory_space<hbm>>) target(%arg8 : memref<80x64xf32, #tpu.memory_space<vmem>>) offsets(%parallel_loop3A_18 : memref<80xi32, #tpu.memory_space<vmem>>) semaphore(%arg11 : memref<!tpu.dma_semaphore, #tpu.memory_space<semaphore_mem>>)
      %parallel_loop3A_22 = arith.constant 0 : i32
      %parallel_loop3A_23 = tpu.memref_slice %arg6[%parallel_loop3A_15, %parallel_loop3A_22] : memref<125x80xi32, #tpu.memory_space<vmem>> -> memref<1x80xi32, #tpu.memory_space<vmem>>
      %parallel_loop3A_24 = tpu.memref_squeeze %parallel_loop3A_23 : memref<1x80xi32, #tpu.memory_space<vmem>> -> memref<80xi32, #tpu.memory_space<vmem>>
      %parallel_loop3A_25 = arith.constant 0 : i32
      %parallel_loop3A_26 = arith.constant 0 : i32
      %parallel_loop3A_27 = tpu.memref_slice %arg2[%parallel_loop3A_25, %parallel_loop3A_26] : memref<10000x64xf32, #tpu.memory_space<hbm>> -> memref<10000x64xf32, #tpu.memory_space<hbm>>
      tpu.wait_indirect_dma semaphore(%arg11 : memref<!tpu.dma_semaphore, #tpu.memory_space<semaphore_mem>>) src(%parallel_loop3A_27 : memref<10000x64xf32, #tpu.memory_space<hbm>>) dst(%arg8 : memref<80x64xf32, #tpu.memory_space<vmem>>)
      "tpu.region"() ({
        %parallel_loop3A_28 = tpu.sem_alloc : memref<!tpu.dma_semaphore, #tpu.memory_space<semaphore_mem>>
        %parallel_loop3A_29 = arith.constant 0 : i32
        %parallel_loop3A_30 = tpu.memref_slice %arg7[%parallel_loop3A_15, %parallel_loop3A_29] : memref<125x80xi32, #tpu.memory_space<vmem>> -> memref<1x80xi32, #tpu.memory_space<vmem>>
        %parallel_loop3A_31 = tpu.memref_squeeze %parallel_loop3A_30 : memref<1x80xi32, #tpu.memory_space<vmem>> -> memref<80xi32, #tpu.memory_space<vmem>>
        %parallel_loop3A_32 = arith.constant 0 : i32
        %parallel_loop3A_33 = arith.constant 0 : i32
        %parallel_loop3A_34 = tpu.memref_slice %arg10[%parallel_loop3A_32, %parallel_loop3A_33] : memref<10112x64xf32, #tpu.memory_space<vmem_shared>> -> memref<10112x64xf32, #tpu.memory_space<vmem_shared>>
        tpu.enqueue_indirect_dma source(%arg8 : memref<80x64xf32, #tpu.memory_space<vmem>>) target(%parallel_loop3A_34 : memref<10112x64xf32, #tpu.memory_space<vmem_shared>>) offsets(%parallel_loop3A_31 : memref<80xi32, #tpu.memory_space<vmem>>) semaphore(%parallel_loop3A_28 : memref<!tpu.dma_semaphore, #tpu.memory_space<semaphore_mem>>) {add = true}
        %parallel_loop3A_35 = arith.constant 0 : i32
        %parallel_loop3A_36 = tpu.memref_slice %arg7[%parallel_loop3A_15, %parallel_loop3A_35] : memref<125x80xi32, #tpu.memory_space<vmem>> -> memref<1x80xi32, #tpu.memory_space<vmem>>
        %parallel_loop3A_37 = tpu.memref_squeeze %parallel_loop3A_36 : memref<1x80xi32, #tpu.memory_space<vmem>> -> memref<80xi32, #tpu.memory_space<vmem>>
        %parallel_loop3A_38 = arith.constant 0 : i32
        %parallel_loop3A_39 = arith.constant 0 : i32
        %parallel_loop3A_40 = tpu.memref_slice %arg10[%parallel_loop3A_38, %parallel_loop3A_39] : memref<10112x64xf32, #tpu.memory_space<vmem_shared>> -> memref<10112x64xf32, #tpu.memory_space<vmem_shared>>
        tpu.wait_indirect_dma semaphore(%parallel_loop3A_28 : memref<!tpu.dma_semaphore, #tpu.memory_space<semaphore_mem>>) src(%arg8 : memref<80x64xf32, #tpu.memory_space<vmem>>) dst(%parallel_loop3A_40 : memref<10112x64xf32, #tpu.memory_space<vmem_shared>>)
        tpu.yield
      }) : () -> ()
    } {sc.loop_unroll_factor = 2 : i64, sc.parallel_access}
    %barrier3A_10 = arith.constant 0 : index
    tpu.barrier barrier_id(%barrier3A_10)
    %mul3A_11 = arith.constant 632 : i32
    %mul3A_12 = arith.muli %arg1, %mul3A_11 : i32
    %mul3A_13 = arith.constant 632 : i32
    %mul3A_14 = arith.muli %arg1, %mul3A_13 : i32
    "tpu.region"() ({
      %run_scoped3A = tpu.sem_alloc : memref<!tpu.dma_semaphore, #tpu.memory_space<semaphore_mem>>
      %dma_start3A = arith.constant 0 : i32
      %dma_start3A_15 = tpu.memref_slice %arg5[%arg0, %mul3A_14, %dma_start3A] : memref<2x10112x64xf32, #tpu.memory_space<hbm>> -> memref<1x632x64xf32, #tpu.memory_space<hbm>>
      %dma_start3A_16 = tpu.memref_squeeze %dma_start3A_15 : memref<1x632x64xf32, #tpu.memory_space<hbm>> -> memref<632x64xf32, #tpu.memory_space<hbm>>
      %dma_start3A_17 = arith.constant 0 : i32
      %dma_start3A_18 = tpu.memref_slice %arg10[%mul3A_12, %dma_start3A_17] : memref<10112x64xf32, #tpu.memory_space<vmem_shared>> -> memref<632x64xf32, #tpu.memory_space<vmem_shared>>
      tpu.enqueue_dma source(%dma_start3A_18 : memref<632x64xf32, #tpu.memory_space<vmem_shared>>) target(%dma_start3A_16 : memref<632x64xf32, #tpu.memory_space<hbm>>) target_semaphore(%run_scoped3A : memref<!tpu.dma_semaphore, #tpu.memory_space<semaphore_mem>>)
      %dma_wait3A = arith.constant 0 : i32
      %dma_wait3A_19 = tpu.memref_slice %arg5[%arg0, %mul3A_14, %dma_wait3A] : memref<2x10112x64xf32, #tpu.memory_space<hbm>> -> memref<1x632x64xf32, #tpu.memory_space<hbm>>
      %dma_wait3A_20 = tpu.memref_squeeze %dma_wait3A_19 : memref<1x632x64xf32, #tpu.memory_space<hbm>> -> memref<632x64xf32, #tpu.memory_space<hbm>>
      %dma_wait3A_21 = arith.constant 0 : i32
      %dma_wait3A_22 = tpu.memref_slice %arg10[%mul3A_12, %dma_wait3A_21] : memref<10112x64xf32, #tpu.memory_space<vmem_shared>> -> memref<632x64xf32, #tpu.memory_space<vmem_shared>>
      tpu.wait_dma2 semaphore(%run_scoped3A : memref<!tpu.dma_semaphore, #tpu.memory_space<semaphore_mem>>) src(%dma_wait3A_22 : memref<632x64xf32, #tpu.memory_space<vmem_shared>>) dst(%dma_wait3A_20 : memref<632x64xf32, #tpu.memory_space<hbm>>)
      tpu.yield
    }) : () -> ()
    return
  }
}

#map = affine_map<(d0, d1) -> (0, 0)>
#map1 = affine_map<(d0, d1) -> (0, 0, 0)>
module attributes {stable_mosaic.version = 14 : i64} {
  func.func @_sc_gather_scatter(%arg0: i32, %arg1: i32, %arg2: memref<10000x64xf32, #tpu.memory_space<hbm>>, %arg3: memref<32x125x80xi32, #tpu.memory_space<hbm>>, %arg4: memref<32x125x80xi32, #tpu.memory_space<hbm>>, %arg5: memref<2x10112x64xf32, #tpu.memory_space<hbm>>, %arg6: memref<125x80xi32, #tpu.memory_space<vmem>>, %arg7: memref<125x80xi32, #tpu.memory_space<vmem>>, %arg8: memref<80x64xf32, #tpu.memory_space<vmem>>, %arg9: memref<632x64xf32, #tpu.memory_space<vmem>>, %arg10: memref<10112x64xf32, #tpu.memory_space<vmem_shared>>, %arg11: memref<!tpu.dma_semaphore, #tpu.memory_space<semaphore_mem>>) attributes {dimension_semantics = [#tpu.dimension_semantics<core_parallel>, #tpu.dimension_semantics<subcore_parallel>], iteration_bounds = array<i64: 2, 16>, scalar_prefetch = 0 : i64, scratch_operands = 6 : i64, tpu.core_type = #tpu.core_type<sc_vector_subcore>, window_params = [{transform_indices = #map}, {transform_indices = #map1}, {transform_indices = #map1}, {transform_indices = #map1}]} {
    %mul3A = arith.constant 16 : i32
    %mul3A_0 = arith.muli %arg0, %mul3A : i32
    %add3A = arith.addi %mul3A_0, %arg1 : i32
    %scan3A = arith.constant 0 : i32
    %scan3A_1 = arith.constant 0 : i32
    %scan3A_2 = arith.constant 632 : i32
    %scan3A_3 = arith.addi %scan3A_1, %scan3A_2 : i32
    %scan3A_4 = arith.constant 1 : i32
    scf.for %scan3A_15 = %scan3A_1 to %scan3A_3 step %scan3A_4  : i32 {
      %broadcast_in_dim3A = arith.constant 0.000000e+00 : f32
      %broadcast_in_dim3A_16 = vector.broadcast %broadcast_in_dim3A : f32 to vector<16xf32>
      %swap3A = arith.index_cast %scan3A_15 : i32 to index
      %swap3A_17 = arith.constant 0 : index
      %swap3A_18 = tpu.vector_load %arg9[%swap3A, %swap3A_17] {strides = array<i32>} : memref<632x64xf32, #tpu.memory_space<vmem>>, vector<1x16xf32>,
      %swap3A_19 = vector.shape_cast %swap3A_18 : vector<1x16xf32> to vector<16xf32>
      %swap3A_20 = vector.shape_cast %broadcast_in_dim3A_16 : vector<16xf32> to vector<1x16xf32>
      tpu.vector_store %arg9[%swap3A, %swap3A_17], %swap3A_20 {strides = array<i32>} : memref<632x64xf32, #tpu.memory_space<vmem>>, vector<1x16xf32>,
      %broadcast_in_dim3A_21 = arith.constant 0.000000e+00 : f32
      %broadcast_in_dim3A_22 = vector.broadcast %broadcast_in_dim3A_21 : f32 to vector<16xf32>
      %swap3A_23 = arith.index_cast %scan3A_15 : i32 to index
      %swap3A_24 = arith.constant 16 : index
      %swap3A_25 = tpu.vector_load %arg9[%swap3A_23, %swap3A_24] {strides = array<i32>} : memref<632x64xf32, #tpu.memory_space<vmem>>, vector<1x16xf32>,
      %swap3A_26 = vector.shape_cast %swap3A_25 : vector<1x16xf32> to vector<16xf32>
      %swap3A_27 = vector.shape_cast %broadcast_in_dim3A_22 : vector<16xf32> to vector<1x16xf32>
      tpu.vector_store %arg9[%swap3A_23, %swap3A_24], %swap3A_27 {strides = array<i32>} : memref<632x64xf32, #tpu.memory_space<vmem>>, vector<1x16xf32>,
      %broadcast_in_dim3A_28 = arith.constant 0.000000e+00 : f32
      %broadcast_in_dim3A_29 = vector.broadcast %broadcast_in_dim3A_28 : f32 to vector<16xf32>
      %swap3A_30 = arith.index_cast %scan3A_15 : i32 to index
      %swap3A_31 = arith.constant 32 : index
      %swap3A_32 = tpu.vector_load %arg9[%swap3A_30, %swap3A_31] {strides = array<i32>} : memref<632x64xf32, #tpu.memory_space<vmem>>, vector<1x16xf32>,
      %swap3A_33 = vector.shape_cast %swap3A_32 : vector<1x16xf32> to vector<16xf32>
      %swap3A_34 = vector.shape_cast %broadcast_in_dim3A_29 : vector<16xf32> to vector<1x16xf32>
      tpu.vector_store %arg9[%swap3A_30, %swap3A_31], %swap3A_34 {strides = array<i32>} : memref<632x64xf32, #tpu.memory_space<vmem>>, vector<1x16xf32>,
      %broadcast_in_dim3A_35 = arith.constant 0.000000e+00 : f32
      %broadcast_in_dim3A_36 = vector.broadcast %broadcast_in_dim3A_35 : f32 to vector<16xf32>
      %swap3A_37 = arith.index_cast %scan3A_15 : i32 to index
      %swap3A_38 = arith.constant 48 : index
      %swap3A_39 = tpu.vector_load %arg9[%swap3A_37, %swap3A_38] {strides = array<i32>} : memref<632x64xf32, #tpu.memory_space<vmem>>, vector<1x16xf32>,
      %swap3A_40 = vector.shape_cast %swap3A_39 : vector<1x16xf32> to vector<16xf32>
      %swap3A_41 = vector.shape_cast %broadcast_in_dim3A_36 : vector<16xf32> to vector<1x16xf32>
      tpu.vector_store %arg9[%swap3A_37, %swap3A_38], %swap3A_41 {strides = array<i32>} : memref<632x64xf32, #tpu.memory_space<vmem>>, vector<1x16xf32>,
    }
    %scan3A_5 = arith.constant 632 : i32
    %mul3A_6 = arith.constant 632 : i32
    %mul3A_7 = arith.muli %arg1, %mul3A_6 : i32
    "tpu.region"() ({
      %run_scoped3A = tpu.sem_alloc : memref<!tpu.dma_semaphore, #tpu.memory_space<semaphore_mem>>
      %dma_start3A = arith.constant 0 : i32
      %dma_start3A_15 = tpu.memref_slice %arg10[%mul3A_7, %dma_start3A] : memref<10112x64xf32, #tpu.memory_space<vmem_shared>> -> memref<632x64xf32, #tpu.memory_space<vmem_shared>>
      %dma_start3A_16 = arith.constant 0 : i32
      %dma_start3A_17 = tpu.memref_slice %arg10[%mul3A_7, %dma_start3A_16] : memref<10112x64xf32, #tpu.memory_space<vmem_shared>> -> memref<632x64xf32, #tpu.memory_space<vmem_shared>>
      tpu.enqueue_dma source(%arg9 : memref<632x64xf32, #tpu.memory_space<vmem>>) target(%dma_start3A_17 : memref<632x64xf32, #tpu.memory_space<vmem_shared>>) target_semaphore(%run_scoped3A : memref<!tpu.dma_semaphore, #tpu.memory_space<semaphore_mem>>)
      %dma_wait3A = arith.constant 0 : i32
      %dma_wait3A_18 = tpu.memref_slice %arg10[%mul3A_7, %dma_wait3A] : memref<10112x64xf32, #tpu.memory_space<vmem_shared>> -> memref<632x64xf32, #tpu.memory_space<vmem_shared>>
      %dma_wait3A_19 = arith.constant 0 : i32
      %dma_wait3A_20 = tpu.memref_slice %arg10[%mul3A_7, %dma_wait3A_19] : memref<10112x64xf32, #tpu.memory_space<vmem_shared>> -> memref<632x64xf32, #tpu.memory_space<vmem_shared>>
      tpu.wait_dma2 semaphore(%run_scoped3A : memref<!tpu.dma_semaphore, #tpu.memory_space<semaphore_mem>>) src(%arg9 : memref<632x64xf32, #tpu.memory_space<vmem>>) dst(%dma_wait3A_20 : memref<632x64xf32, #tpu.memory_space<vmem_shared>>)
      tpu.yield
    }) : () -> ()
    "tpu.region"() ({
      %run_scoped3A = tpu.sem_alloc : memref<!tpu.dma_semaphore, #tpu.memory_space<semaphore_mem>>
      %dma_start3A = arith.constant 0 : i32
      %dma_start3A_15 = arith.constant 0 : i32
      %dma_start3A_16 = tpu.memref_slice %arg3[%add3A, %dma_start3A, %dma_start3A_15] : memref<32x125x80xi32, #tpu.memory_space<hbm>> -> memref<1x125x80xi32, #tpu.memory_space<hbm>>
      %dma_start3A_17 = tpu.memref_squeeze %dma_start3A_16 : memref<1x125x80xi32, #tpu.memory_space<hbm>> -> memref<125x80xi32, #tpu.memory_space<hbm>>
      %dma_start3A_18 = arith.constant 0 : i32
      %dma_start3A_19 = arith.constant 0 : i32
      %dma_start3A_20 = tpu.memref_slice %arg3[%add3A, %dma_start3A_18, %dma_start3A_19] : memref<32x125x80xi32, #tpu.memory_space<hbm>> -> memref<1x125x80xi32, #tpu.memory_space<hbm>>
      %dma_start3A_21 = tpu.memref_squeeze %dma_start3A_20 : memref<1x125x80xi32, #tpu.memory_space<hbm>> -> memref<125x80xi32, #tpu.memory_space<hbm>>
      tpu.enqueue_dma source(%dma_start3A_21 : memref<125x80xi32, #tpu.memory_space<hbm>>) target(%arg6 : memref<125x80xi32, #tpu.memory_space<vmem>>) target_semaphore(%run_scoped3A : memref<!tpu.dma_semaphore, #tpu.memory_space<semaphore_mem>>)
      %dma_wait3A = arith.constant 0 : i32
      %dma_wait3A_22 = arith.constant 0 : i32
      %dma_wait3A_23 = tpu.memref_slice %arg3[%add3A, %dma_wait3A, %dma_wait3A_22] : memref<32x125x80xi32, #tpu.memory_space<hbm>> -> memref<1x125x80xi32, #tpu.memory_space<hbm>>
      %dma_wait3A_24 = tpu.memref_squeeze %dma_wait3A_23 : memref<1x125x80xi32, #tpu.memory_space<hbm>> -> memref<125x80xi32, #tpu.memory_space<hbm>>
      %dma_wait3A_25 = arith.constant 0 : i32
      %dma_wait3A_26 = arith.constant 0 : i32
      %dma_wait3A_27 = tpu.memref_slice %arg3[%add3A, %dma_wait3A_25, %dma_wait3A_26] : memref<32x125x80xi32, #tpu.memory_space<hbm>> -> memref<1x125x80xi32, #tpu.memory_space<hbm>>
      %dma_wait3A_28 = tpu.memref_squeeze %dma_wait3A_27 : memref<1x125x80xi32, #tpu.memory_space<hbm>> -> memref<125x80xi32, #tpu.memory_space<hbm>>
      tpu.wait_dma2 semaphore(%run_scoped3A : memref<!tpu.dma_semaphore, #tpu.memory_space<semaphore_mem>>) src(%dma_wait3A_28 : memref<125x80xi32, #tpu.memory_space<hbm>>) dst(%arg6 : memref<125x80xi32, #tpu.memory_space<vmem>>)
      tpu.yield
    }) : () -> ()
    "tpu.region"() ({
      %run_scoped3A = tpu.sem_alloc : memref<!tpu.dma_semaphore, #tpu.memory_space<semaphore_mem>>
      %dma_start3A = arith.constant 0 : i32
      %dma_start3A_15 = arith.constant 0 : i32
      %dma_start3A_16 = tpu.memref_slice %arg4[%add3A, %dma_start3A, %dma_start3A_15] : memref<32x125x80xi32, #tpu.memory_space<hbm>> -> memref<1x125x80xi32, #tpu.memory_space<hbm>>
      %dma_start3A_17 = tpu.memref_squeeze %dma_start3A_16 : memref<1x125x80xi32, #tpu.memory_space<hbm>> -> memref<125x80xi32, #tpu.memory_space<hbm>>
      %dma_start3A_18 = arith.constant 0 : i32
      %dma_start3A_19 = arith.constant 0 : i32
      %dma_start3A_20 = tpu.memref_slice %arg4[%add3A, %dma_start3A_18, %dma_start3A_19] : memref<32x125x80xi32, #tpu.memory_space<hbm>> -> memref<1x125x80xi32, #tpu.memory_space<hbm>>
      %dma_start3A_21 = tpu.memref_squeeze %dma_start3A_20 : memref<1x125x80xi32, #tpu.memory_space<hbm>> -> memref<125x80xi32, #tpu.memory_space<hbm>>
      tpu.enqueue_dma source(%dma_start3A_21 : memref<125x80xi32, #tpu.memory_space<hbm>>) target(%arg7 : memref<125x80xi32, #tpu.memory_space<vmem>>) target_semaphore(%run_scoped3A : memref<!tpu.dma_semaphore, #tpu.memory_space<semaphore_mem>>)
      %dma_wait3A = arith.constant 0 : i32
      %dma_wait3A_22 = arith.constant 0 : i32
      %dma_wait3A_23 = tpu.memref_slice %arg4[%add3A, %dma_wait3A, %dma_wait3A_22] : memref<32x125x80xi32, #tpu.memory_space<hbm>> -> memref<1x125x80xi32, #tpu.memory_space<hbm>>
      %dma_wait3A_24 = tpu.memref_squeeze %dma_wait3A_23 : memref<1x125x80xi32, #tpu.memory_space<hbm>> -> memref<125x80xi32, #tpu.memory_space<hbm>>
      %dma_wait3A_25 = arith.constant 0 : i32
      %dma_wait3A_26 = arith.constant 0 : i32
      %dma_wait3A_27 = tpu.memref_slice %arg4[%add3A, %dma_wait3A_25, %dma_wait3A_26] : memref<32x125x80xi32, #tpu.memory_space<hbm>> -> memref<1x125x80xi32, #tpu.memory_space<hbm>>
      %dma_wait3A_28 = tpu.memref_squeeze %dma_wait3A_27 : memref<1x125x80xi32, #tpu.memory_space<hbm>> -> memref<125x80xi32, #tpu.memory_space<hbm>>
      tpu.wait_dma2 semaphore(%run_scoped3A : memref<!tpu.dma_semaphore, #tpu.memory_space<semaphore_mem>>) src(%dma_wait3A_28 : memref<125x80xi32, #tpu.memory_space<hbm>>) dst(%arg7 : memref<125x80xi32, #tpu.memory_space<vmem>>)
      tpu.yield
    }) : () -> ()
    %barrier3A = arith.constant 0 : index
    tpu.barrier barrier_id(%barrier3A)
    %parallel_loop3A = arith.constant 0 : i32
    %parallel_loop3A_8 = arith.constant 125 : i32
    %parallel_loop3A_9 = arith.constant 1 : i32
    scf.for %parallel_loop3A_15 = %parallel_loop3A to %parallel_loop3A_8 step %parallel_loop3A_9  : i32 {
      %parallel_loop3A_16 = arith.constant 0 : i32
      %parallel_loop3A_17 = tpu.memref_slice %arg6[%parallel_loop3A_15, %parallel_loop3A_16] : memref<125x80xi32, #tpu.memory_space<vmem>> -> memref<1x80xi32, #tpu.memory_space<vmem>>
      %parallel_loop3A_18 = tpu.memref_squeeze %parallel_loop3A_17 : memref<1x80xi32, #tpu.memory_space<vmem>> -> memref<80xi32, #tpu.memory_space<vmem>>
      %parallel_loop3A_19 = arith.constant 0 : i32
      %parallel_loop3A_20 = arith.constant 0 : i32
      %parallel_loop3A_21 = tpu.memref_slice %arg2[%parallel_loop3A_19, %parallel_loop3A_20] : memref<10000x64xf32, #tpu.memory_space<hbm>> -> memref<10000x64xf32, #tpu.memory_space<hbm>>
      tpu.enqueue_indirect_dma source(%parallel_loop3A_21 : memref<10000x64xf32, #tpu.memory_space<hbm>>) target(%arg8 : memref<80x64xf32, #tpu.memory_space<vmem>>) offsets(%parallel_loop3A_18 : memref<80xi32, #tpu.memory_space<vmem>>) semaphore(%arg11 : memref<!tpu.dma_semaphore, #tpu.memory_space<semaphore_mem>>)
      %parallel_loop3A_22 = arith.constant 0 : i32
      %parallel_loop3A_23 = tpu.memref_slice %arg6[%parallel_loop3A_15, %parallel_loop3A_22] : memref<125x80xi32, #tpu.memory_space<vmem>> -> memref<1x80xi32, #tpu.memory_space<vmem>>
      %parallel_loop3A_24 = tpu.memref_squeeze %parallel_loop3A_23 : memref<1x80xi32, #tpu.memory_space<vmem>> -> memref<80xi32, #tpu.memory_space<vmem>>
      %parallel_loop3A_25 = arith.constant 0 : i32
      %parallel_loop3A_26 = arith.constant 0 : i32
      %parallel_loop3A_27 = tpu.memref_slice %arg2[%parallel_loop3A_25, %parallel_loop3A_26] : memref<10000x64xf32, #tpu.memory_space<hbm>> -> memref<10000x64xf32, #tpu.memory_space<hbm>>
      tpu.wait_indirect_dma semaphore(%arg11 : memref<!tpu.dma_semaphore, #tpu.memory_space<semaphore_mem>>) src(%parallel_loop3A_27 : memref<10000x64xf32, #tpu.memory_space<hbm>>) dst(%arg8 : memref<80x64xf32, #tpu.memory_space<vmem>>)
      "tpu.region"() ({
        %parallel_loop3A_28 = tpu.sem_alloc : memref<!tpu.dma_semaphore, #tpu.memory_space<semaphore_mem>>
        %parallel_loop3A_29 = arith.constant 0 : i32
        %parallel_loop3A_30 = tpu.memref_slice %arg7[%parallel_loop3A_15, %parallel_loop3A_29] : memref<125x80xi32, #tpu.memory_space<vmem>> -> memref<1x80xi32, #tpu.memory_space<vmem>>
        %parallel_loop3A_31 = tpu.memref_squeeze %parallel_loop3A_30 : memref<1x80xi32, #tpu.memory_space<vmem>> -> memref<80xi32, #tpu.memory_space<vmem>>
        %parallel_loop3A_32 = arith.constant 0 : i32
        %parallel_loop3A_33 = arith.constant 0 : i32
        %parallel_loop3A_34 = tpu.memref_slice %arg10[%parallel_loop3A_32, %parallel_loop3A_33] : memref<10112x64xf32, #tpu.memory_space<vmem_shared>> -> memref<10112x64xf32, #tpu.memory_space<vmem_shared>>
        tpu.enqueue_indirect_dma source(%arg8 : memref<80x64xf32, #tpu.memory_space<vmem>>) target(%parallel_loop3A_34 : memref<10112x64xf32, #tpu.memory_space<vmem_shared>>) offsets(%parallel_loop3A_31 : memref<80xi32, #tpu.memory_space<vmem>>) semaphore(%parallel_loop3A_28 : memref<!tpu.dma_semaphore, #tpu.memory_space<semaphore_mem>>) {add = true}
        %parallel_loop3A_35 = arith.constant 0 : i32
        %parallel_loop3A_36 = tpu.memref_slice %arg7[%parallel_loop3A_15, %parallel_loop3A_35] : memref<125x80xi32, #tpu.memory_space<vmem>> -> memref<1x80xi32, #tpu.memory_space<vmem>>
        %parallel_loop3A_37 = tpu.memref_squeeze %parallel_loop3A_36 : memref<1x80xi32, #tpu.memory_space<vmem>> -> memref<80xi32, #tpu.memory_space<vmem>>
        %parallel_loop3A_38 = arith.constant 0 : i32
        %parallel_loop3A_39 = arith.constant 0 : i32
        %parallel_loop3A_40 = tpu.memref_slice %arg10[%parallel_loop3A_38, %parallel_loop3A_39] : memref<10112x64xf32, #tpu.memory_space<vmem_shared>> -> memref<10112x64xf32, #tpu.memory_space<vmem_shared>>
        tpu.wait_indirect_dma semaphore(%parallel_loop3A_28 : memref<!tpu.dma_semaphore, #tpu.memory_space<semaphore_mem>>) src(%arg8 : memref<80x64xf32, #tpu.memory_space<vmem>>) dst(%parallel_loop3A_40 : memref<10112x64xf32, #tpu.memory_space<vmem_shared>>)
        tpu.yield
      }) : () -> ()
    } {sc.loop_unroll_factor = 2 : i64, sc.parallel_access}
    %barrier3A_10 = arith.constant 0 : index
    tpu.barrier barrier_id(%barrier3A_10)
    %mul3A_11 = arith.constant 632 : i32
    %mul3A_12 = arith.muli %arg1, %mul3A_11 : i32
    %mul3A_13 = arith.constant 632 : i32
    %mul3A_14 = arith.muli %arg1, %mul3A_13 : i32
    "tpu.region"() ({
      %run_scoped3A = tpu.sem_alloc : memref<!tpu.dma_semaphore, #tpu.memory_space<semaphore_mem>>
      %dma_start3A = arith.constant 0 : i32
      %dma_start3A_15 = tpu.memref_slice %arg5[%arg0, %mul3A_14, %dma_start3A] : memref<2x10112x64xf32, #tpu.memory_space<hbm>> -> memref<1x632x64xf32, #tpu.memory_space<hbm>>
      %dma_start3A_16 = tpu.memref_squeeze %dma_start3A_15 : memref<1x632x64xf32, #tpu.memory_space<hbm>> -> memref<632x64xf32, #tpu.memory_space<hbm>>
      %dma_start3A_17 = arith.constant 0 : i32
      %dma_start3A_18 = tpu.memref_slice %arg10[%mul3A_12, %dma_start3A_17] : memref<10112x64xf32, #tpu.memory_space<vmem_shared>> -> memref<632x64xf32, #tpu.memory_space<vmem_shared>>
      tpu.enqueue_dma source(%dma_start3A_18 : memref<632x64xf32, #tpu.memory_space<vmem_shared>>) target(%dma_start3A_16 : memref<632x64xf32, #tpu.memory_space<hbm>>) target_semaphore(%run_scoped3A : memref<!tpu.dma_semaphore, #tpu.memory_space<semaphore_mem>>)
      %dma_wait3A = arith.constant 0 : i32
      %dma_wait3A_19 = tpu.memref_slice %arg5[%arg0, %mul3A_14, %dma_wait3A] : memref<2x10112x64xf32, #tpu.memory_space<hbm>> -> memref<1x632x64xf32, #tpu.memory_space<hbm>>
      %dma_wait3A_20 = tpu.memref_squeeze %dma_wait3A_19 : memref<1x632x64xf32, #tpu.memory_space<hbm>> -> memref<632x64xf32, #tpu.memory_space<hbm>>
      %dma_wait3A_21 = arith.constant 0 : i32
      %dma_wait3A_22 = tpu.memref_slice %arg10[%mul3A_12, %dma_wait3A_21] : memref<10112x64xf32, #tpu.memory_space<vmem_shared>> -> memref<632x64xf32, #tpu.memory_space<vmem_shared>>
      tpu.wait_dma2 semaphore(%run_scoped3A : memref<!tpu.dma_semaphore, #tpu.memory_space<semaphore_mem>>) src(%dma_wait3A_22 : memref<632x64xf32, #tpu.memory_space<vmem_shared>>) dst(%dma_wait3A_20 : memref<632x64xf32, #tpu.memory_space<hbm>>)
      tpu.yield
    }) : () -> ()
    return
  }
}

#map = affine_map<(d0, d1) -> (0, 0)>
#map1 = affine_map<(d0, d1) -> (0, 0, 0)>
module attributes {stable_mosaic.version = 14 : i64} {
  func.func @_sc_gather_scatter(%arg0: i32, %arg1: i32, %arg2: memref<10000x64xf32, #tpu.memory_space<hbm>>, %arg3: memref<32x125x80xi32, #tpu.memory_space<hbm>>, %arg4: memref<32x125x80xi32, #tpu.memory_space<hbm>>, %arg5: memref<2x10112x64xf32, #tpu.memory_space<hbm>>, %arg6: memref<125x80xi32, #tpu.memory_space<vmem>>, %arg7: memref<125x80xi32, #tpu.memory_space<vmem>>, %arg8: memref<80x64xf32, #tpu.memory_space<vmem>>, %arg9: memref<632x64xf32, #tpu.memory_space<vmem>>, %arg10: memref<10112x64xf32, #tpu.memory_space<vmem_shared>>, %arg11: memref<!tpu.dma_semaphore, #tpu.memory_space<semaphore_mem>>) attributes {dimension_semantics = [#tpu.dimension_semantics<core_parallel>, #tpu.dimension_semantics<subcore_parallel>], iteration_bounds = array<i64: 2, 16>, scalar_prefetch = 0 : i64, scratch_operands = 6 : i64, tpu.core_type = #tpu.core_type<sc_vector_subcore>, window_params = [{transform_indices = #map}, {transform_indices = #map1}, {transform_indices = #map1}, {transform_indices = #map1}]} {
    %mul3A = arith.constant 16 : i32
    %mul3A_0 = arith.muli %arg0, %mul3A : i32
    %add3A = arith.addi %mul3A_0, %arg1 : i32
    %scan3A = arith.constant 0 : i32
    %scan3A_1 = arith.constant 0 : i32
    %scan3A_2 = arith.constant 632 : i32
    %scan3A_3 = arith.addi %scan3A_1, %scan3A_2 : i32
    %scan3A_4 = arith.constant 1 : i32
    scf.for %scan3A_15 = %scan3A_1 to %scan3A_3 step %scan3A_4  : i32 {
      %broadcast_in_dim3A = arith.constant 0.000000e+00 : f32
      %broadcast_in_dim3A_16 = vector.broadcast %broadcast_in_dim3A : f32 to vector<16xf32>
      %swap3A = arith.index_cast %scan3A_15 : i32 to index
      %swap3A_17 = arith.constant 0 : index
      %swap3A_18 = tpu.vector_load %arg9[%swap3A, %swap3A_17] {strides = array<i32>} : memref<632x64xf32, #tpu.memory_space<vmem>>, vector<1x16xf32>,
      %swap3A_19 = vector.shape_cast %swap3A_18 : vector<1x16xf32> to vector<16xf32>
      %swap3A_20 = vector.shape_cast %broadcast_in_dim3A_16 : vector<16xf32> to vector<1x16xf32>
      tpu.vector_store %arg9[%swap3A, %swap3A_17], %swap3A_20 {strides = array<i32>} : memref<632x64xf32, #tpu.memory_space<vmem>>, vector<1x16xf32>,
      %broadcast_in_dim3A_21 = arith.constant 0.000000e+00 : f32
      %broadcast_in_dim3A_22 = vector.broadcast %broadcast_in_dim3A_21 : f32 to vector<16xf32>
      %swap3A_23 = arith.index_cast %scan3A_15 : i32 to index
      %swap3A_24 = arith.constant 16 : index
      %swap3A_25 = tpu.vector_load %arg9[%swap3A_23, %swap3A_24] {strides = array<i32>} : memref<632x64xf32, #tpu.memory_space<vmem>>, vector<1x16xf32>,
      %swap3A_26 = vector.shape_cast %swap3A_25 : vector<1x16xf32> to vector<16xf32>
      %swap3A_27 = vector.shape_cast %broadcast_in_dim3A_22 : vector<16xf32> to vector<1x16xf32>
      tpu.vector_store %arg9[%swap3A_23, %swap3A_24], %swap3A_27 {strides = array<i32>} : memref<632x64xf32, #tpu.memory_space<vmem>>, vector<1x16xf32>,
      %broadcast_in_dim3A_28 = arith.constant 0.000000e+00 : f32
      %broadcast_in_dim3A_29 = vector.broadcast %broadcast_in_dim3A_28 : f32 to vector<16xf32>
      %swap3A_30 = arith.index_cast %scan3A_15 : i32 to index
      %swap3A_31 = arith.constant 32 : index
      %swap3A_32 = tpu.vector_load %arg9[%swap3A_30, %swap3A_31] {strides = array<i32>} : memref<632x64xf32, #tpu.memory_space<vmem>>, vector<1x16xf32>,
      %swap3A_33 = vector.shape_cast %swap3A_32 : vector<1x16xf32> to vector<16xf32>
      %swap3A_34 = vector.shape_cast %broadcast_in_dim3A_29 : vector<16xf32> to vector<1x16xf32>
      tpu.vector_store %arg9[%swap3A_30, %swap3A_31], %swap3A_34 {strides = array<i32>} : memref<632x64xf32, #tpu.memory_space<vmem>>, vector<1x16xf32>,
      %broadcast_in_dim3A_35 = arith.constant 0.000000e+00 : f32
      %broadcast_in_dim3A_36 = vector.broadcast %broadcast_in_dim3A_35 : f32 to vector<16xf32>
      %swap3A_37 = arith.index_cast %scan3A_15 : i32 to index
      %swap3A_38 = arith.constant 48 : index
      %swap3A_39 = tpu.vector_load %arg9[%swap3A_37, %swap3A_38] {strides = array<i32>} : memref<632x64xf32, #tpu.memory_space<vmem>>, vector<1x16xf32>,
      %swap3A_40 = vector.shape_cast %swap3A_39 : vector<1x16xf32> to vector<16xf32>
      %swap3A_41 = vector.shape_cast %broadcast_in_dim3A_36 : vector<16xf32> to vector<1x16xf32>
      tpu.vector_store %arg9[%swap3A_37, %swap3A_38], %swap3A_41 {strides = array<i32>} : memref<632x64xf32, #tpu.memory_space<vmem>>, vector<1x16xf32>,
    }
    %scan3A_5 = arith.constant 632 : i32
    %mul3A_6 = arith.constant 632 : i32
    %mul3A_7 = arith.muli %arg1, %mul3A_6 : i32
    "tpu.region"() ({
      %run_scoped3A = tpu.sem_alloc : memref<!tpu.dma_semaphore, #tpu.memory_space<semaphore_mem>>
      %dma_start3A = arith.constant 0 : i32
      %dma_start3A_15 = tpu.memref_slice %arg10[%mul3A_7, %dma_start3A] : memref<10112x64xf32, #tpu.memory_space<vmem_shared>> -> memref<632x64xf32, #tpu.memory_space<vmem_shared>>
      %dma_start3A_16 = arith.constant 0 : i32
      %dma_start3A_17 = tpu.memref_slice %arg10[%mul3A_7, %dma_start3A_16] : memref<10112x64xf32, #tpu.memory_space<vmem_shared>> -> memref<632x64xf32, #tpu.memory_space<vmem_shared>>
      tpu.enqueue_dma source(%arg9 : memref<632x64xf32, #tpu.memory_space<vmem>>) target(%dma_start3A_17 : memref<632x64xf32, #tpu.memory_space<vmem_shared>>) target_semaphore(%run_scoped3A : memref<!tpu.dma_semaphore, #tpu.memory_space<semaphore_mem>>)
      %dma_wait3A = arith.constant 0 : i32
      %dma_wait3A_18 = tpu.memref_slice %arg10[%mul3A_7, %dma_wait3A] : memref<10112x64xf32, #tpu.memory_space<vmem_shared>> -> memref<632x64xf32, #tpu.memory_space<vmem_shared>>
      %dma_wait3A_19 = arith.constant 0 : i32
      %dma_wait3A_20 = tpu.memref_slice %arg10[%mul3A_7, %dma_wait3A_19] : memref<10112x64xf32, #tpu.memory_space<vmem_shared>> -> memref<632x64xf32, #tpu.memory_space<vmem_shared>>
      tpu.wait_dma2 semaphore(%run_scoped3A : memref<!tpu.dma_semaphore, #tpu.memory_space<semaphore_mem>>) src(%arg9 : memref<632x64xf32, #tpu.memory_space<vmem>>) dst(%dma_wait3A_20 : memref<632x64xf32, #tpu.memory_space<vmem_shared>>)
      tpu.yield
    }) : () -> ()
    "tpu.region"() ({
      %run_scoped3A = tpu.sem_alloc : memref<!tpu.dma_semaphore, #tpu.memory_space<semaphore_mem>>
      %dma_start3A = arith.constant 0 : i32
      %dma_start3A_15 = arith.constant 0 : i32
      %dma_start3A_16 = tpu.memref_slice %arg3[%add3A, %dma_start3A, %dma_start3A_15] : memref<32x125x80xi32, #tpu.memory_space<hbm>> -> memref<1x125x80xi32, #tpu.memory_space<hbm>>
      %dma_start3A_17 = tpu.memref_squeeze %dma_start3A_16 : memref<1x125x80xi32, #tpu.memory_space<hbm>> -> memref<125x80xi32, #tpu.memory_space<hbm>>
      %dma_start3A_18 = arith.constant 0 : i32
      %dma_start3A_19 = arith.constant 0 : i32
      %dma_start3A_20 = tpu.memref_slice %arg3[%add3A, %dma_start3A_18, %dma_start3A_19] : memref<32x125x80xi32, #tpu.memory_space<hbm>> -> memref<1x125x80xi32, #tpu.memory_space<hbm>>
      %dma_start3A_21 = tpu.memref_squeeze %dma_start3A_20 : memref<1x125x80xi32, #tpu.memory_space<hbm>> -> memref<125x80xi32, #tpu.memory_space<hbm>>
      tpu.enqueue_dma source(%dma_start3A_21 : memref<125x80xi32, #tpu.memory_space<hbm>>) target(%arg6 : memref<125x80xi32, #tpu.memory_space<vmem>>) target_semaphore(%run_scoped3A : memref<!tpu.dma_semaphore, #tpu.memory_space<semaphore_mem>>)
      %dma_wait3A = arith.constant 0 : i32
      %dma_wait3A_22 = arith.constant 0 : i32
      %dma_wait3A_23 = tpu.memref_slice %arg3[%add3A, %dma_wait3A, %dma_wait3A_22] : memref<32x125x80xi32, #tpu.memory_space<hbm>> -> memref<1x125x80xi32, #tpu.memory_space<hbm>>
      %dma_wait3A_24 = tpu.memref_squeeze %dma_wait3A_23 : memref<1x125x80xi32, #tpu.memory_space<hbm>> -> memref<125x80xi32, #tpu.memory_space<hbm>>
      %dma_wait3A_25 = arith.constant 0 : i32
      %dma_wait3A_26 = arith.constant 0 : i32
      %dma_wait3A_27 = tpu.memref_slice %arg3[%add3A, %dma_wait3A_25, %dma_wait3A_26] : memref<32x125x80xi32, #tpu.memory_space<hbm>> -> memref<1x125x80xi32, #tpu.memory_space<hbm>>
      %dma_wait3A_28 = tpu.memref_squeeze %dma_wait3A_27 : memref<1x125x80xi32, #tpu.memory_space<hbm>> -> memref<125x80xi32, #tpu.memory_space<hbm>>
      tpu.wait_dma2 semaphore(%run_scoped3A : memref<!tpu.dma_semaphore, #tpu.memory_space<semaphore_mem>>) src(%dma_wait3A_28 : memref<125x80xi32, #tpu.memory_space<hbm>>) dst(%arg6 : memref<125x80xi32, #tpu.memory_space<vmem>>)
      tpu.yield
    }) : () -> ()
    "tpu.region"() ({
      %run_scoped3A = tpu.sem_alloc : memref<!tpu.dma_semaphore, #tpu.memory_space<semaphore_mem>>
      %dma_start3A = arith.constant 0 : i32
      %dma_start3A_15 = arith.constant 0 : i32
      %dma_start3A_16 = tpu.memref_slice %arg4[%add3A, %dma_start3A, %dma_start3A_15] : memref<32x125x80xi32, #tpu.memory_space<hbm>> -> memref<1x125x80xi32, #tpu.memory_space<hbm>>
      %dma_start3A_17 = tpu.memref_squeeze %dma_start3A_16 : memref<1x125x80xi32, #tpu.memory_space<hbm>> -> memref<125x80xi32, #tpu.memory_space<hbm>>
      %dma_start3A_18 = arith.constant 0 : i32
      %dma_start3A_19 = arith.constant 0 : i32
      %dma_start3A_20 = tpu.memref_slice %arg4[%add3A, %dma_start3A_18, %dma_start3A_19] : memref<32x125x80xi32, #tpu.memory_space<hbm>> -> memref<1x125x80xi32, #tpu.memory_space<hbm>>
      %dma_start3A_21 = tpu.memref_squeeze %dma_start3A_20 : memref<1x125x80xi32, #tpu.memory_space<hbm>> -> memref<125x80xi32, #tpu.memory_space<hbm>>
      tpu.enqueue_dma source(%dma_start3A_21 : memref<125x80xi32, #tpu.memory_space<hbm>>) target(%arg7 : memref<125x80xi32, #tpu.memory_space<vmem>>) target_semaphore(%run_scoped3A : memref<!tpu.dma_semaphore, #tpu.memory_space<semaphore_mem>>)
      %dma_wait3A = arith.constant 0 : i32
      %dma_wait3A_22 = arith.constant 0 : i32
      %dma_wait3A_23 = tpu.memref_slice %arg4[%add3A, %dma_wait3A, %dma_wait3A_22] : memref<32x125x80xi32, #tpu.memory_space<hbm>> -> memref<1x125x80xi32, #tpu.memory_space<hbm>>
      %dma_wait3A_24 = tpu.memref_squeeze %dma_wait3A_23 : memref<1x125x80xi32, #tpu.memory_space<hbm>> -> memref<125x80xi32, #tpu.memory_space<hbm>>
      %dma_wait3A_25 = arith.constant 0 : i32
      %dma_wait3A_26 = arith.constant 0 : i32
      %dma_wait3A_27 = tpu.memref_slice %arg4[%add3A, %dma_wait3A_25, %dma_wait3A_26] : memref<32x125x80xi32, #tpu.memory_space<hbm>> -> memref<1x125x80xi32, #tpu.memory_space<hbm>>
      %dma_wait3A_28 = tpu.memref_squeeze %dma_wait3A_27 : memref<1x125x80xi32, #tpu.memory_space<hbm>> -> memref<125x80xi32, #tpu.memory_space<hbm>>
      tpu.wait_dma2 semaphore(%run_scoped3A : memref<!tpu.dma_semaphore, #tpu.memory_space<semaphore_mem>>) src(%dma_wait3A_28 : memref<125x80xi32, #tpu.memory_space<hbm>>) dst(%arg7 : memref<125x80xi32, #tpu.memory_space<vmem>>)
      tpu.yield
    }) : () -> ()
    %barrier3A = arith.constant 0 : index
    tpu.barrier barrier_id(%barrier3A)
    %parallel_loop3A = arith.constant 0 : i32
    %parallel_loop3A_8 = arith.constant 125 : i32
    %parallel_loop3A_9 = arith.constant 1 : i32
    scf.for %parallel_loop3A_15 = %parallel_loop3A to %parallel_loop3A_8 step %parallel_loop3A_9  : i32 {
      %parallel_loop3A_16 = arith.constant 0 : i32
      %parallel_loop3A_17 = tpu.memref_slice %arg6[%parallel_loop3A_15, %parallel_loop3A_16] : memref<125x80xi32, #tpu.memory_space<vmem>> -> memref<1x80xi32, #tpu.memory_space<vmem>>
      %parallel_loop3A_18 = tpu.memref_squeeze %parallel_loop3A_17 : memref<1x80xi32, #tpu.memory_space<vmem>> -> memref<80xi32, #tpu.memory_space<vmem>>
      %parallel_loop3A_19 = arith.constant 0 : i32
      %parallel_loop3A_20 = arith.constant 0 : i32
      %parallel_loop3A_21 = tpu.memref_slice %arg2[%parallel_loop3A_19, %parallel_loop3A_20] : memref<10000x64xf32, #tpu.memory_space<hbm>> -> memref<10000x64xf32, #tpu.memory_space<hbm>>
      tpu.enqueue_indirect_dma source(%parallel_loop3A_21 : memref<10000x64xf32, #tpu.memory_space<hbm>>) target(%arg8 : memref<80x64xf32, #tpu.memory_space<vmem>>) offsets(%parallel_loop3A_18 : memref<80xi32, #tpu.memory_space<vmem>>) semaphore(%arg11 : memref<!tpu.dma_semaphore, #tpu.memory_space<semaphore_mem>>)
      %parallel_loop3A_22 = arith.constant 0 : i32
      %parallel_loop3A_23 = tpu.memref_slice %arg6[%parallel_loop3A_15, %parallel_loop3A_22] : memref<125x80xi32, #tpu.memory_space<vmem>> -> memref<1x80xi32, #tpu.memory_space<vmem>>
      %parallel_loop3A_24 = tpu.memref_squeeze %parallel_loop3A_23 : memref<1x80xi32, #tpu.memory_space<vmem>> -> memref<80xi32, #tpu.memory_space<vmem>>
      %parallel_loop3A_25 = arith.constant 0 : i32
      %parallel_loop3A_26 = arith.constant 0 : i32
      %parallel_loop3A_27 = tpu.memref_slice %arg2[%parallel_loop3A_25, %parallel_loop3A_26] : memref<10000x64xf32, #tpu.memory_space<hbm>> -> memref<10000x64xf32, #tpu.memory_space<hbm>>
      tpu.wait_indirect_dma semaphore(%arg11 : memref<!tpu.dma_semaphore, #tpu.memory_space<semaphore_mem>>) src(%parallel_loop3A_27 : memref<10000x64xf32, #tpu.memory_space<hbm>>) dst(%arg8 : memref<80x64xf32, #tpu.memory_space<vmem>>)
      "tpu.region"() ({
        %parallel_loop3A_28 = tpu.sem_alloc : memref<!tpu.dma_semaphore, #tpu.memory_space<semaphore_mem>>
        %parallel_loop3A_29 = arith.constant 0 : i32
        %parallel_loop3A_30 = tpu.memref_slice %arg7[%parallel_loop3A_15, %parallel_loop3A_29] : memref<125x80xi32, #tpu.memory_space<vmem>> -> memref<1x80xi32, #tpu.memory_space<vmem>>
        %parallel_loop3A_31 = tpu.memref_squeeze %parallel_loop3A_30 : memref<1x80xi32, #tpu.memory_space<vmem>> -> memref<80xi32, #tpu.memory_space<vmem>>
        %parallel_loop3A_32 = arith.constant 0 : i32
        %parallel_loop3A_33 = arith.constant 0 : i32
        %parallel_loop3A_34 = tpu.memref_slice %arg10[%parallel_loop3A_32, %parallel_loop3A_33] : memref<10112x64xf32, #tpu.memory_space<vmem_shared>> -> memref<10112x64xf32, #tpu.memory_space<vmem_shared>>
        tpu.enqueue_indirect_dma source(%arg8 : memref<80x64xf32, #tpu.memory_space<vmem>>) target(%parallel_loop3A_34 : memref<10112x64xf32, #tpu.memory_space<vmem_shared>>) offsets(%parallel_loop3A_31 : memref<80xi32, #tpu.memory_space<vmem>>) semaphore(%parallel_loop3A_28 : memref<!tpu.dma_semaphore, #tpu.memory_space<semaphore_mem>>) {add = true}
        %parallel_loop3A_35 = arith.constant 0 : i32
        %parallel_loop3A_36 = tpu.memref_slice %arg7[%parallel_loop3A_15, %parallel_loop3A_35] : memref<125x80xi32, #tpu.memory_space<vmem>> -> memref<1x80xi32, #tpu.memory_space<vmem>>
        %parallel_loop3A_37 = tpu.memref_squeeze %parallel_loop3A_36 : memref<1x80xi32, #tpu.memory_space<vmem>> -> memref<80xi32, #tpu.memory_space<vmem>>
        %parallel_loop3A_38 = arith.constant 0 : i32
        %parallel_loop3A_39 = arith.constant 0 : i32
        %parallel_loop3A_40 = tpu.memref_slice %arg10[%parallel_loop3A_38, %parallel_loop3A_39] : memref<10112x64xf32, #tpu.memory_space<vmem_shared>> -> memref<10112x64xf32, #tpu.memory_space<vmem_shared>>
        tpu.wait_indirect_dma semaphore(%parallel_loop3A_28 : memref<!tpu.dma_semaphore, #tpu.memory_space<semaphore_mem>>) src(%arg8 : memref<80x64xf32, #tpu.memory_space<vmem>>) dst(%parallel_loop3A_40 : memref<10112x64xf32, #tpu.memory_space<vmem_shared>>)
        tpu.yield
      }) : () -> ()
    } {sc.loop_unroll_factor = 2 : i64, sc.parallel_access}
    %barrier3A_10 = arith.constant 0 : index
    tpu.barrier barrier_id(%barrier3A_10)
    %mul3A_11 = arith.constant 632 : i32
    %mul3A_12 = arith.muli %arg1, %mul3A_11 : i32
    %mul3A_13 = arith.constant 632 : i32
    %mul3A_14 = arith.muli %arg1, %mul3A_13 : i32
    "tpu.region"() ({
      %run_scoped3A = tpu.sem_alloc : memref<!tpu.dma_semaphore, #tpu.memory_space<semaphore_mem>>
      %dma_start3A = arith.constant 0 : i32
      %dma_start3A_15 = tpu.memref_slice %arg5[%arg0, %mul3A_14, %dma_start3A] : memref<2x10112x64xf32, #tpu.memory_space<hbm>> -> memref<1x632x64xf32, #tpu.memory_space<hbm>>
      %dma_start3A_16 = tpu.memref_squeeze %dma_start3A_15 : memref<1x632x64xf32, #tpu.memory_space<hbm>> -> memref<632x64xf32, #tpu.memory_space<hbm>>
      %dma_start3A_17 = arith.constant 0 : i32
      %dma_start3A_18 = tpu.memref_slice %arg10[%mul3A_12, %dma_start3A_17] : memref<10112x64xf32, #tpu.memory_space<vmem_shared>> -> memref<632x64xf32, #tpu.memory_space<vmem_shared>>
      tpu.enqueue_dma source(%dma_start3A_18 : memref<632x64xf32, #tpu.memory_space<vmem_shared>>) target(%dma_start3A_16 : memref<632x64xf32, #tpu.memory_space<hbm>>) target_semaphore(%run_scoped3A : memref<!tpu.dma_semaphore, #tpu.memory_space<semaphore_mem>>)
      %dma_wait3A = arith.constant 0 : i32
      %dma_wait3A_19 = tpu.memref_slice %arg5[%arg0, %mul3A_14, %dma_wait3A] : memref<2x10112x64xf32, #tpu.memory_space<hbm>> -> memref<1x632x64xf32, #tpu.memory_space<hbm>>
      %dma_wait3A_20 = tpu.memref_squeeze %dma_wait3A_19 : memref<1x632x64xf32, #tpu.memory_space<hbm>> -> memref<632x64xf32, #tpu.memory_space<hbm>>
      %dma_wait3A_21 = arith.constant 0 : i32
      %dma_wait3A_22 = tpu.memref_slice %arg10[%mul3A_12, %dma_wait3A_21] : memref<10112x64xf32, #tpu.memory_space<vmem_shared>> -> memref<632x64xf32, #tpu.memory_space<vmem_shared>>
      tpu.wait_dma2 semaphore(%run_scoped3A : memref<!tpu.dma_semaphore, #tpu.memory_space<semaphore_mem>>) src(%dma_wait3A_22 : memref<632x64xf32, #tpu.memory_space<vmem_shared>>) dst(%dma_wait3A_20 : memref<632x64xf32, #tpu.memory_space<hbm>>)
      tpu.yield
    }) : () -> ()
    return
  }
}

module attributes {stable_mosaic.version = 14 : i64} {
  func.func @_tc_mm1_body(%arg0: i32, %arg1: memref<2000x128xf32, #tpu.memory_space<vmem>>, %arg2: memref<128x64xf32, #tpu.memory_space<vmem>>, %arg3: memref<2000x64xf32, #tpu.memory_space<vmem>>) attributes {dimension_semantics = [#tpu.dimension_semantics<arbitrary>], iteration_bounds = array<i64: 5>, scalar_prefetch = 0 : i64, scratch_operands = 0 : i64, tpu.core_type = #tpu.core_type<tc>, window_params = [{transform_indices = @transform_0, window_bounds = array<i64: 2000, 128>}, {pipeline_mode = #tpu.pipeline_mode<synchronous>, transform_indices = @transform_1, window_bounds = array<i64: 128, 64>}, {transform_indices = @transform_2, window_bounds = array<i64: 2000, 64>}]} {
    %get3A = arith.constant 0 : index
    %get3A_0 = arith.constant 0 : index
    %get3A_1 = vector.load %arg1[%get3A, %get3A_0] : memref<2000x128xf32, #tpu.memory_space<vmem>>, vector<2000x128xf32>
    %get3A_2 = arith.constant 0 : index
    %get3A_3 = arith.constant 0 : index
    %get3A_4 = vector.load %arg2[%get3A_2, %get3A_3] : memref<128x64xf32, #tpu.memory_space<vmem>>, vector<128x64xf32>
    %dot_general3A = arith.constant dense<0.000000e+00> : vector<2000x64xf32>
    %dot_general3A_5 = tpu.matmul %get3A_1, %get3A_4, %dot_general3A {dimension_numbers = #tpu.dot_dimension_numbers<[1], [0], [0], [1], [0, 0, 1, 1], [], []>, transpose_lhs_hint = false} : vector<2000x128xf32>, vector<128x64xf32>, vector<2000x64xf32> -> vector<2000x64xf32>
    %swap3A = arith.constant 0 : index
    %swap3A_6 = arith.constant 0 : index
    %swap3A_7 = vector.load %arg3[%swap3A, %swap3A_6] : memref<2000x64xf32, #tpu.memory_space<vmem>>, vector<2000x64xf32>
    tpu.vector_store %arg3[%swap3A, %swap3A_6], %dot_general3A_5 {strides = array<i32>} : memref<2000x64xf32, #tpu.memory_space<vmem>>, vector<2000x64xf32>,
    return
  }
  func.func @transform_0(%arg0: i32) -> (i32, i32) {
    %c0_i32 = arith.constant 0 : i32
    %c0_i32_0 = arith.constant 0 : i32
    return %arg0, %c0_i32 : i32, i32
  }
  func.func @transform_1(%arg0: i32) -> (i32, i32) {
    %c0_i32 = arith.constant 0 : i32
    %c0_i32_0 = arith.constant 0 : i32
    %c0_i32_1 = arith.constant 0 : i32
    return %c0_i32, %c0_i32_0 : i32, i32
  }
  func.func @transform_2(%arg0: i32) -> (i32, i32) {
    %c0_i32 = arith.constant 0 : i32
    %c0_i32_0 = arith.constant 0 : i32
    return %arg0, %c0_i32 : i32, i32
  }
}

module attributes {stable_mosaic.version = 14 : i64} {
  func.func @_tc_scale_body(%arg0: i32, %arg1: memref<2x2000x16xf32, #tpu.memory_space<vmem>>, %arg2: memref<2000x64xf32, #tpu.memory_space<vmem>>, %arg3: memref<2000x64xf32, #tpu.memory_space<vmem>>, %arg4: memref<2000x64xf32, #tpu.memory_space<vmem>>) attributes {dimension_semantics = [#tpu.dimension_semantics<arbitrary>], iteration_bounds = array<i64: 5>, scalar_prefetch = 0 : i64, scratch_operands = 0 : i64, tpu.core_type = #tpu.core_type<tc>, window_params = [{transform_indices = @transform_0, window_bounds = array<i64: 2, 2000, 16>}, {transform_indices = @transform_1, window_bounds = array<i64: 2000, 64>}, {transform_indices = @transform_2, window_bounds = array<i64: 2000, 64>}, {transform_indices = @transform_3, window_bounds = array<i64: 2000, 64>}]} {
    %get3A = arith.constant 0 : index
    %get3A_0 = arith.constant 0 : index
    %get3A_1 = arith.constant 0 : index
    %get3A_2 = vector.load %arg1[%get3A, %get3A_0, %get3A_1] : memref<2x2000x16xf32, #tpu.memory_space<vmem>>, vector<1x2000x16xf32>
    %get3A_3 = vector.shape_cast %get3A_2 : vector<1x2000x16xf32> to vector<2000x16xf32>
    %get3A_4 = arith.constant 1 : index
    %get3A_5 = arith.constant 0 : index
    %get3A_6 = arith.constant 0 : index
    %get3A_7 = vector.load %arg1[%get3A_4, %get3A_5, %get3A_6] : memref<2x2000x16xf32, #tpu.memory_space<vmem>>, vector<1x2000x16xf32>
    %get3A_8 = vector.shape_cast %get3A_7 : vector<1x2000x16xf32> to vector<2000x16xf32>
    %add3A = arith.addf %get3A_3, %get3A_8 : vector<2000x16xf32>
    %add3A_9 = arith.constant 1.000000e+00 : f32
    %add3A_10 = vector.broadcast %add3A_9 : f32 to vector<2000x16xf32>
    %add3A_11 = arith.addf %add3A, %add3A_10 : vector<2000x16xf32>
    %slice3A = vector.extract_strided_slice %add3A_11 {offsets = [0, 0], sizes = [2000, 1], strides = [1, 1]} : vector<2000x16xf32> to vector<2000x1xf32>
    %rsqrt3A = math.rsqrt %slice3A : vector<2000x1xf32>
    %get3A_12 = arith.constant 0 : index
    %get3A_13 = arith.constant 0 : index
    %get3A_14 = vector.load %arg2[%get3A_12, %get3A_13] : memref<2000x64xf32, #tpu.memory_space<vmem>>, vector<2000x64xf32>
    %mul3A = vector.broadcast %rsqrt3A : vector<2000x1xf32> to vector<2000x64xf32>
    %mul3A_15 = arith.mulf %get3A_14, %mul3A : vector<2000x64xf32>
    %swap3A = arith.constant 0 : index
    %swap3A_16 = arith.constant 0 : index
    %swap3A_17 = vector.load %arg3[%swap3A, %swap3A_16] : memref<2000x64xf32, #tpu.memory_space<vmem>>, vector<2000x64xf32>
    tpu.vector_store %arg3[%swap3A, %swap3A_16], %mul3A_15 {strides = array<i32>} : memref<2000x64xf32, #tpu.memory_space<vmem>>, vector<2000x64xf32>,
    %broadcast_in_dim3A = vector.shape_cast %rsqrt3A : vector<2000x1xf32> to vector<2000x1xf32>
    %broadcast_in_dim3A_18 = vector.broadcast %broadcast_in_dim3A : vector<2000x1xf32> to vector<2000x64xf32>
    %swap3A_19 = arith.constant 0 : index
    %swap3A_20 = arith.constant 0 : index
    %swap3A_21 = vector.load %arg4[%swap3A_19, %swap3A_20] : memref<2000x64xf32, #tpu.memory_space<vmem>>, vector<2000x64xf32>
    tpu.vector_store %arg4[%swap3A_19, %swap3A_20], %broadcast_in_dim3A_18 {strides = array<i32>} : memref<2000x64xf32, #tpu.memory_space<vmem>>, vector<2000x64xf32>,
    return
  }
  func.func @transform_0(%arg0: i32) -> (i32, i32, i32) {
    %c0_i32 = arith.constant 0 : i32
    %c0_i32_0 = arith.constant 0 : i32
    %c0_i32_1 = arith.constant 0 : i32
    return %c0_i32, %arg0, %c0_i32_0 : i32, i32, i32
  }
  func.func @transform_1(%arg0: i32) -> (i32, i32) {
    %c0_i32 = arith.constant 0 : i32
    %c0_i32_0 = arith.constant 0 : i32
    return %arg0, %c0_i32 : i32, i32
  }
  func.func @transform_2(%arg0: i32) -> (i32, i32) {
    %c0_i32 = arith.constant 0 : i32
    %c0_i32_0 = arith.constant 0 : i32
    return %arg0, %c0_i32 : i32, i32
  }
  func.func @transform_3(%arg0: i32) -> (i32, i32) {
    %c0_i32 = arith.constant 0 : i32
    %c0_i32_0 = arith.constant 0 : i32
    return %arg0, %c0_i32 : i32, i32
  }
}

module attributes {stable_mosaic.version = 14 : i64} {
  func.func @body(%arg0: i32, %arg1: memref<2x2000x64xf32, #tpu.memory_space<vmem>>, %arg2: memref<2000x64xf32, #tpu.memory_space<vmem>>, %arg3: memref<2000x64xf32, #tpu.memory_space<vmem>>, %arg4: memref<1x64xf32, #tpu.memory_space<vmem>>, %arg5: memref<1x64xf32, #tpu.memory_space<vmem>>, %arg6: memref<1x64xf32, #tpu.memory_space<vmem>>, %arg7: memref<64x64xf32, #tpu.memory_space<vmem>>, %arg8: memref<2000x64xf32, #tpu.memory_space<vmem>>, %arg9: memref<2000x64xf32, #tpu.memory_space<vmem>>) attributes {dimension_semantics = [#tpu.dimension_semantics<arbitrary>], iteration_bounds = array<i64: 5>, scalar_prefetch = 0 : i64, scratch_operands = 0 : i64, tpu.core_type = #tpu.core_type<tc>, window_params = [{transform_indices = @transform_0, window_bounds = array<i64: 2, 2000, 64>}, {transform_indices = @transform_1, window_bounds = array<i64: 2000, 64>}, {transform_indices = @transform_2, window_bounds = array<i64: 2000, 64>}, {pipeline_mode = #tpu.pipeline_mode<synchronous>, transform_indices = @transform_3, window_bounds = array<i64: 1, 64>}, {pipeline_mode = #tpu.pipeline_mode<synchronous>, transform_indices = @transform_4, window_bounds = array<i64: 1, 64>}, {pipeline_mode = #tpu.pipeline_mode<synchronous>, transform_indices = @transform_5, window_bounds = array<i64: 1, 64>}, {pipeline_mode = #tpu.pipeline_mode<synchronous>, transform_indices = @transform_6, window_bounds = array<i64: 64, 64>}, {transform_indices = @transform_7, window_bounds = array<i64: 2000, 64>}, {transform_indices = @transform_8, window_bounds = array<i64: 2000, 64>}]} {
    %get3A = arith.constant 0 : index
    %get3A_0 = arith.constant 0 : index
    %get3A_1 = vector.load %arg3[%get3A, %get3A_0] : memref<2000x64xf32, #tpu.memory_space<vmem>>, vector<2000x64xf32>
    %get3A_2 = arith.constant 0 : index
    %get3A_3 = arith.constant 0 : index
    %get3A_4 = arith.constant 0 : index
    %get3A_5 = vector.load %arg1[%get3A_2, %get3A_3, %get3A_4] : memref<2x2000x64xf32, #tpu.memory_space<vmem>>, vector<1x2000x64xf32>
    %get3A_6 = vector.shape_cast %get3A_5 : vector<1x2000x64xf32> to vector<2000x64xf32>
    %get3A_7 = arith.constant 1 : index
    %get3A_8 = arith.constant 0 : index
    %get3A_9 = arith.constant 0 : index
    %get3A_10 = vector.load %arg1[%get3A_7, %get3A_8, %get3A_9] : memref<2x2000x64xf32, #tpu.memory_space<vmem>>, vector<1x2000x64xf32>
    %get3A_11 = vector.shape_cast %get3A_10 : vector<1x2000x64xf32> to vector<2000x64xf32>
    %add3A = arith.addf %get3A_6, %get3A_11 : vector<2000x64xf32>
    %get3A_12 = arith.constant 0 : index
    %get3A_13 = arith.constant 0 : index
    %get3A_14 = vector.load %arg2[%get3A_12, %get3A_13] : memref<2000x64xf32, #tpu.memory_space<vmem>>, vector<2000x64xf32>
    %add3A_15 = arith.addf %add3A, %get3A_14 : vector<2000x64xf32>
    %mul3A = arith.mulf %add3A_15, %get3A_1 : vector<2000x64xf32>
    %get3A_16 = arith.constant 0 : index
    %get3A_17 = arith.constant 0 : index
    %get3A_18 = vector.load %arg4[%get3A_16, %get3A_17] : memref<1x64xf32, #tpu.memory_space<vmem>>, vector<1x64xf32>
    %add3A_19 = vector.broadcast %get3A_18 : vector<1x64xf32> to vector<2000x64xf32>
    %add3A_20 = arith.addf %mul3A, %add3A_19 : vector<2000x64xf32>
    %mul3A_21 = arith.constant 0.999994993 : f32
    %mul3A_22 = vector.broadcast %mul3A_21 : f32 to vector<2000x64xf32>
    %mul3A_23 = arith.mulf %add3A_20, %mul3A_22 : vector<2000x64xf32>
    %get3A_24 = arith.constant 0 : index
    %get3A_25 = arith.constant 0 : index
    %get3A_26 = vector.load %arg5[%get3A_24, %get3A_25] : memref<1x64xf32, #tpu.memory_space<vmem>>, vector<1x64xf32>
    %mul3A_27 = vector.broadcast %get3A_26 : vector<1x64xf32> to vector<2000x64xf32>
    %mul3A_28 = arith.mulf %mul3A_23, %mul3A_27 : vector<2000x64xf32>
    %get3A_29 = arith.constant 0 : index
    %get3A_30 = arith.constant 0 : index
    %get3A_31 = vector.load %arg6[%get3A_29, %get3A_30] : memref<1x64xf32, #tpu.memory_space<vmem>>, vector<1x64xf32>
    %add3A_32 = vector.broadcast %get3A_31 : vector<1x64xf32> to vector<2000x64xf32>
    %add3A_33 = arith.addf %mul3A_28, %add3A_32 : vector<2000x64xf32>
    %max3A = arith.constant 0.000000e+00 : f32
    %max3A_34 = vector.broadcast %max3A : f32 to vector<2000x64xf32>
    %max3A_35 = arith.maximumf %add3A_33, %max3A_34 : vector<2000x64xf32>
    %swap3A = arith.constant 0 : index
    %swap3A_36 = arith.constant 0 : index
    %swap3A_37 = vector.load %arg8[%swap3A, %swap3A_36] : memref<2000x64xf32, #tpu.memory_space<vmem>>, vector<2000x64xf32>
    tpu.vector_store %arg8[%swap3A, %swap3A_36], %max3A_35 {strides = array<i32>} : memref<2000x64xf32, #tpu.memory_space<vmem>>, vector<2000x64xf32>,
    %get3A_38 = arith.constant 0 : index
    %get3A_39 = arith.constant 0 : index
    %get3A_40 = vector.load %arg7[%get3A_38, %get3A_39] : memref<64x64xf32, #tpu.memory_space<vmem>>, vector<64x64xf32>
    %dot_general3A = arith.constant dense<0.000000e+00> : vector<2000x64xf32>
    %dot_general3A_41 = tpu.matmul %max3A_35, %get3A_40, %dot_general3A {dimension_numbers = #tpu.dot_dimension_numbers<[1], [0], [0], [1], [0, 0, 1, 1], [], []>, transpose_lhs_hint = false} : vector<2000x64xf32>, vector<64x64xf32>, vector<2000x64xf32> -> vector<2000x64xf32>
    %mul3A_42 = arith.mulf %dot_general3A_41, %get3A_1 : vector<2000x64xf32>
    %swap3A_43 = arith.constant 0 : index
    %swap3A_44 = arith.constant 0 : index
    %swap3A_45 = vector.load %arg9[%swap3A_43, %swap3A_44] : memref<2000x64xf32, #tpu.memory_space<vmem>>, vector<2000x64xf32>
    tpu.vector_store %arg9[%swap3A_43, %swap3A_44], %mul3A_42 {strides = array<i32>} : memref<2000x64xf32, #tpu.memory_space<vmem>>, vector<2000x64xf32>,
    return
  }
  func.func @transform_0(%arg0: i32) -> (i32, i32, i32) {
    %c0_i32 = arith.constant 0 : i32
    %c0_i32_0 = arith.constant 0 : i32
    %c0_i32_1 = arith.constant 0 : i32
    return %c0_i32, %arg0, %c0_i32_0 : i32, i32, i32
  }
  func.func @transform_1(%arg0: i32) -> (i32, i32) {
    %c0_i32 = arith.constant 0 : i32
    %c0_i32_0 = arith.constant 0 : i32
    return %arg0, %c0_i32 : i32, i32
  }
  func.func @transform_2(%arg0: i32) -> (i32, i32) {
    %c0_i32 = arith.constant 0 : i32
    %c0_i32_0 = arith.constant 0 : i32
    return %arg0, %c0_i32 : i32, i32
  }
  func.func @transform_3(%arg0: i32) -> (i32, i32) {
    %c0_i32 = arith.constant 0 : i32
    %c0_i32_0 = arith.constant 0 : i32
    %c0_i32_1 = arith.constant 0 : i32
    return %c0_i32, %c0_i32_0 : i32, i32
  }
  func.func @transform_4(%arg0: i32) -> (i32, i32) {
    %c0_i32 = arith.constant 0 : i32
    %c0_i32_0 = arith.constant 0 : i32
    %c0_i32_1 = arith.constant 0 : i32
    return %c0_i32, %c0_i32_0 : i32, i32
  }
  func.func @transform_5(%arg0: i32) -> (i32, i32) {
    %c0_i32 = arith.constant 0 : i32
    %c0_i32_0 = arith.constant 0 : i32
    %c0_i32_1 = arith.constant 0 : i32
    return %c0_i32, %c0_i32_0 : i32, i32
  }
  func.func @transform_6(%arg0: i32) -> (i32, i32) {
    %c0_i32 = arith.constant 0 : i32
    %c0_i32_0 = arith.constant 0 : i32
    %c0_i32_1 = arith.constant 0 : i32
    return %c0_i32, %c0_i32_0 : i32, i32
  }
  func.func @transform_7(%arg0: i32) -> (i32, i32) {
    %c0_i32 = arith.constant 0 : i32
    %c0_i32_0 = arith.constant 0 : i32
    return %arg0, %c0_i32 : i32, i32
  }
  func.func @transform_8(%arg0: i32) -> (i32, i32) {
    %c0_i32 = arith.constant 0 : i32
    %c0_i32_0 = arith.constant 0 : i32
    return %arg0, %c0_i32 : i32, i32
  }
}

module attributes {stable_mosaic.version = 14 : i64} {
  func.func @body(%arg0: i32, %arg1: memref<2x2000x64xf32, #tpu.memory_space<vmem>>, %arg2: memref<2000x64xf32, #tpu.memory_space<vmem>>, %arg3: memref<2000x64xf32, #tpu.memory_space<vmem>>, %arg4: memref<2000x64xf32, #tpu.memory_space<vmem>>, %arg5: memref<1x64xf32, #tpu.memory_space<vmem>>, %arg6: memref<1x64xf32, #tpu.memory_space<vmem>>, %arg7: memref<1x64xf32, #tpu.memory_space<vmem>>, %arg8: memref<64x64xf32, #tpu.memory_space<vmem>>, %arg9: memref<2000x64xf32, #tpu.memory_space<vmem>>, %arg10: memref<2000x64xf32, #tpu.memory_space<vmem>>) attributes {dimension_semantics = [#tpu.dimension_semantics<arbitrary>], iteration_bounds = array<i64: 5>, scalar_prefetch = 0 : i64, scratch_operands = 0 : i64, tpu.core_type = #tpu.core_type<tc>, window_params = [{transform_indices = @transform_0, window_bounds = array<i64: 2, 2000, 64>}, {transform_indices = @transform_1, window_bounds = array<i64: 2000, 64>}, {transform_indices = @transform_2, window_bounds = array<i64: 2000, 64>}, {transform_indices = @transform_3, window_bounds = array<i64: 2000, 64>}, {pipeline_mode = #tpu.pipeline_mode<synchronous>, transform_indices = @transform_4, window_bounds = array<i64: 1, 64>}, {pipeline_mode = #tpu.pipeline_mode<synchronous>, transform_indices = @transform_5, window_bounds = array<i64: 1, 64>}, {pipeline_mode = #tpu.pipeline_mode<synchronous>, transform_indices = @transform_6, window_bounds = array<i64: 1, 64>}, {pipeline_mode = #tpu.pipeline_mode<synchronous>, transform_indices = @transform_7, window_bounds = array<i64: 64, 64>}, {transform_indices = @transform_8, window_bounds = array<i64: 2000, 64>}, {transform_indices = @transform_9, window_bounds = array<i64: 2000, 64>}]} {
    %get3A = arith.constant 0 : index
    %get3A_0 = arith.constant 0 : index
    %get3A_1 = vector.load %arg3[%get3A, %get3A_0] : memref<2000x64xf32, #tpu.memory_space<vmem>>, vector<2000x64xf32>
    %get3A_2 = arith.constant 0 : index
    %get3A_3 = arith.constant 0 : index
    %get3A_4 = arith.constant 0 : index
    %get3A_5 = vector.load %arg1[%get3A_2, %get3A_3, %get3A_4] : memref<2x2000x64xf32, #tpu.memory_space<vmem>>, vector<1x2000x64xf32>
    %get3A_6 = vector.shape_cast %get3A_5 : vector<1x2000x64xf32> to vector<2000x64xf32>
    %get3A_7 = arith.constant 1 : index
    %get3A_8 = arith.constant 0 : index
    %get3A_9 = arith.constant 0 : index
    %get3A_10 = vector.load %arg1[%get3A_7, %get3A_8, %get3A_9] : memref<2x2000x64xf32, #tpu.memory_space<vmem>>, vector<1x2000x64xf32>
    %get3A_11 = vector.shape_cast %get3A_10 : vector<1x2000x64xf32> to vector<2000x64xf32>
    %add3A = arith.addf %get3A_6, %get3A_11 : vector<2000x64xf32>
    %get3A_12 = arith.constant 0 : index
    %get3A_13 = arith.constant 0 : index
    %get3A_14 = vector.load %arg2[%get3A_12, %get3A_13] : memref<2000x64xf32, #tpu.memory_space<vmem>>, vector<2000x64xf32>
    %add3A_15 = arith.addf %add3A, %get3A_14 : vector<2000x64xf32>
    %mul3A = arith.mulf %add3A_15, %get3A_1 : vector<2000x64xf32>
    %get3A_16 = arith.constant 0 : index
    %get3A_17 = arith.constant 0 : index
    %get3A_18 = vector.load %arg5[%get3A_16, %get3A_17] : memref<1x64xf32, #tpu.memory_space<vmem>>, vector<1x64xf32>
    %add3A_19 = vector.broadcast %get3A_18 : vector<1x64xf32> to vector<2000x64xf32>
    %add3A_20 = arith.addf %mul3A, %add3A_19 : vector<2000x64xf32>
    %mul3A_21 = arith.constant 0.999994993 : f32
    %mul3A_22 = vector.broadcast %mul3A_21 : f32 to vector<2000x64xf32>
    %mul3A_23 = arith.mulf %add3A_20, %mul3A_22 : vector<2000x64xf32>
    %get3A_24 = arith.constant 0 : index
    %get3A_25 = arith.constant 0 : index
    %get3A_26 = vector.load %arg6[%get3A_24, %get3A_25] : memref<1x64xf32, #tpu.memory_space<vmem>>, vector<1x64xf32>
    %mul3A_27 = vector.broadcast %get3A_26 : vector<1x64xf32> to vector<2000x64xf32>
    %mul3A_28 = arith.mulf %mul3A_23, %mul3A_27 : vector<2000x64xf32>
    %get3A_29 = arith.constant 0 : index
    %get3A_30 = arith.constant 0 : index
    %get3A_31 = vector.load %arg7[%get3A_29, %get3A_30] : memref<1x64xf32, #tpu.memory_space<vmem>>, vector<1x64xf32>
    %add3A_32 = vector.broadcast %get3A_31 : vector<1x64xf32> to vector<2000x64xf32>
    %add3A_33 = arith.addf %mul3A_28, %add3A_32 : vector<2000x64xf32>
    %max3A = arith.constant 0.000000e+00 : f32
    %max3A_34 = vector.broadcast %max3A : f32 to vector<2000x64xf32>
    %max3A_35 = arith.maximumf %add3A_33, %max3A_34 : vector<2000x64xf32>
    %get3A_36 = arith.constant 0 : index
    %get3A_37 = arith.constant 0 : index
    %get3A_38 = vector.load %arg4[%get3A_36, %get3A_37] : memref<2000x64xf32, #tpu.memory_space<vmem>>, vector<2000x64xf32>
    %add3A_39 = arith.addf %max3A_35, %get3A_38 : vector<2000x64xf32>
    %swap3A = arith.constant 0 : index
    %swap3A_40 = arith.constant 0 : index
    %swap3A_41 = vector.load %arg9[%swap3A, %swap3A_40] : memref<2000x64xf32, #tpu.memory_space<vmem>>, vector<2000x64xf32>
    tpu.vector_store %arg9[%swap3A, %swap3A_40], %add3A_39 {strides = array<i32>} : memref<2000x64xf32, #tpu.memory_space<vmem>>, vector<2000x64xf32>,
    %get3A_42 = arith.constant 0 : index
    %get3A_43 = arith.constant 0 : index
    %get3A_44 = vector.load %arg8[%get3A_42, %get3A_43] : memref<64x64xf32, #tpu.memory_space<vmem>>, vector<64x64xf32>
    %dot_general3A = arith.constant dense<0.000000e+00> : vector<2000x64xf32>
    %dot_general3A_45 = tpu.matmul %add3A_39, %get3A_44, %dot_general3A {dimension_numbers = #tpu.dot_dimension_numbers<[1], [0], [0], [1], [0, 0, 1, 1], [], []>, transpose_lhs_hint = false} : vector<2000x64xf32>, vector<64x64xf32>, vector<2000x64xf32> -> vector<2000x64xf32>
    %mul3A_46 = arith.mulf %dot_general3A_45, %get3A_1 : vector<2000x64xf32>
    %swap3A_47 = arith.constant 0 : index
    %swap3A_48 = arith.constant 0 : index
    %swap3A_49 = vector.load %arg10[%swap3A_47, %swap3A_48] : memref<2000x64xf32, #tpu.memory_space<vmem>>, vector<2000x64xf32>
    tpu.vector_store %arg10[%swap3A_47, %swap3A_48], %mul3A_46 {strides = array<i32>} : memref<2000x64xf32, #tpu.memory_space<vmem>>, vector<2000x64xf32>,
    return
  }
  func.func @transform_0(%arg0: i32) -> (i32, i32, i32) {
    %c0_i32 = arith.constant 0 : i32
    %c0_i32_0 = arith.constant 0 : i32
    %c0_i32_1 = arith.constant 0 : i32
    return %c0_i32, %arg0, %c0_i32_0 : i32, i32, i32
  }
  func.func @transform_1(%arg0: i32) -> (i32, i32) {
    %c0_i32 = arith.constant 0 : i32
    %c0_i32_0 = arith.constant 0 : i32
    return %arg0, %c0_i32 : i32, i32
  }
  func.func @transform_2(%arg0: i32) -> (i32, i32) {
    %c0_i32 = arith.constant 0 : i32
    %c0_i32_0 = arith.constant 0 : i32
    return %arg0, %c0_i32 : i32, i32
  }
  func.func @transform_3(%arg0: i32) -> (i32, i32) {
    %c0_i32 = arith.constant 0 : i32
    %c0_i32_0 = arith.constant 0 : i32
    return %arg0, %c0_i32 : i32, i32
  }
  func.func @transform_4(%arg0: i32) -> (i32, i32) {
    %c0_i32 = arith.constant 0 : i32
    %c0_i32_0 = arith.constant 0 : i32
    %c0_i32_1 = arith.constant 0 : i32
    return %c0_i32, %c0_i32_0 : i32, i32
  }
  func.func @transform_5(%arg0: i32) -> (i32, i32) {
    %c0_i32 = arith.constant 0 : i32
    %c0_i32_0 = arith.constant 0 : i32
    %c0_i32_1 = arith.constant 0 : i32
    return %c0_i32, %c0_i32_0 : i32, i32
  }
  func.func @transform_6(%arg0: i32) -> (i32, i32) {
    %c0_i32 = arith.constant 0 : i32
    %c0_i32_0 = arith.constant 0 : i32
    %c0_i32_1 = arith.constant 0 : i32
    return %c0_i32, %c0_i32_0 : i32, i32
  }
  func.func @transform_7(%arg0: i32) -> (i32, i32) {
    %c0_i32 = arith.constant 0 : i32
    %c0_i32_0 = arith.constant 0 : i32
    %c0_i32_1 = arith.constant 0 : i32
    return %c0_i32, %c0_i32_0 : i32, i32
  }
  func.func @transform_8(%arg0: i32) -> (i32, i32) {
    %c0_i32 = arith.constant 0 : i32
    %c0_i32_0 = arith.constant 0 : i32
    return %arg0, %c0_i32 : i32, i32
  }
  func.func @transform_9(%arg0: i32) -> (i32, i32) {
    %c0_i32 = arith.constant 0 : i32
    %c0_i32_0 = arith.constant 0 : i32
    return %arg0, %c0_i32 : i32, i32
  }
}

module attributes {stable_mosaic.version = 14 : i64} {
  func.func @body(%arg0: i32, %arg1: memref<2x2000x64xf32, #tpu.memory_space<vmem>>, %arg2: memref<2000x64xf32, #tpu.memory_space<vmem>>, %arg3: memref<2000x64xf32, #tpu.memory_space<vmem>>, %arg4: memref<2000x64xf32, #tpu.memory_space<vmem>>, %arg5: memref<1x64xf32, #tpu.memory_space<vmem>>, %arg6: memref<1x64xf32, #tpu.memory_space<vmem>>, %arg7: memref<1x64xf32, #tpu.memory_space<vmem>>, %arg8: memref<64x64xf32, #tpu.memory_space<vmem>>, %arg9: memref<2000x64xf32, #tpu.memory_space<vmem>>, %arg10: memref<2000x64xf32, #tpu.memory_space<vmem>>) attributes {dimension_semantics = [#tpu.dimension_semantics<arbitrary>], iteration_bounds = array<i64: 5>, scalar_prefetch = 0 : i64, scratch_operands = 0 : i64, tpu.core_type = #tpu.core_type<tc>, window_params = [{transform_indices = @transform_0, window_bounds = array<i64: 2, 2000, 64>}, {transform_indices = @transform_1, window_bounds = array<i64: 2000, 64>}, {transform_indices = @transform_2, window_bounds = array<i64: 2000, 64>}, {transform_indices = @transform_3, window_bounds = array<i64: 2000, 64>}, {pipeline_mode = #tpu.pipeline_mode<synchronous>, transform_indices = @transform_4, window_bounds = array<i64: 1, 64>}, {pipeline_mode = #tpu.pipeline_mode<synchronous>, transform_indices = @transform_5, window_bounds = array<i64: 1, 64>}, {pipeline_mode = #tpu.pipeline_mode<synchronous>, transform_indices = @transform_6, window_bounds = array<i64: 1, 64>}, {pipeline_mode = #tpu.pipeline_mode<synchronous>, transform_indices = @transform_7, window_bounds = array<i64: 64, 64>}, {transform_indices = @transform_8, window_bounds = array<i64: 2000, 64>}, {transform_indices = @transform_9, window_bounds = array<i64: 2000, 64>}]} {
    %get3A = arith.constant 0 : index
    %get3A_0 = arith.constant 0 : index
    %get3A_1 = vector.load %arg3[%get3A, %get3A_0] : memref<2000x64xf32, #tpu.memory_space<vmem>>, vector<2000x64xf32>
    %get3A_2 = arith.constant 0 : index
    %get3A_3 = arith.constant 0 : index
    %get3A_4 = arith.constant 0 : index
    %get3A_5 = vector.load %arg1[%get3A_2, %get3A_3, %get3A_4] : memref<2x2000x64xf32, #tpu.memory_space<vmem>>, vector<1x2000x64xf32>
    %get3A_6 = vector.shape_cast %get3A_5 : vector<1x2000x64xf32> to vector<2000x64xf32>
    %get3A_7 = arith.constant 1 : index
    %get3A_8 = arith.constant 0 : index
    %get3A_9 = arith.constant 0 : index
    %get3A_10 = vector.load %arg1[%get3A_7, %get3A_8, %get3A_9] : memref<2x2000x64xf32, #tpu.memory_space<vmem>>, vector<1x2000x64xf32>
    %get3A_11 = vector.shape_cast %get3A_10 : vector<1x2000x64xf32> to vector<2000x64xf32>
    %add3A = arith.addf %get3A_6, %get3A_11 : vector<2000x64xf32>
    %get3A_12 = arith.constant 0 : index
    %get3A_13 = arith.constant 0 : index
    %get3A_14 = vector.load %arg2[%get3A_12, %get3A_13] : memref<2000x64xf32, #tpu.memory_space<vmem>>, vector<2000x64xf32>
    %add3A_15 = arith.addf %add3A, %get3A_14 : vector<2000x64xf32>
    %mul3A = arith.mulf %add3A_15, %get3A_1 : vector<2000x64xf32>
    %get3A_16 = arith.constant 0 : index
    %get3A_17 = arith.constant 0 : index
    %get3A_18 = vector.load %arg5[%get3A_16, %get3A_17] : memref<1x64xf32, #tpu.memory_space<vmem>>, vector<1x64xf32>
    %add3A_19 = vector.broadcast %get3A_18 : vector<1x64xf32> to vector<2000x64xf32>
    %add3A_20 = arith.addf %mul3A, %add3A_19 : vector<2000x64xf32>
    %mul3A_21 = arith.constant 0.999994993 : f32
    %mul3A_22 = vector.broadcast %mul3A_21 : f32 to vector<2000x64xf32>
    %mul3A_23 = arith.mulf %add3A_20, %mul3A_22 : vector<2000x64xf32>
    %get3A_24 = arith.constant 0 : index
    %get3A_25 = arith.constant 0 : index
    %get3A_26 = vector.load %arg6[%get3A_24, %get3A_25] : memref<1x64xf32, #tpu.memory_space<vmem>>, vector<1x64xf32>
    %mul3A_27 = vector.broadcast %get3A_26 : vector<1x64xf32> to vector<2000x64xf32>
    %mul3A_28 = arith.mulf %mul3A_23, %mul3A_27 : vector<2000x64xf32>
    %get3A_29 = arith.constant 0 : index
    %get3A_30 = arith.constant 0 : index
    %get3A_31 = vector.load %arg7[%get3A_29, %get3A_30] : memref<1x64xf32, #tpu.memory_space<vmem>>, vector<1x64xf32>
    %add3A_32 = vector.broadcast %get3A_31 : vector<1x64xf32> to vector<2000x64xf32>
    %add3A_33 = arith.addf %mul3A_28, %add3A_32 : vector<2000x64xf32>
    %max3A = arith.constant 0.000000e+00 : f32
    %max3A_34 = vector.broadcast %max3A : f32 to vector<2000x64xf32>
    %max3A_35 = arith.maximumf %add3A_33, %max3A_34 : vector<2000x64xf32>
    %get3A_36 = arith.constant 0 : index
    %get3A_37 = arith.constant 0 : index
    %get3A_38 = vector.load %arg4[%get3A_36, %get3A_37] : memref<2000x64xf32, #tpu.memory_space<vmem>>, vector<2000x64xf32>
    %add3A_39 = arith.addf %max3A_35, %get3A_38 : vector<2000x64xf32>
    %swap3A = arith.constant 0 : index
    %swap3A_40 = arith.constant 0 : index
    %swap3A_41 = vector.load %arg9[%swap3A, %swap3A_40] : memref<2000x64xf32, #tpu.memory_space<vmem>>, vector<2000x64xf32>
    tpu.vector_store %arg9[%swap3A, %swap3A_40], %add3A_39 {strides = array<i32>} : memref<2000x64xf32, #tpu.memory_space<vmem>>, vector<2000x64xf32>,
    %get3A_42 = arith.constant 0 : index
    %get3A_43 = arith.constant 0 : index
    %get3A_44 = vector.load %arg8[%get3A_42, %get3A_43] : memref<64x64xf32, #tpu.memory_space<vmem>>, vector<64x64xf32>
    %dot_general3A = arith.constant dense<0.000000e+00> : vector<2000x64xf32>
    %dot_general3A_45 = tpu.matmul %add3A_39, %get3A_44, %dot_general3A {dimension_numbers = #tpu.dot_dimension_numbers<[1], [0], [0], [1], [0, 0, 1, 1], [], []>, transpose_lhs_hint = false} : vector<2000x64xf32>, vector<64x64xf32>, vector<2000x64xf32> -> vector<2000x64xf32>
    %mul3A_46 = arith.mulf %dot_general3A_45, %get3A_1 : vector<2000x64xf32>
    %swap3A_47 = arith.constant 0 : index
    %swap3A_48 = arith.constant 0 : index
    %swap3A_49 = vector.load %arg10[%swap3A_47, %swap3A_48] : memref<2000x64xf32, #tpu.memory_space<vmem>>, vector<2000x64xf32>
    tpu.vector_store %arg10[%swap3A_47, %swap3A_48], %mul3A_46 {strides = array<i32>} : memref<2000x64xf32, #tpu.memory_space<vmem>>, vector<2000x64xf32>,
    return
  }
  func.func @transform_0(%arg0: i32) -> (i32, i32, i32) {
    %c0_i32 = arith.constant 0 : i32
    %c0_i32_0 = arith.constant 0 : i32
    %c0_i32_1 = arith.constant 0 : i32
    return %c0_i32, %arg0, %c0_i32_0 : i32, i32, i32
  }
  func.func @transform_1(%arg0: i32) -> (i32, i32) {
    %c0_i32 = arith.constant 0 : i32
    %c0_i32_0 = arith.constant 0 : i32
    return %arg0, %c0_i32 : i32, i32
  }
  func.func @transform_2(%arg0: i32) -> (i32, i32) {
    %c0_i32 = arith.constant 0 : i32
    %c0_i32_0 = arith.constant 0 : i32
    return %arg0, %c0_i32 : i32, i32
  }
  func.func @transform_3(%arg0: i32) -> (i32, i32) {
    %c0_i32 = arith.constant 0 : i32
    %c0_i32_0 = arith.constant 0 : i32
    return %arg0, %c0_i32 : i32, i32
  }
  func.func @transform_4(%arg0: i32) -> (i32, i32) {
    %c0_i32 = arith.constant 0 : i32
    %c0_i32_0 = arith.constant 0 : i32
    %c0_i32_1 = arith.constant 0 : i32
    return %c0_i32, %c0_i32_0 : i32, i32
  }
  func.func @transform_5(%arg0: i32) -> (i32, i32) {
    %c0_i32 = arith.constant 0 : i32
    %c0_i32_0 = arith.constant 0 : i32
    %c0_i32_1 = arith.constant 0 : i32
    return %c0_i32, %c0_i32_0 : i32, i32
  }
  func.func @transform_6(%arg0: i32) -> (i32, i32) {
    %c0_i32 = arith.constant 0 : i32
    %c0_i32_0 = arith.constant 0 : i32
    %c0_i32_1 = arith.constant 0 : i32
    return %c0_i32, %c0_i32_0 : i32, i32
  }
  func.func @transform_7(%arg0: i32) -> (i32, i32) {
    %c0_i32 = arith.constant 0 : i32
    %c0_i32_0 = arith.constant 0 : i32
    %c0_i32_1 = arith.constant 0 : i32
    return %c0_i32, %c0_i32_0 : i32, i32
  }
  func.func @transform_8(%arg0: i32) -> (i32, i32) {
    %c0_i32 = arith.constant 0 : i32
    %c0_i32_0 = arith.constant 0 : i32
    return %arg0, %c0_i32 : i32, i32
  }
  func.func @transform_9(%arg0: i32) -> (i32, i32) {
    %c0_i32 = arith.constant 0 : i32
    %c0_i32_0 = arith.constant 0 : i32
    return %arg0, %c0_i32 : i32, i32
  }
}

module attributes {stable_mosaic.version = 14 : i64} {
  func.func @_tc_final_body(%arg0: i32, %arg1: memref<2x2000x64xf32, #tpu.memory_space<vmem>>, %arg2: memref<2000x64xf32, #tpu.memory_space<vmem>>, %arg3: memref<2000x64xf32, #tpu.memory_space<vmem>>, %arg4: memref<1x64xf32, #tpu.memory_space<vmem>>, %arg5: memref<1x1x2000xi32, #tpu.memory_space<vmem>>, %arg6: memref<64x32xf32, #tpu.memory_space<vmem>>, %arg7: memref<1x32xf32, #tpu.memory_space<vmem>>, %arg8: memref<32x2xf32, #tpu.memory_space<vmem>>, %arg9: memref<1x2xf32, #tpu.memory_space<vmem>>, %arg10: memref<64x2xf32, #tpu.memory_space<vmem>>, %arg11: memref<64x128xf32, #tpu.memory_space<vmem>>) attributes {dimension_semantics = [#tpu.dimension_semantics<arbitrary>], iteration_bounds = array<i64: 5>, scalar_prefetch = 0 : i64, scratch_operands = 1 : i64, tpu.core_type = #tpu.core_type<tc>, window_params = [{transform_indices = @transform_0, window_bounds = array<i64: 2, 2000, 64>}, {transform_indices = @transform_1, window_bounds = array<i64: 2000, 64>}, {transform_indices = @transform_2, window_bounds = array<i64: 2000, 64>}, {pipeline_mode = #tpu.pipeline_mode<synchronous>, transform_indices = @transform_3, window_bounds = array<i64: 1, 64>}, {transform_indices = @transform_4, window_bounds = array<i64: 1, 1, 2000>}, {pipeline_mode = #tpu.pipeline_mode<synchronous>, transform_indices = @transform_5, window_bounds = array<i64: 64, 32>}, {pipeline_mode = #tpu.pipeline_mode<synchronous>, transform_indices = @transform_6, window_bounds = array<i64: 1, 32>}, {pipeline_mode = #tpu.pipeline_mode<synchronous>, transform_indices = @transform_7, window_bounds = array<i64: 32, 2>}, {pipeline_mode = #tpu.pipeline_mode<synchronous>, transform_indices = @transform_8, window_bounds = array<i64: 1, 2>}, {pipeline_mode = #tpu.pipeline_mode<synchronous>, transform_indices = @transform_9, window_bounds = array<i64: 64, 2>}]} {
    %get3A = arith.constant 0 : index
    %get3A_0 = arith.constant 0 : index
    %get3A_1 = arith.constant 0 : index
    %get3A_2 = vector.load %arg1[%get3A, %get3A_0, %get3A_1] : memref<2x2000x64xf32, #tpu.memory_space<vmem>>, vector<1x2000x64xf32>
    %get3A_3 = vector.shape_cast %get3A_2 : vector<1x2000x64xf32> to vector<2000x64xf32>
    %get3A_4 = arith.constant 1 : index
    %get3A_5 = arith.constant 0 : index
    %get3A_6 = arith.constant 0 : index
    %get3A_7 = vector.load %arg1[%get3A_4, %get3A_5, %get3A_6] : memref<2x2000x64xf32, #tpu.memory_space<vmem>>, vector<1x2000x64xf32>
    %get3A_8 = vector.shape_cast %get3A_7 : vector<1x2000x64xf32> to vector<2000x64xf32>
    %add3A = arith.addf %get3A_3, %get3A_8 : vector<2000x64xf32>
    %get3A_9 = arith.constant 0 : index
    %get3A_10 = arith.constant 0 : index
    %get3A_11 = vector.load %arg2[%get3A_9, %get3A_10] : memref<2000x64xf32, #tpu.memory_space<vmem>>, vector<2000x64xf32>
    %add3A_12 = arith.addf %add3A, %get3A_11 : vector<2000x64xf32>
    %get3A_13 = arith.constant 0 : index
    %get3A_14 = arith.constant 0 : index
    %get3A_15 = vector.load %arg3[%get3A_13, %get3A_14] : memref<2000x64xf32, #tpu.memory_space<vmem>>, vector<2000x64xf32>
    %mul3A = arith.mulf %add3A_12, %get3A_15 : vector<2000x64xf32>
    %get3A_16 = arith.constant 0 : index
    %get3A_17 = arith.constant 0 : index
    %get3A_18 = vector.load %arg4[%get3A_16, %get3A_17] : memref<1x64xf32, #tpu.memory_space<vmem>>, vector<1x64xf32>
    %add3A_19 = vector.broadcast %get3A_18 : vector<1x64xf32> to vector<2000x64xf32>
    %add3A_20 = arith.addf %mul3A, %add3A_19 : vector<2000x64xf32>
    %get3A_21 = arith.constant 0 : index
    %get3A_22 = arith.constant 0 : index
    %get3A_23 = arith.constant 0 : index
    %get3A_24 = vector.load %arg5[%get3A_21, %get3A_22, %get3A_23] : memref<1x1x2000xi32, #tpu.memory_space<vmem>>, vector<1x1x2000xi32>
    %get3A_25 = vector.shape_cast %get3A_24 : vector<1x1x2000xi32> to vector<2000xi32>
    %iota3A = tpu.iota {dimensions = array<i32: 0>} : vector<64x2000xi32>
    %broadcast_in_dim3A = vector.shape_cast %get3A_25 : vector<2000xi32> to vector<1x2000xi32>
    %eq3A = vector.broadcast %broadcast_in_dim3A : vector<1x2000xi32> to vector<64x2000xi32>
    %eq3A_26 = arith.cmpi eq, %iota3A, %eq3A : vector<64x2000xi32>
    %convert_element_type3A = arith.extui %eq3A_26 : vector<64x2000xi1> to vector<64x2000xi32>
    %convert_element_type3A_27 = arith.sitofp %convert_element_type3A : vector<64x2000xi32> to vector<64x2000xf32>
    %broadcast_in_dim3A_28 = arith.constant 1.000000e+00 : f32
    %broadcast_in_dim3A_29 = vector.broadcast %broadcast_in_dim3A_28 : f32 to vector<2000x64xf32>
    %concatenate3A = tpu.concatenate %add3A_20, %broadcast_in_dim3A_29 in 1 : vector<2000x64xf32>, vector<2000x64xf32> -> vector<2000x128xf32>
    %dot_general3A = arith.constant dense<0.000000e+00> : vector<64x128xf32>
    %dot_general3A_30 = tpu.matmul %convert_element_type3A_27, %concatenate3A, %dot_general3A {dimension_numbers = #tpu.dot_dimension_numbers<[1], [0], [0], [1], [0, 0, 1, 1], [], []>, transpose_lhs_hint = false} : vector<64x2000xf32>, vector<2000x128xf32>, vector<64x128xf32> -> vector<64x128xf32>
    %eq3A_31 = arith.constant 0 : i32
    %eq3A_32 = arith.cmpi eq, %arg0, %eq3A_31 : i32
    %get3A_33 = arith.constant 0 : index
    %get3A_34 = arith.constant 0 : index
    %get3A_35 = vector.load %arg11[%get3A_33, %get3A_34] : memref<64x128xf32, #tpu.memory_space<vmem>>, vector<64x128xf32>
    %add3A_36 = arith.addf %get3A_35, %dot_general3A_30 : vector<64x128xf32>
    %select_n3A = arith.select %eq3A_32, %dot_general3A_30, %add3A_36 : vector<64x128xf32>
    %swap3A = arith.constant 0 : index
    %swap3A_37 = arith.constant 0 : index
    %swap3A_38 = vector.load %arg11[%swap3A, %swap3A_37] : memref<64x128xf32, #tpu.memory_space<vmem>>, vector<64x128xf32>
    tpu.vector_store %arg11[%swap3A, %swap3A_37], %select_n3A {strides = array<i32>} : memref<64x128xf32, #tpu.memory_space<vmem>>, vector<64x128xf32>,
    %eq3A_39 = arith.constant 4 : i32
    %eq3A_40 = arith.cmpi eq, %arg0, %eq3A_39 : i32
    %convert_element_type3A_41 = arith.extui %eq3A_40 : i1 to i32
    %cond3A = arith.constant 0 : i32
    %cond3A_42 = arith.cmpi ne, %convert_element_type3A_41, %cond3A : i32
    scf.if %cond3A_42 {
      %get3A_43 = arith.constant 0 : index
      %get3A_44 = arith.constant 0 : index
      %get3A_45 = vector.load %arg11[%get3A_43, %get3A_44] : memref<64x128xf32, #tpu.memory_space<vmem>>, vector<64x64xf32>
      %get3A_46 = arith.constant 0 : index
      %get3A_47 = arith.constant 64 : index
      %get3A_48 = vector.load %arg11[%get3A_46, %get3A_47] : memref<64x128xf32, #tpu.memory_space<vmem>>, vector<64x1xf32>
      %max3A = arith.constant 1.000000e+00 : f32
      %max3A_49 = vector.broadcast %max3A : f32 to vector<64x1xf32>
      %max3A_50 = arith.maximumf %get3A_48, %max3A_49 : vector<64x1xf32>
      %div3A = vector.broadcast %max3A_50 : vector<64x1xf32> to vector<64x64xf32>
      %div3A_51 = arith.divf %get3A_45, %div3A : vector<64x64xf32>
      %get3A_52 = arith.constant 0 : index
      %get3A_53 = arith.constant 0 : index
      %get3A_54 = vector.load %arg6[%get3A_52, %get3A_53] : memref<64x32xf32, #tpu.memory_space<vmem>>, vector<64x32xf32>
      %dot_general3A_55 = arith.constant dense<0.000000e+00> : vector<64x32xf32>
      %dot_general3A_56 = tpu.matmul %div3A_51, %get3A_54, %dot_general3A_55 {dimension_numbers = #tpu.dot_dimension_numbers<[1], [0], [0], [1], [0, 0, 1, 1], [], []>, transpose_lhs_hint = false} : vector<64x64xf32>, vector<64x32xf32>, vector<64x32xf32> -> vector<64x32xf32>
      %get3A_57 = arith.constant 0 : index
      %get3A_58 = arith.constant 0 : index
      %get3A_59 = vector.load %arg7[%get3A_57, %get3A_58] : memref<1x32xf32, #tpu.memory_space<vmem>>, vector<1x32xf32>
      %add3A_60 = vector.broadcast %get3A_59 : vector<1x32xf32> to vector<64x32xf32>
      %add3A_61 = arith.addf %dot_general3A_56, %add3A_60 : vector<64x32xf32>
      %max3A_62 = arith.constant 0.000000e+00 : f32
      %max3A_63 = vector.broadcast %max3A_62 : f32 to vector<64x32xf32>
      %max3A_64 = arith.maximumf %add3A_61, %max3A_63 : vector<64x32xf32>
      %get3A_65 = arith.constant 0 : index
      %get3A_66 = arith.constant 0 : index
      %get3A_67 = vector.load %arg8[%get3A_65, %get3A_66] : memref<32x2xf32, #tpu.memory_space<vmem>>, vector<32x2xf32>
      %dot_general3A_68 = arith.constant dense<0.000000e+00> : vector<64x2xf32>
      %dot_general3A_69 = tpu.matmul %max3A_64, %get3A_67, %dot_general3A_68 {dimension_numbers = #tpu.dot_dimension_numbers<[1], [0], [0], [1], [0, 0, 1, 1], [], []>, transpose_lhs_hint = false} : vector<64x32xf32>, vector<32x2xf32>, vector<64x2xf32> -> vector<64x2xf32>
      %get3A_70 = arith.constant 0 : index
      %get3A_71 = arith.constant 0 : index
      %get3A_72 = vector.load %arg9[%get3A_70, %get3A_71] : memref<1x2xf32, #tpu.memory_space<vmem>>, vector<1x2xf32>
      %add3A_73 = vector.broadcast %get3A_72 : vector<1x2xf32> to vector<64x2xf32>
      %add3A_74 = arith.addf %dot_general3A_69, %add3A_73 : vector<64x2xf32>
      %reduce_max3A = arith.constant dense<0xFF800000> : vector<64xf32>
      %reduce_max3A_75 = vector.multi_reduction <maximumf>, %add3A_74, %reduce_max3A [1] : vector<64x2xf32> to vector<64xf32>
      %broadcast_in_dim3A_76 = vector.shape_cast %reduce_max3A_75 : vector<64xf32> to vector<64x1xf32>
      %sub3A = vector.broadcast %broadcast_in_dim3A_76 : vector<64x1xf32> to vector<64x2xf32>
      %sub3A_77 = arith.subf %add3A_74, %sub3A : vector<64x2xf32>
      %exp3A = math.exp %sub3A_77 : vector<64x2xf32>
      %reduce_sum3A = arith.constant dense<0.000000e+00> : vector<64xf32>
      %reduce_sum3A_78 = vector.multi_reduction <add>, %exp3A, %reduce_sum3A [1] : vector<64x2xf32> to vector<64xf32>
      %broadcast_in_dim3A_79 = vector.shape_cast %reduce_sum3A_78 : vector<64xf32> to vector<64x1xf32>
      %log3A = math.log %broadcast_in_dim3A_79 : vector<64x1xf32>
      %add3A_80 = arith.addf %broadcast_in_dim3A_76, %log3A : vector<64x1xf32>
      %sub3A_81 = vector.broadcast %add3A_80 : vector<64x1xf32> to vector<64x2xf32>
      %sub3A_82 = arith.subf %add3A_74, %sub3A_81 : vector<64x2xf32>
      %swap3A_83 = arith.constant 0 : index
      %swap3A_84 = arith.constant 0 : index
      %swap3A_85 = vector.load %arg10[%swap3A_83, %swap3A_84] : memref<64x2xf32, #tpu.memory_space<vmem>>, vector<64x2xf32>
      tpu.vector_store %arg10[%swap3A_83, %swap3A_84], %sub3A_82 {strides = array<i32>} : memref<64x2xf32, #tpu.memory_space<vmem>>, vector<64x2xf32>,
    } else {
    }
    return
  }
  func.func @transform_0(%arg0: i32) -> (i32, i32, i32) {
    %c0_i32 = arith.constant 0 : i32
    %c0_i32_0 = arith.constant 0 : i32
    %c0_i32_1 = arith.constant 0 : i32
    return %c0_i32, %arg0, %c0_i32_0 : i32, i32, i32
  }
  func.func @transform_1(%arg0: i32) -> (i32, i32) {
    %c0_i32 = arith.constant 0 : i32
    %c0_i32_0 = arith.constant 0 : i32
    return %arg0, %c0_i32 : i32, i32
  }
  func.func @transform_2(%arg0: i32) -> (i32, i32) {
    %c0_i32 = arith.constant 0 : i32
    %c0_i32_0 = arith.constant 0 : i32
    return %arg0, %c0_i32 : i32, i32
  }
  func.func @transform_3(%arg0: i32) -> (i32, i32) {
    %c0_i32 = arith.constant 0 : i32
    %c0_i32_0 = arith.constant 0 : i32
    %c0_i32_1 = arith.constant 0 : i32
    return %c0_i32, %c0_i32_0 : i32, i32
  }
  func.func @transform_4(%arg0: i32) -> (i32, i32, i32) {
    %c0_i32 = arith.constant 0 : i32
    %c0_i32_0 = arith.constant 0 : i32
    %c0_i32_1 = arith.constant 0 : i32
    return %arg0, %c0_i32, %c0_i32_0 : i32, i32, i32
  }
  func.func @transform_5(%arg0: i32) -> (i32, i32) {
    %c0_i32 = arith.constant 0 : i32
    %c0_i32_0 = arith.constant 0 : i32
    %c0_i32_1 = arith.constant 0 : i32
    return %c0_i32, %c0_i32_0 : i32, i32
  }
  func.func @transform_6(%arg0: i32) -> (i32, i32) {
    %c0_i32 = arith.constant 0 : i32
    %c0_i32_0 = arith.constant 0 : i32
    %c0_i32_1 = arith.constant 0 : i32
    return %c0_i32, %c0_i32_0 : i32, i32
  }
  func.func @transform_7(%arg0: i32) -> (i32, i32) {
    %c0_i32 = arith.constant 0 : i32
    %c0_i32_0 = arith.constant 0 : i32
    %c0_i32_1 = arith.constant 0 : i32
    return %c0_i32, %c0_i32_0 : i32, i32
  }
  func.func @transform_8(%arg0: i32) -> (i32, i32) {
    %c0_i32 = arith.constant 0 : i32
    %c0_i32_0 = arith.constant 0 : i32
    %c0_i32_1 = arith.constant 0 : i32
    return %c0_i32, %c0_i32_0 : i32, i32
  }
  func.func @transform_9(%arg0: i32) -> (i32, i32) {
    %c0_i32 = arith.constant 0 : i32
    %c0_i32_0 = arith.constant 0 : i32
    %c0_i32_1 = arith.constant 0 : i32
    return %c0_i32, %c0_i32_0 : i32, i32
  }
}

</mosaic_0001>

<sc_bundles>
// kernel: kernel.13.cloned.1.call-start
scs
__scs_entry_jumppad:
0x0: {  	(pc) =	sbr.rel $0x88, $3  }
0x1: {  	(tag) =	ssettag $0x0;
	lr =	simm.s32 $0x1  }
0x2: {  	[smem:$0x3F8C] =	sst lr;
	_ =	strace $0xD0000000  }
0x3: {  	_ = 	snop  }
0x4: {  	_ = 	snop  }
0x5: {  	_ = 	snop  }
0x6: {  	_ = 	snop  }
0x7: {  	_ = 	snop  }
__scs_overlays_trampoline_lowered:
0x8: {  	[smem:$0x3F9B] =	sst s0  }
0x9: {  	[smem:$0x3F9C] =	sst s1  }
0xa: {  	[smem:$0x3F9D] =	sst s2  }
0xb: {  	[smem:$0x3F9E] =	sst s3  }
0xc: {  	[smem:$0x3F9F] =	sst s4  }
0xd: {  	[smem:$0x3FA0] =	sst s5  }
0xe: {  	[smem:$0x3FA1] =	sst s6  }
0xf: {  	[smem:$0x3FA2] =	sst s7  }
0x10: {  	[smem:$0x3FA3] =	sst s8  }
0x11: {  	[smem:$0x3FA4] =	sst s9;
	s0 =	simm.s32 @!p0 $0x0  }
0x12: {  	s1 =	sld [smem:$0x3F8A];
	s0 =	simm.s32 @p0 $0x1  }
0x13: {  	[smem:$0x3FA5] =	sst s0;
	s0 =	simm.s32 @!p1 $0x0  }
0x14: {  	s2 =	sld [smem:$0x3F89];
	s0 =	simm.s32 @p1 $0x1  }
0x15: {  	[smem:$0x3FA6] =	sst s0;
	s0 =	simm.s32 @!p2 $0x0  }
0x16: {  	s3 =	sld [smem:$0x3FDB];
	s0 =	simm.s32 @p2 $0x1  }
0x17: {  	s4 =	simm.s32 $0x1BF5;
	[smem:$0x3FA8] =	sst s0  }
0x18: {  	s0 =	sld [smem:$0x3F8B];
	_ =	swait.ge [sflag:s4], $0x0  }
0x19: {  	s7 =	sld [smem:$0x3F8C]  }
0x1a: {  	s8 =	sadd.s32 $0xFFFFE003, lr  }
0x1b: {  	s9 =	sadd.s32 $0xFFFFFEF7, lr;
	s5 =	simm.s32 $0xFFFFFFFF;
	p2 =	slt.u32 s8, $0xFFFFF086  }
0x1c: {  	p1 =	slt.u32 s9, $0xF7A;
	s5 =	simm.s32 @!p2 $0x0  }
0x1d: {  	s5 =	simm.s32 @p1 $0x1;
	p0 =	seq.s32 s7, s2  }
0x1e: {  	s7 =	smul.u32 @!p0 $0xF7A, s2;
	p2 =	seq.s32 @!p0 s5, $0x0  }
0x1f: {  	s9 =	smul.u32 $0xF7A, s1;
	s8 =	simm.s32 @!p0 $0x1BF5;
	p2 =	por !p2, p0  }
0x20: {  	[sflag:s8] =	ssyncset.s32 @!p0 $0xFFFFF086;
	s6 =	sadd.s32 @!p0 s3, s7;
	s7 =	simm.s32 @!p0 $0x108  }
0x21: {  	s3 =	sadd.s32 s3, s9;
	s6 =	sadd.s32 @!p0 $0x88, s6;
	s7 =	simm.s32 @p2 $0x1082  }
0x22: {  	[simem:s7], [sflag:s8] =	dma.local @!p0 [hbm:s6], $0xF7A  }
0x23: {  	s9 =	sor.u32 $0xD0000000, s2;
	s6 =	simm.s32 $0x108;
	_ =	swait.ge @!p0 [sflag:s8], $0x0  }
0x24: {  	s3 =	sadd.s32 $0x88, s3;
	s6 =	simm.s32 @!p1 $0x1082;
	[sflag:s4] =	ssyncset.s32 $0xFFFFF086  }
0x25: {  	[simem:s6], [sflag:s4] =	dma.local [hbm:s3], $0xF7A  }
0x26: {  	[smem:$0x3F8C] =	sst s1;
	(tag) =	ssettag s2;
	_ =	strace s9  }
0x27: {  	s1 =	sld [smem:$0x3F9C]  }
0x28: {  	s2 =	sld [smem:$0x3F9D]  }
0x29: {  	s4 =	sld [smem:$0x3F9F]  }
0x2a: {  	p0 =	seq.s32 s5, $0x0;
	s5 =	sld [smem:$0x3FA0]  }
0x2b: {  	s6 =	sld [smem:$0x3FA1]  }
0x2c: {  	s7 =	sld [smem:$0x3FA2]  }
0x2d: {  	s3 =	simm.s32 $0x108;
	s8 =	sld [smem:$0x3FA3]  }
0x2e: {  	s3 =	simm.s32 @!p0 $0x1082;
	s9 =	sld [smem:$0x3FA4]  }
0x2f: {  	lr =	sadd.s32 s0, s3;
	s0 =	sld [smem:$0x3F9B]  }
0x30: {  	s3 =	sld [smem:$0x3F9E]  }
0x31: {  	[smem:$0x3FA7] =	sst s10  }
0x32: {  	s10 =	sld [smem:$0x3FA5];
	_ =	sdelay $0x3  }
0x33: {  	p0 =	seq.s32 s10, $0x1;
	s10 =	sld [smem:$0x3FA7];
	_ =	sdelay $0x3  }
0x34: {  	[smem:$0x3FA7] =	sst s10  }
0x35: {  	s10 =	sld [smem:$0x3FA6];
	_ =	sdelay $0x3  }
0x36: {  	p1 =	seq.s32 s10, $0x1;
	s10 =	sld [smem:$0x3FA7];
	_ =	sdelay $0x3  }
0x37: {  	[smem:$0x3FA7] =	sst s10  }
0x38: {  	s10 =	sld [smem:$0x3FA8]  }
0x39: {  	_ = 	snop;
	(pc) =	sbr.ind lr, $3  }
0x3a: {  	_ = 	snop  }
0x3b: {  	_ = 	snop  }
0x3c: {  	p2 =	seq.s32 s10, $0x1;
	s10 =	sld [smem:$0x3FA7]  }
0x3d: {  	_ =	shalt  }
0x3e: {  	_ =	shalt  }
0x3f: {  	_ =	shalt  }
0x40: {  	_ =	shalt  }
0x41: {  	_ =	shalt  }
0x42: {  	_ =	shalt  }
0x43: {  	_ =	shalt  }
0x44: {  	_ =	shalt  }
0x45: {  	_ =	shalt  }
0x46: {  	_ =	shalt  }
0x47: {  	_ =	shalt  }
0x48: {  	_ =	shalt  }
0x49: {  	_ =	shalt  }
0x4a: {  	_ =	shalt  }
0x4b: {  	_ =	shalt  }
0x4c: {  	_ =	shalt  }
0x4d: {  	_ =	shalt  }
0x4e: {  	_ =	shalt  }
0x4f: {  	_ =	shalt  }
0x50: {  	_ =	shalt  }
0x51: {  	_ =	shalt  }
0x52: {  	_ =	shalt  }
0x53: {  	_ =	shalt  }
0x54: {  	_ =	shalt  }
0x55: {  	_ =	shalt  }
0x56: {  	_ =	shalt  }
0x57: {  	_ =	shalt  }
0x58: {  	_ =	shalt  }
0x59: {  	_ =	shalt  }
0x5a: {  	_ =	shalt  }
0x5b: {  	_ =	shalt  }
0x5c: {  	_ =	shalt  }
0x5d: {  	_ =	shalt  }
0x5e: {  	_ =	shalt  }
0x5f: {  	_ =	shalt  }
0x60: {  	_ =	shalt  }
0x61: {  	_ =	shalt  }
0x62: {  	_ =	shalt  }
0x63: {  	_ =	shalt  }
0x64: {  	_ =	shalt  }
0x65: {  	_ =	shalt  }
0x66: {  	_ =	shalt  }
0x67: {  	_ =	shalt  }
0x68: {  	_ =	shalt  }
0x69: {  	_ =	shalt  }
0x6a: {  	_ =	shalt  }
0x6b: {  	_ =	shalt  }
0x6c: {  	_ =	shalt  }
0x6d: {  	_ =	shalt  }
0x6e: {  	_ =	shalt  }
0x6f: {  	_ =	shalt  }
0x70: {  	_ =	shalt  }
0x71: {  	_ =	shalt  }
0x72: {  	_ =	shalt  }
0x73: {  	_ =	shalt  }
0x74: {  	_ =	shalt  }
0x75: {  	_ =	shalt  }
0x76: {  	_ =	shalt  }
0x77: {  	_ =	shalt  }
0x78: {  	_ =	shalt  }
0x79: {  	_ =	shalt  }
0x7a: {  	_ =	shalt  }
0x7b: {  	_ =	shalt  }
0x7c: {  	_ =	shalt  }
0x7d: {  	_ =	shalt  }
0x7e: {  	_ =	shalt  }
0x7f: {  	_ =	shalt  }
0x80: {  	_ =	shalt  }
0x81: {  	_ =	shalt  }
0x82: {  	_ =	shalt  }
0x83: {  	_ =	shalt  }
0x84: {  	_ =	shalt  }
0x85: {  	_ =	shalt  }
0x86: {  	_ =	shalt  }
0x87: {  	_ =	shalt  }
.Lfunc_end0:
.L_simem_size_0:
called_computation_lowered:
.L_overlay_start_0:
0x88: {  	s2 =	sld [smem:$0x3FD9]  }
0x89: {  	s3 =	sld [smem:$0x3FFE];
	_ =	sdelay $0x1  }
0x8a: {  	s1 =	srdreg.scid  }
0x8b: {  	s0 =	sand.u32 $0x1, s1  }
0x8c: {  	s16 =	sshll.u32 s0, $0xA;
	s2 =	sadd.s32 s3, s2  }
0x8d: {  	s2 =	sadd.s32 s2, s16  }
0x8e: {  	[smem:$0x3FB3] =	sst s2  }
0x8f: {  	_ = 	snop  }
0x90: {  	(tm) =	ssettm $0x1  }
0x91: {  	s17 =	sld [smem:$0x3FFB];
	_ =	sdelay $0x3  }
0x92: {  	_ =	strace s17  }
0x93: {  	s2 =	sld [smem:$0x3FFC];
	_ =	sdelay $0x3  }
0x94: {  	_ =	strace s2  }
0x95: {  	s2 =	sld [smem:$0x3FFD];
	_ =	sdelay $0x3  }
0x96: {  	_ =	strace s2  }
0x97: {  	_ =	strace $0x8FFFFFFF  }
0x98: {  	s18 =	sld [smem:$0x3FDB];
	_ =	sdelay $0x1  }
0x99: {  	s19 =	simm.s32 $_scs_section_size  }
0x9a: {  	s4 =	simm.s32 $_size__tile_overlayer_lowered;
	s5 =	simm.s32 $_tile_overlayer_lowered  }
0x9b: {  	s22 =	simm.s32 $0x1BFF;
	s21 =	sshll.u32 s5, $0x1;
	s2 =	sadd.s32 s19, s18  }
0x9c: {  	s6 =	simm.s32 $0x0;
	s20 =	sshll.u32 s4, $0x1;
	s4 =	sadd.s32 s21, s2  }
0x9d: {  	[timem:s6], [sflag:s22] =	dma.local [hbm:s4], s20  }
0x9e: {  	_ =	swait.ge [sflag:s22], s20  }
0x9f: {  	s3 =	ssub.s32 $0x0, s20;
	[sflag:s22] =	ssyncset.done $0x0  }
0xa0: {  	[sflag:s22] =	ssyncadd.s32 s3;
	_ =	sdelay $0x1  }
0xa1: {  	s23 =	simm.s32 $0x1B8B  }
0xa2: {  	_ =	swait.ge [sflag:s23], $0x1  }
0xa3: {  	[sflag:s23] =	ssyncset.done $0x0  }
0xa4: {  	s25 =	simm.s32 $0x1B8E;
	s24 =	sld [smem:$0x3FFE];
	[sflag:s23] =	ssyncadd.s32 $0xFFFFFFFF  }
0xa5: {  	s26 =	simm.s32 $execute0_lowered;
	[smem:$0x3FD2] =	sst s25  }
0xa6: {  	s4 =	sshll.u32 s26, $0x1;
	_ =	strace $0x80000046;
	[dreg:$0x1] =	wrdreg $0xFFFFFFFF  }
0xa7: {  	s28 =	simm.s32 $_size_execute0_lowered;
	s2 =	sadd.s32 s2, s4;
	[dreg:$0x0] =	wrdreg $0x0  }
0xa8: {  	s4 =	sshll.u32 s28, $0x1;
	[dreg:$0x2] =	wrdreg s2  }
0xa9: {  	[dreg:$0x3] =	wrdreg s4  }
0xaa: {  	[dreg:$0x4] =	wrdreg $0xC0  }
0xab: {  	_ =	task [dreg:s6], $0x5FFFF  }
0xac: {  	[dreg:$0x1] =	wrdreg $0xFFFFFFFF  }
0xad: {  	[dreg:$0x0] =	wrdreg $0x60  }
0xae: {  	[dreg:$0x2] =	wrdreg s24  }
0xaf: {  	[dreg:$0x3] =	wrdreg $0x53900  }
0xb0: {  	[dreg:$0x4] =	wrdreg $0x9  }
0xb1: {  	_ =	task.clear_ibuf [dreg:s6], $0x5FFFF;
	_ =	strace $0x90000046  }
0xb2: {  	s29 =	simm.s32 $0x9;
	_ =	strace $0x80000048  }
0xb3: {  	_ =	swait.ge [sflag:s29], $0x1  }
0xb4: {  	[sflag:s29] =	ssyncadd.s32 $0xFFFFFFFF  }
0xb5: {  	_ =	strace $0x90000048  }
0xb6: {  	_ =	sfence  }
0xb7: {  	s30 =	sld [smem:$0x0];
	_ =	sdelay $0x2  }
0xb8: {  	s31 =	sshll.u32 s1, $0xD;
	s1 =	sshrl.u32 s1, $0x2  }
0xb9: {  	s3 =	sand.u32 $0x4000, s31;
	s1 =	sadd.s32 s1, s30  }
0xba: {  	s0 =	sor.u32 s3, s0;
	s1 =	sshll.u32 s1, $0x11  }
0xbb: {  	s0 =	sor.u32 s1, s0  }
0xbc: {  	s0 =	sadd.s32 $0x8F2B, s0  }
0xbd: {  	[sflag:s0] =	ssyncadd.remote.s32 $0x1  }
0xbe: {  	_ =	sfence.sel $0xFFFF  }
0xbf: {  	[dreg:$0x0] =	wrdreg $0xFFFFFFFF;
	(pc) =	sbr.abs _section_cstart, $3  }
0xc0: {  	[dreg:$0x1] =	wrdreg $0xFFFFFFFF  }
0xc1: {  	_ =	task.clear_ibuf [dreg:s6], $0x2FFFF;
	_ =	strace $0x9FFFFFFF  }
0xc2: {  	(tm) =	ssettm $0x7FFFFFFF  }
0xc3: {  	_ =	shalt  }
tec
execute0_lowered:
.L_overlay_start_1:
0x0: {  	(tag) =	ssettag $0x1  }
0x1: {  	s1 =	srdreg.scid;
	s4 =	rddreg [dreg:$0x0]  }
0x2: {  	s0 =	stileid.u32;
	s2 =	rddreg [dreg:$0x1];
	s3 =	simm.s32 $0x0  }
0x3: {  	s10 =	simm.s32 $0x50;
	s5 =	sand.u32 $0x1, s1;
	s1 =	rddreg [dreg:$0x2]  }
0x4: {  	s11 =	simm.s32 $0x2710;
	s6 =	smul.u32 $0x2780, s0;
	[smem:$0x7FF] =	sst s3  }
0x5: {  	s12 =	sshll.u32 s0, $0x6;
	s7 =	sshll.u32 s5, $0x4;
	s8 =	smul.u32 $0x27800, s5  }
0x6: {  	_ =	strace $0x80000047;
	s5 =	ssub.s32 $0x2, s5;
	s7 =	sor.u32 s0, s7  }
0x7: {  	s31 =	sshrl.u32 s5, $0x1;
	s7 =	smul.u32 $0x4E2, s7;
	s8 =	sadd.s32 s6, s8  }
0x8: {  	s12 =	sor.u32 $0x1C01, s12;
	s9 =	ssub.s32 s5, s31;
	s8 =	sshrl.u32 s8, $0x3  }
0x9: {  	s7 =	sadd.s32 s7, s4;
	s8 =	sadd.s32 s8, s4;
	s4 =	sadd.s32 s6, s2  }
0xa: {  	s5 =	sadd.s32 $0xE400, s7;
	s6 =	sadd.s32 $0x18200, s8;
	s7 =	smax.u32 s9, $0x1  }
0xb: {  	v0 =	vimm.f32 $1.000000000e+00;
	v1 =	vimm.f32 $0.0e+00;
	s8 =	simm.s32 $0x2C10;
	s9 =	simm.s32 $0x1;
	s13 =	sshrl.u32 s4, $0x3  }
.LBB2_1:
0xc: {  	s14 =	simm.s32 $0x0  }
.LBB2_2:
0xd: {  	p0 =	sne.s32 s14, $0x13C0  }
.Ltmp0:
0xe: {  	_ = 	snop;
	(pc) =	sbr.rel @p0 .LBB2_2-.Ltmp0, $3  }
0xf: {  	_ =	sdelay $0x1  }
0x10: {  	s15 =	sshra.s32 s14, $0x2  }
0x11: {  	s14 =	sadd.s32 $0x40, s14;
	[tilespmem:s15+$0x2710] =	vst v0  }
0x12: {  	s14 =	simm.s32 $0x40;
	s15 =	simm.s32 $0x0  }
.LBB2_4:
0x13: {  	p0 =	sne.s32 s14, $0x9DC0;
	[tilespmem:s15+$0x2C10] =	vst v1;
	s15 =	smov.u32 s14;
	s14 =	sadd.s32 $0x40, s14  }
.Ltmp1:
0x14: {  	(pc) =	sbr.rel @p0 .LBB2_4-.Ltmp1, $2  }
0x15: {  	_ =	sdelay $0x2  }
0x16: {  	s15 =	sshra.s32 s15, $0x2  }
0x17: {  	[tilespmem:s15+$0x2C10] =	vst v1  }
0x18: {  	[spmem:s4] =	stream.linear.scatter [tilespmem:s8], [sflag:$0x1], $0x2780, $0x38;
	[tilespmem:$0x7B10] =	vst v63  }
0x19: {  	_ =	swait.ge [sflag:s9], $0x2780  }
0x1a: {  	[sflag:s9] =	ssyncset.done $0x0  }
0x1b: {  	s14 =	simm.s32 $0x0;
	[sflag:s9] =	ssyncadd.s32 $0xFFFFD880  }
0x1c: {  	[tilespmem:s14], [sflag:$0x1] =	stream.linear.gather [hbm4b:s5+s14], $0x2710, $0x38;
	[tilespmem:$0x7B10] =	vst v63  }
0x1d: {  	_ =	swait.ge [sflag:s9], $0x2710  }
0x1e: {  	[sflag:s9] =	ssyncset.done $0x0  }
0x1f: {  	[sflag:s9] =	ssyncadd.s32 $0xFFFFD8F0  }
0x20: {  	s31 =	simm.s32 $0x0;
	[bflag:$0x0] =	sbarrier.arrive $0xFFFF  }
0x21: {  	[spmem:s2] =	stream.indirect.scatter.add.f32 [tilespmem:s11], [sflag:$0x1], $0x10, s31, s10, $0xb8;
	[tilespmem:$0x7B10] =	vst v63  }
0x22: {  	_ =	swait.ge [sflag:s9], $0x500  }
0x23: {  	s14 =	simm.s32 $0x140;
	[sflag:s9] =	ssyncset.done $0x0  }
.LBB2_6:
0x24: {  	s15 =	sshra.s32 s14, $0x2;
	[sflag:s9] =	ssyncadd.s32 $0xFFFFFB00;
	p0 =	sne.s32 s14, $0x9B00  }
0x25: {  	[spmem:s2] =	stream.indirect.scatter.add.f32 [tilespmem:s11], [sflag:$0x1], $0x10, s15, s10, $0xb8;
	[tilespmem:$0x7B10] =	vst v63  }
.Ltmp2:
0x26: {  	_ = 	snop;
	(pc) =	sbr.rel @p0 .LBB2_6-.Ltmp2, $4  }
0x27: {  	_ = 	snop  }
0x28: {  	s14 =	sadd.s32 $0x140, s14  }
0x29: {  	_ =	swait.ge [sflag:s9], $0x500  }
0x2a: {  	[sflag:s9] =	ssyncset.done $0x0  }
0x2b: {  	s3 =	sadd.s32 $0x1, s3  }
0x2c: {  	[sflag:s9] =	ssyncadd.s32 $0xFFFFFB00;
	p0 =	sne.s32 s3, s7  }
.Ltmp3:
0x2d: {  	[bflag:$0x0] =	sbarrier.arrive $0xFFFF;
	(pc) =	sbr.rel @p0 .LBB2_1-.Ltmp3, $4  }
0x2e: {  	[hbm:s6], [sflag:s12] =	dma.local [spmem:s13], $0x4F0  }
0x2f: {  	_ =	swait.ge [sflag:s9], $0x4F0  }
0x30: {  	[sflag:s9] =	ssyncset.done $0x0  }
0x31: {  	[sflag:s9] =	ssyncadd.s32 $0xFFFFFB10  }
0x32: {  	_ =	sfence.sel $0x180000  }
0x33: {  	[bflag:$0x0] =	sbarrier.arrive $0xFFFF  }
0x34: {  	p0 =	sne.s32 s0, $0x0;
	_ =	strace $0x90000047  }
0x35: {  	s0 =	sadd.s32 @!p0 $0x100000, s1;
	[bflag:$0x2] =	sbarrier.arrive $0xFFFF  }
0x36: {  	[sflag:s0] =	ssyncadd.tile.s32 @!p0 $0x1;
	_ =	shalt  }
.Lfunc_end2:
_tile_overlayer_lowered:
.L_overlay_start_2:
0x37: {  	(tag) =	ssettag $0x2  }
0x38: {  	s0 =	rddreg [dreg:$0x0];
	s2 =	stileid.u32  }
0x39: {  	s1 =	rddreg [dreg:$0x1];
	p0 =	sne.s32 s2, $0x0  }
0x3a: {  	s3 =	rddreg [dreg:$0x2];
	[bflag:$0x3] =	sbarrier.arrive $0xFFFF;
	s2 =	simm.s32 @!p0 $0x1C01  }
0x3b: {  	[timem:s3], [sflag:s2] =	dma.local @!p0 [hbm:s0], s1  }
0x3c: {  	s0 =	simm.s32 @!p0 $0x1  }
0x3d: {  	_ =	swait.ge @!p0 [sflag:s0], s1  }
0x3e: {  	s1 =	ssub.s32 @!p0 $0x0, s1;
	[sflag:s0] =	ssyncset.done @!p0 $0x0  }
0x3f: {  	[sflag:s0] =	ssyncadd.s32 @!p0 s1  }
0x40: {  	[bflag:$0x3] =	sbarrier.arrive $0xFFFF  }
0x41: {  	_ =	shalt  }

// kernel: kernel.16.cloned.1.call-start
scs
__scs_entry_jumppad:
0x0: {  	(pc) =	sbr.rel $0x88, $3  }
0x1: {  	(tag) =	ssettag $0x0;
	lr =	simm.s32 $0x1  }
0x2: {  	[smem:$0x3F8C] =	sst lr;
	_ =	strace $0xD0000000  }
0x3: {  	_ = 	snop  }
0x4: {  	_ = 	snop  }
0x5: {  	_ = 	snop  }
0x6: {  	_ = 	snop  }
0x7: {  	_ = 	snop  }
__scs_overlays_trampoline_lowered:
0x8: {  	[smem:$0x3F9B] =	sst s0  }
0x9: {  	[smem:$0x3F9C] =	sst s1  }
0xa: {  	[smem:$0x3F9D] =	sst s2  }
0xb: {  	[smem:$0x3F9E] =	sst s3  }
0xc: {  	[smem:$0x3F9F] =	sst s4  }
0xd: {  	[smem:$0x3FA0] =	sst s5  }
0xe: {  	[smem:$0x3FA1] =	sst s6  }
0xf: {  	[smem:$0x3FA2] =	sst s7  }
0x10: {  	[smem:$0x3FA3] =	sst s8  }
0x11: {  	[smem:$0x3FA4] =	sst s9;
	s0 =	simm.s32 @!p0 $0x0  }
0x12: {  	s1 =	sld [smem:$0x3F8A];
	s0 =	simm.s32 @p0 $0x1  }
0x13: {  	[smem:$0x3FA5] =	sst s0;
	s0 =	simm.s32 @!p1 $0x0  }
0x14: {  	s2 =	sld [smem:$0x3F89];
	s0 =	simm.s32 @p1 $0x1  }
0x15: {  	[smem:$0x3FA6] =	sst s0;
	s0 =	simm.s32 @!p2 $0x0  }
0x16: {  	s3 =	sld [smem:$0x3FDB];
	s0 =	simm.s32 @p2 $0x1  }
0x17: {  	s4 =	simm.s32 $0x1BF5;
	[smem:$0x3FA8] =	sst s0  }
0x18: {  	s0 =	sld [smem:$0x3F8B];
	_ =	swait.ge [sflag:s4], $0x0  }
0x19: {  	s7 =	sld [smem:$0x3F8C]  }
0x1a: {  	s8 =	sadd.s32 $0xFFFFE003, lr  }
0x1b: {  	s9 =	sadd.s32 $0xFFFFFEF7, lr;
	s5 =	simm.s32 $0xFFFFFFFF;
	p2 =	slt.u32 s8, $0xFFFFF086  }
0x1c: {  	p1 =	slt.u32 s9, $0xF7A;
	s5 =	simm.s32 @!p2 $0x0  }
0x1d: {  	s5 =	simm.s32 @p1 $0x1;
	p0 =	seq.s32 s7, s2  }
0x1e: {  	s7 =	smul.u32 @!p0 $0xF7A, s2;
	p2 =	seq.s32 @!p0 s5, $0x0  }
0x1f: {  	s9 =	smul.u32 $0xF7A, s1;
	s8 =	simm.s32 @!p0 $0x1BF5;
	p2 =	por !p2, p0  }
0x20: {  	[sflag:s8] =	ssyncset.s32 @!p0 $0xFFFFF086;
	s6 =	sadd.s32 @!p0 s3, s7;
	s7 =	simm.s32 @!p0 $0x108  }
0x21: {  	s3 =	sadd.s32 s3, s9;
	s6 =	sadd.s32 @!p0 $0x88, s6;
	s7 =	simm.s32 @p2 $0x1082  }
0x22: {  	[simem:s7], [sflag:s8] =	dma.local @!p0 [hbm:s6], $0xF7A  }
0x23: {  	s9 =	sor.u32 $0xD0000000, s2;
	s6 =	simm.s32 $0x108;
	_ =	swait.ge @!p0 [sflag:s8], $0x0  }
0x24: {  	s3 =	sadd.s32 $0x88, s3;
	s6 =	simm.s32 @!p1 $0x1082;
	[sflag:s4] =	ssyncset.s32 $0xFFFFF086  }
0x25: {  	[simem:s6], [sflag:s4] =	dma.local [hbm:s3], $0xF7A  }
0x26: {  	[smem:$0x3F8C] =	sst s1;
	(tag) =	ssettag s2;
	_ =	strace s9  }
0x27: {  	s1 =	sld [smem:$0x3F9C]  }
0x28: {  	s2 =	sld [smem:$0x3F9D]  }
0x29: {  	s4 =	sld [smem:$0x3F9F]  }
0x2a: {  	p0 =	seq.s32 s5, $0x0;
	s5 =	sld [smem:$0x3FA0]  }
0x2b: {  	s6 =	sld [smem:$0x3FA1]  }
0x2c: {  	s7 =	sld [smem:$0x3FA2]  }
0x2d: {  	s3 =	simm.s32 $0x108;
	s8 =	sld [smem:$0x3FA3]  }
0x2e: {  	s3 =	simm.s32 @!p0 $0x1082;
	s9 =	sld [smem:$0x3FA4]  }
0x2f: {  	lr =	sadd.s32 s0, s3;
	s0 =	sld [smem:$0x3F9B]  }
0x30: {  	s3 =	sld [smem:$0x3F9E]  }
0x31: {  	[smem:$0x3FA7] =	sst s10  }
0x32: {  	s10 =	sld [smem:$0x3FA5];
	_ =	sdelay $0x3  }
0x33: {  	p0 =	seq.s32 s10, $0x1;
	s10 =	sld [smem:$0x3FA7];
	_ =	sdelay $0x3  }
0x34: {  	[smem:$0x3FA7] =	sst s10  }
0x35: {  	s10 =	sld [smem:$0x3FA6];
	_ =	sdelay $0x3  }
0x36: {  	p1 =	seq.s32 s10, $0x1;
	s10 =	sld [smem:$0x3FA7];
	_ =	sdelay $0x3  }
0x37: {  	[smem:$0x3FA7] =	sst s10  }
0x38: {  	s10 =	sld [smem:$0x3FA8]  }
0x39: {  	_ = 	snop;
	(pc) =	sbr.ind lr, $3  }
0x3a: {  	_ = 	snop  }
0x3b: {  	_ = 	snop  }
0x3c: {  	p2 =	seq.s32 s10, $0x1;
	s10 =	sld [smem:$0x3FA7]  }
0x3d: {  	_ =	shalt  }
0x3e: {  	_ =	shalt  }
0x3f: {  	_ =	shalt  }
0x40: {  	_ =	shalt  }
0x41: {  	_ =	shalt  }
0x42: {  	_ =	shalt  }
0x43: {  	_ =	shalt  }
0x44: {  	_ =	shalt  }
0x45: {  	_ =	shalt  }
0x46: {  	_ =	shalt  }
0x47: {  	_ =	shalt  }
0x48: {  	_ =	shalt  }
0x49: {  	_ =	shalt  }
0x4a: {  	_ =	shalt  }
0x4b: {  	_ =	shalt  }
0x4c: {  	_ =	shalt  }
0x4d: {  	_ =	shalt  }
0x4e: {  	_ =	shalt  }
0x4f: {  	_ =	shalt  }
0x50: {  	_ =	shalt  }
0x51: {  	_ =	shalt  }
0x52: {  	_ =	shalt  }
0x53: {  	_ =	shalt  }
0x54: {  	_ =	shalt  }
0x55: {  	_ =	shalt  }
0x56: {  	_ =	shalt  }
0x57: {  	_ =	shalt  }
0x58: {  	_ =	shalt  }
0x59: {  	_ =	shalt  }
0x5a: {  	_ =	shalt  }
0x5b: {  	_ =	shalt  }
0x5c: {  	_ =	shalt  }
0x5d: {  	_ =	shalt  }
0x5e: {  	_ =	shalt  }
0x5f: {  	_ =	shalt  }
0x60: {  	_ =	shalt  }
0x61: {  	_ =	shalt  }
0x62: {  	_ =	shalt  }
0x63: {  	_ =	shalt  }
0x64: {  	_ =	shalt  }
0x65: {  	_ =	shalt  }
0x66: {  	_ =	shalt  }
0x67: {  	_ =	shalt  }
0x68: {  	_ =	shalt  }
0x69: {  	_ =	shalt  }
0x6a: {  	_ =	shalt  }
0x6b: {  	_ =	shalt  }
0x6c: {  	_ =	shalt  }
0x6d: {  	_ =	shalt  }
0x6e: {  	_ =	shalt  }
0x6f: {  	_ =	shalt  }
0x70: {  	_ =	shalt  }
0x71: {  	_ =	shalt  }
0x72: {  	_ =	shalt  }
0x73: {  	_ =	shalt  }
0x74: {  	_ =	shalt  }
0x75: {  	_ =	shalt  }
0x76: {  	_ =	shalt  }
0x77: {  	_ =	shalt  }
0x78: {  	_ =	shalt  }
0x79: {  	_ =	shalt  }
0x7a: {  	_ =	shalt  }
0x7b: {  	_ =	shalt  }
0x7c: {  	_ =	shalt  }
0x7d: {  	_ =	shalt  }
0x7e: {  	_ =	shalt  }
0x7f: {  	_ =	shalt  }
0x80: {  	_ =	shalt  }
0x81: {  	_ =	shalt  }
0x82: {  	_ =	shalt  }
0x83: {  	_ =	shalt  }
0x84: {  	_ =	shalt  }
0x85: {  	_ =	shalt  }
0x86: {  	_ =	shalt  }
0x87: {  	_ =	shalt  }
.Lfunc_end0:
.L_simem_size_0:
called_computation.1_lowered:
.L_overlay_start_0:
0x88: {  	s2 =	sld [smem:$0x3FD9]  }
0x89: {  	s3 =	sld [smem:$0x3FFE];
	_ =	sdelay $0x1  }
0x8a: {  	s1 =	srdreg.scid  }
0x8b: {  	s0 =	sand.u32 $0x1, s1  }
0x8c: {  	s16 =	sshll.u32 s0, $0xA;
	s2 =	sadd.s32 s3, s2  }
0x8d: {  	s2 =	sadd.s32 s2, s16  }
0x8e: {  	[smem:$0x3FB3] =	sst s2  }
0x8f: {  	_ = 	snop  }
0x90: {  	(tm) =	ssettm $0x1  }
0x91: {  	s17 =	sld [smem:$0x3FFB];
	_ =	sdelay $0x3  }
0x92: {  	_ =	strace s17  }
0x93: {  	s2 =	sld [smem:$0x3FFC];
	_ =	sdelay $0x3  }
0x94: {  	_ =	strace s2  }
0x95: {  	s2 =	sld [smem:$0x3FFD];
	_ =	sdelay $0x3  }
0x96: {  	_ =	strace s2  }
0x97: {  	_ =	strace $0x8FFFFFFF  }
0x98: {  	s18 =	sld [smem:$0x3FDB];
	_ =	sdelay $0x1  }
0x99: {  	s19 =	simm.s32 $_scs_section_size  }
0x9a: {  	s4 =	simm.s32 $_size__tile_overlayer_lowered;
	s5 =	simm.s32 $_tile_overlayer_lowered  }
0x9b: {  	s22 =	simm.s32 $0x1BFF;
	s21 =	sshll.u32 s5, $0x1;
	s2 =	sadd.s32 s19, s18  }
0x9c: {  	s6 =	simm.s32 $0x0;
	s20 =	sshll.u32 s4, $0x1;
	s4 =	sadd.s32 s21, s2  }
0x9d: {  	[timem:s6], [sflag:s22] =	dma.local [hbm:s4], s20  }
0x9e: {  	_ =	swait.ge [sflag:s22], s20  }
0x9f: {  	s3 =	ssub.s32 $0x0, s20;
	[sflag:s22] =	ssyncset.done $0x0  }
0xa0: {  	[sflag:s22] =	ssyncadd.s32 s3;
	_ =	sdelay $0x1  }
0xa1: {  	s23 =	simm.s32 $0x1B8B  }
0xa2: {  	_ =	swait.ge [sflag:s23], $0x1  }
0xa3: {  	[sflag:s23] =	ssyncset.done $0x0  }
0xa4: {  	s25 =	simm.s32 $0x1B8E;
	s24 =	sld [smem:$0x3FFE];
	[sflag:s23] =	ssyncadd.s32 $0xFFFFFFFF  }
0xa5: {  	s26 =	simm.s32 $execute0_lowered;
	[smem:$0x3FD2] =	sst s25  }
0xa6: {  	s4 =	sshll.u32 s26, $0x1;
	_ =	strace $0x80000049;
	[dreg:$0x1] =	wrdreg $0xFFFFFFFF  }
0xa7: {  	s28 =	simm.s32 $_size_execute0_lowered;
	s2 =	sadd.s32 s2, s4;
	[dreg:$0x0] =	wrdreg $0x0  }
0xa8: {  	s4 =	sshll.u32 s28, $0x1;
	[dreg:$0x2] =	wrdreg s2  }
0xa9: {  	[dreg:$0x3] =	wrdreg s4  }
0xaa: {  	[dreg:$0x4] =	wrdreg $0xC0  }
0xab: {  	_ =	task [dreg:s6], $0x5FFFF  }
0xac: {  	[dreg:$0x1] =	wrdreg $0xFFFFFFFF  }
0xad: {  	[dreg:$0x0] =	wrdreg $0x60  }
0xae: {  	[dreg:$0x2] =	wrdreg s24  }
0xaf: {  	[dreg:$0x3] =	wrdreg $0x100200  }
0xb0: {  	[dreg:$0x4] =	wrdreg $0x9  }
0xb1: {  	_ =	task.clear_ibuf [dreg:s6], $0x5FFFF;
	_ =	strace $0x90000049  }
0xb2: {  	s29 =	simm.s32 $0x9;
	_ =	strace $0x8000004B  }
0xb3: {  	_ =	swait.ge [sflag:s29], $0x1  }
0xb4: {  	[sflag:s29] =	ssyncadd.s32 $0xFFFFFFFF  }
0xb5: {  	_ =	strace $0x9000004B  }
0xb6: {  	_ =	sfence  }
0xb7: {  	s30 =	sld [smem:$0x0];
	_ =	sdelay $0x2  }
0xb8: {  	s31 =	sshll.u32 s1, $0xD;
	s1 =	sshrl.u32 s1, $0x2  }
0xb9: {  	s3 =	sand.u32 $0x4000, s31;
	s1 =	sadd.s32 s1, s30  }
0xba: {  	s0 =	sor.u32 s3, s0;
	s1 =	sshll.u32 s1, $0x11  }
0xbb: {  	s0 =	sor.u32 s1, s0  }
0xbc: {  	s0 =	sadd.s32 $0x8F2B, s0  }
0xbd: {  	[sflag:s0] =	ssyncadd.remote.s32 $0x1  }
0xbe: {  	_ =	sfence.sel $0xFFFF  }
0xbf: {  	[dreg:$0x0] =	wrdreg $0xFFFFFFFF;
	(pc) =	sbr.abs _section_cstart, $3  }
0xc0: {  	[dreg:$0x1] =	wrdreg $0xFFFFFFFF  }
0xc1: {  	_ =	task.clear_ibuf [dreg:s6], $0x2FFFF;
	_ =	strace $0x9FFFFFFF  }
0xc2: {  	(tm) =	ssettm $0x7FFFFFFF  }
0xc3: {  	_ =	shalt  }
tec
execute0_lowered:
.L_overlay_start_1:
0x0: {  	(tag) =	ssettag $0x1  }
0x1: {  	s5 =	rddreg [dreg:$0x0]  }
0x2: {  	s2 =	rddreg [dreg:$0x1];
	s3 =	srdreg.scid  }
0x3: {  	s1 =	stileid.u32;
	s0 =	rddreg [dreg:$0x2];
	s11 =	simm.s32 $0x2  }
0x4: {  	s12 =	simm.s32 $0x2710;
	s13 =	simm.s32 $0x50;
	s14 =	simm.s32 $0x4E20  }
0x5: {  	s15 =	simm.s32 $0x1;
	s16 =	simm.s32 $0x26C0;
	s17 =	simm.s32 $0x4DD0  }
0x6: {  	s18 =	simm.s32 $0x0;
	s6 =	sand.u32 $0x1, s3;
	s7 =	smul.u32 $0x9E00, s1  }
0x7: {  	s3 =	simm.s32 $0x0;
	s4 =	sshll.u32 s6, $0x4;
	s8 =	smul.u32 $0x9E000, s6  }
0x8: {  	[smem:$0x7FF] =	sst s3;
	s6 =	ssub.s32 $0x2, s6;
	s4 =	sor.u32 s1, s4  }
0x9: {  	_ =	strace $0x8000004A;
	s9 =	smul.u32 $0x4E2, s4;
	s8 =	sadd.s32 s7, s8  }
0xa: {  	s31 =	sshrl.u32 s6, $0x1;
	s4 =	sadd.s32 $0x18200, s5;
	s8 =	sshrl.u32 s8, $0x3  }
0xb: {  	s10 =	ssub.s32 s6, s31;
	s9 =	sadd.s32 s9, s5;
	s8 =	sadd.s32 s8, s5  }
0xc: {  	s5 =	sadd.s32 s7, s2;
	s6 =	sadd.s32 $0x4600, s9;
	s7 =	sadd.s32 $0xE400, s9  }
0xd: {  	v0 =	vimm.f32 $0.0e+00;
	s8 =	sadd.s32 $0x2BC00, s8;
	s9 =	smax.u32 s10, $0x1;
	s10 =	simm.s32 $0x6220  }
.LBB2_1:
0xe: {  	s20 =	simm.s32 $0x100;
	s19 =	simm.s32 $0x0  }
.LBB2_2:
0xf: {  	p0 =	sne.s32 s20, $0x27700;
	[tilespmem:s19+$0x6250] =	vst v0;
	s21 =	smov.u32 s20;
	s20 =	sadd.s32 $0x100, s20  }
.Ltmp0:
0x10: {  	[tilespmem:s19+$0x6240] =	vst v0;
	(pc) =	sbr.rel @p0 .LBB2_2-.Ltmp0, $3  }
0x11: {  	[tilespmem:s19+$0x6220] =	vst v0  }
0x12: {  	[tilespmem:s19+$0x6230] =	vst v0;
	_ =	sdelay $0x1  }
0x13: {  	s19 =	sshra.s32 s21, $0x2  }
0x14: {  	[tilespmem:s19+$0x6250] =	vst v0  }
0x15: {  	[tilespmem:s19+$0x6240] =	vst v0  }
0x16: {  	[tilespmem:s19+$0x6220] =	vst v0  }
0x17: {  	[tilespmem:s19+$0x6230] =	vst v0  }
0x18: {  	[spmem:s5] =	stream.linear.scatter [tilespmem:s10], [sflag:$0x2], $0x9E00, $0x38;
	[tilespmem:$0x19E20] =	vst v63  }
0x19: {  	_ =	swait.ge [sflag:s11], $0x9E00  }
0x1a: {  	[sflag:s11] =	ssyncset.done $0x0  }
0x1b: {  	[sflag:s11] =	ssyncadd.s32 $0xFFFF6200  }
0x1c: {  	[tilespmem:s3], [sflag:$0x2] =	stream.linear.gather [hbm4b:s6+s3], $0x2710, $0x38;
	[tilespmem:$0x19E20] =	vst v63  }
0x1d: {  	_ =	swait.ge [sflag:s11], $0x2710  }
0x1e: {  	[sflag:s11] =	ssyncset.done $0x0  }
0x1f: {  	[sflag:s11] =	ssyncadd.s32 $0xFFFFD8F0  }
0x20: {  	[tilespmem:s12], [sflag:$0x2] =	stream.linear.gather [hbm4b:s7+s3], $0x2710, $0x38;
	[tilespmem:$0x19E20] =	vst v63  }
0x21: {  	_ =	swait.ge [sflag:s11], $0x2710  }
0x22: {  	[sflag:s11] =	ssyncset.done $0x0  }
0x23: {  	[sflag:s11] =	ssyncadd.s32 $0xFFFFD8F0  }
0x24: {  	s29 =	simm.s32 $0x0;
	[bflag:$0x0] =	sbarrier.arrive $0xFFFF  }
0x25: {  	[tilespmem:s14], [sflag:$0x1] =	stream.indirect.gather [hbm4b:s4+s13], $0x40, s29, s13, $0xb8;
	[tilespmem:$0x19E20] =	vst v63  }
0x26: {  	_ =	swait.ge [sflag:s15], $0x1400  }
0x27: {  	[sflag:s15] =	ssyncset.done $0x0  }
0x28: {  	s30 =	simm.s32 $0x2710;
	[sflag:s15] =	ssyncadd.s32 $0xFFFFEC00  }
0x29: {  	[spmem:s2] =	stream.indirect.scatter.add.f32 [tilespmem:s14], [sflag:$0x2], $0x40, s30, s13, $0xb8;
	[tilespmem:$0x19E20] =	vst v63  }
0x2a: {  	_ =	swait.ge [sflag:s11], $0x1400  }
0x2b: {  	[sflag:s11] =	ssyncset.done $0x0  }
0x2c: {  	s31 =	simm.s32 $0x50;
	[sflag:s11] =	ssyncadd.s32 $0xFFFFEC00  }
0x2d: {  	[tilespmem:s14], [sflag:$0x1] =	stream.indirect.gather [hbm4b:s4+s13], $0x40, s31, s13, $0xb8;
	[tilespmem:$0x19E20] =	vst v63  }
0x2e: {  	_ =	swait.ge [sflag:s15], $0x1400  }
0x2f: {  	[sflag:s15] =	ssyncset.done $0x0  }
0x30: {  	s19 =	simm.s32 $0x2760;
	[sflag:s15] =	ssyncadd.s32 $0xFFFFEC00  }
0x31: {  	[spmem:s2] =	stream.indirect.scatter.add.f32 [tilespmem:s14], [sflag:$0x2], $0x40, s19, s13, $0xb8;
	[tilespmem:$0x19E20] =	vst v63  }
0x32: {  	_ =	swait.ge [sflag:s11], $0x1400  }
0x33: {  	s20 =	simm.s32 $0x0;
	s21 =	simm.s32 $0xF0;
	[sflag:s11] =	ssyncset.done $0x0  }
.LBB2_4:
0x34: {  	s22 =	sadd.s32 $0xFFFFFFB0, s21;
	[sflag:s11] =	ssyncadd.s32 $0xFFFFEC00  }
0x35: {  	[tilespmem:s14], [sflag:$0x1] =	stream.indirect.gather [hbm4b:s4+s13], $0x40, s22, s13, $0xb8;
	[tilespmem:$0x19E20] =	vst v63  }
0x36: {  	_ =	swait.ge [sflag:s15], $0x1400  }
0x37: {  	s19 =	sadd.s32 $0xA0, s19;
	[sflag:s15] =	ssyncset.done $0x0  }
0x38: {  	s22 =	sadd.s32 $0xFFFFFFB0, s19;
	[sflag:s15] =	ssyncadd.s32 $0xFFFFEC00  }
0x39: {  	[spmem:s2] =	stream.indirect.scatter.add.f32 [tilespmem:s14], [sflag:$0x2], $0x40, s22, s13, $0xb8;
	[tilespmem:$0x19E20] =	vst v63  }
0x3a: {  	_ =	swait.ge [sflag:s11], $0x1400  }
0x3b: {  	s20 =	sadd.s32 $0x2, s20;
	[sflag:s11] =	ssyncset.done $0x0  }
0x3c: {  	p0 =	slt.u32 s20, $0x7A;
	[sflag:s11] =	ssyncadd.s32 $0xFFFFEC00  }
0x3d: {  	[tilespmem:s14], [sflag:$0x1] =	stream.indirect.gather [hbm4b:s4+s13], $0x40, s21, s13, $0xb8;
	[tilespmem:$0x19E20] =	vst v63  }
0x3e: {  	_ =	swait.ge [sflag:s15], $0x1400  }
.Ltmp1:
0x3f: {  	[sflag:s15] =	ssyncset.done $0x0;
	(pc) =	sbr.rel @p0 .LBB2_4-.Ltmp1, $4  }
0x40: {  	[sflag:s15] =	ssyncadd.s32 $0xFFFFEC00  }
0x41: {  	[spmem:s2] =	stream.indirect.scatter.add.f32 [tilespmem:s14], [sflag:$0x2], $0x40, s19, s13, $0xb8;
	[tilespmem:$0x19E20] =	vst v63  }
0x42: {  	_ =	swait.ge [sflag:s11], $0x1400  }
0x43: {  	s21 =	sadd.s32 $0xA0, s21;
	[sflag:s11] =	ssyncset.done $0x0  }
0x44: {  	[sflag:s11] =	ssyncadd.s32 $0xFFFFEC00  }
0x45: {  	[tilespmem:s14], [sflag:$0x1] =	stream.indirect.gather [hbm4b:s4+s13], $0x40, s16, s13, $0xb8;
	[tilespmem:$0x19E20] =	vst v63  }
0x46: {  	_ =	swait.ge [sflag:s15], $0x1400  }
0x47: {  	[sflag:s15] =	ssyncset.done $0x0  }
0x48: {  	[sflag:s15] =	ssyncadd.s32 $0xFFFFEC00  }
0x49: {  	[spmem:s2] =	stream.indirect.scatter.add.f32 [tilespmem:s14], [sflag:$0x2], $0x40, s17, s13, $0xb8;
	[tilespmem:$0x19E20] =	vst v63  }
0x4a: {  	_ =	swait.ge [sflag:s11], $0x1400  }
0x4b: {  	s19 =	sshll.u32 s1, $0x6;
	s18 =	sadd.s32 $0x1, s18;
	[sflag:s11] =	ssyncset.done $0x0  }
0x4c: {  	s20 =	sshrl.u32 s5, $0x3;
	p0 =	sne.s32 s18, s9;
	[sflag:s11] =	ssyncadd.s32 $0xFFFFEC00  }
.Ltmp2:
0x4d: {  	s19 =	sor.u32 $0x1C02, s19;
	[bflag:$0x0] =	sbarrier.arrive $0xFFFF;
	(pc) =	sbr.rel @p0 .LBB2_1-.Ltmp2, $4  }
0x4e: {  	[hbm:s8], [sflag:s19] =	dma.local [spmem:s20], $0x13C0  }
0x4f: {  	_ =	swait.ge [sflag:s11], $0x13C0  }
0x50: {  	[sflag:s11] =	ssyncset.done $0x0  }
0x51: {  	[sflag:s11] =	ssyncadd.s32 $0xFFFFEC40  }
0x52: {  	_ =	sfence.sel $0x180000  }
0x53: {  	[bflag:$0x0] =	sbarrier.arrive $0xFFFF  }
0x54: {  	p0 =	sne.s32 s1, $0x0;
	_ =	strace $0x9000004A  }
0x55: {  	s0 =	sadd.s32 @!p0 $0x100000, s0;
	[bflag:$0x2] =	sbarrier.arrive $0xFFFF  }
0x56: {  	[sflag:s0] =	ssyncadd.tile.s32 @!p0 $0x1;
	_ =	shalt  }
.Lfunc_end2:
_tile_overlayer_lowered:
.L_overlay_start_2:
0x57: {  	(tag) =	ssettag $0x2  }
0x58: {  	s0 =	rddreg [dreg:$0x0];
	s2 =	stileid.u32  }
0x59: {  	s1 =	rddreg [dreg:$0x1];
	p0 =	sne.s32 s2, $0x0  }
0x5a: {  	s3 =	rddreg [dreg:$0x2];
	[bflag:$0x3] =	sbarrier.arrive $0xFFFF;
	s2 =	simm.s32 @!p0 $0x1C02  }
0x5b: {  	[timem:s3], [sflag:s2] =	dma.local @!p0 [hbm:s0], s1  }
0x5c: {  	s0 =	simm.s32 @!p0 $0x2  }
0x5d: {  	_ =	swait.ge @!p0 [sflag:s0], s1  }
0x5e: {  	s1 =	ssub.s32 @!p0 $0x0, s1;
	[sflag:s0] =	ssyncset.done @!p0 $0x0  }
0x5f: {  	[sflag:s0] =	ssyncadd.s32 @!p0 s1  }
0x60: {  	[bflag:$0x3] =	sbarrier.arrive $0xFFFF  }
0x61: {  	_ =	shalt  }

// kernel: kernel.19.cloned.1.call-start
scs
__scs_entry_jumppad:
0x0: {  	(pc) =	sbr.rel $0x88, $3  }
0x1: {  	(tag) =	ssettag $0x0;
	lr =	simm.s32 $0x1  }
0x2: {  	[smem:$0x3F8C] =	sst lr;
	_ =	strace $0xD0000000  }
0x3: {  	_ = 	snop  }
0x4: {  	_ = 	snop  }
0x5: {  	_ = 	snop  }
0x6: {  	_ = 	snop  }
0x7: {  	_ = 	snop  }
__scs_overlays_trampoline_lowered:
0x8: {  	[smem:$0x3F9B] =	sst s0  }
0x9: {  	[smem:$0x3F9C] =	sst s1  }
0xa: {  	[smem:$0x3F9D] =	sst s2  }
0xb: {  	[smem:$0x3F9E] =	sst s3  }
0xc: {  	[smem:$0x3F9F] =	sst s4  }
0xd: {  	[smem:$0x3FA0] =	sst s5  }
0xe: {  	[smem:$0x3FA1] =	sst s6  }
0xf: {  	[smem:$0x3FA2] =	sst s7  }
0x10: {  	[smem:$0x3FA3] =	sst s8  }
0x11: {  	[smem:$0x3FA4] =	sst s9;
	s0 =	simm.s32 @!p0 $0x0  }
0x12: {  	s1 =	sld [smem:$0x3F8A];
	s0 =	simm.s32 @p0 $0x1  }
0x13: {  	[smem:$0x3FA5] =	sst s0;
	s0 =	simm.s32 @!p1 $0x0  }
0x14: {  	s2 =	sld [smem:$0x3F89];
	s0 =	simm.s32 @p1 $0x1  }
0x15: {  	[smem:$0x3FA6] =	sst s0;
	s0 =	simm.s32 @!p2 $0x0  }
0x16: {  	s3 =	sld [smem:$0x3FDB];
	s0 =	simm.s32 @p2 $0x1  }
0x17: {  	s4 =	simm.s32 $0x1BF5;
	[smem:$0x3FA8] =	sst s0  }
0x18: {  	s0 =	sld [smem:$0x3F8B];
	_ =	swait.ge [sflag:s4], $0x0  }
0x19: {  	s7 =	sld [smem:$0x3F8C]  }
0x1a: {  	s8 =	sadd.s32 $0xFFFFE003, lr  }
0x1b: {  	s9 =	sadd.s32 $0xFFFFFEF7, lr;
	s5 =	simm.s32 $0xFFFFFFFF;
	p2 =	slt.u32 s8, $0xFFFFF086  }
0x1c: {  	p1 =	slt.u32 s9, $0xF7A;
	s5 =	simm.s32 @!p2 $0x0  }
0x1d: {  	s5 =	simm.s32 @p1 $0x1;
	p0 =	seq.s32 s7, s2  }
0x1e: {  	s7 =	smul.u32 @!p0 $0xF7A, s2;
	p2 =	seq.s32 @!p0 s5, $0x0  }
0x1f: {  	s9 =	smul.u32 $0xF7A, s1;
	s8 =	simm.s32 @!p0 $0x1BF5;
	p2 =	por !p2, p0  }
0x20: {  	[sflag:s8] =	ssyncset.s32 @!p0 $0xFFFFF086;
	s6 =	sadd.s32 @!p0 s3, s7;
	s7 =	simm.s32 @!p0 $0x108  }
0x21: {  	s3 =	sadd.s32 s3, s9;
	s6 =	sadd.s32 @!p0 $0x88, s6;
	s7 =	simm.s32 @p2 $0x1082  }
0x22: {  	[simem:s7], [sflag:s8] =	dma.local @!p0 [hbm:s6], $0xF7A  }
0x23: {  	s9 =	sor.u32 $0xD0000000, s2;
	s6 =	simm.s32 $0x108;
	_ =	swait.ge @!p0 [sflag:s8], $0x0  }
0x24: {  	s3 =	sadd.s32 $0x88, s3;
	s6 =	simm.s32 @!p1 $0x1082;
	[sflag:s4] =	ssyncset.s32 $0xFFFFF086  }
0x25: {  	[simem:s6], [sflag:s4] =	dma.local [hbm:s3], $0xF7A  }
0x26: {  	[smem:$0x3F8C] =	sst s1;
	(tag) =	ssettag s2;
	_ =	strace s9  }
0x27: {  	s1 =	sld [smem:$0x3F9C]  }
0x28: {  	s2 =	sld [smem:$0x3F9D]  }
0x29: {  	s4 =	sld [smem:$0x3F9F]  }
0x2a: {  	p0 =	seq.s32 s5, $0x0;
	s5 =	sld [smem:$0x3FA0]  }
0x2b: {  	s6 =	sld [smem:$0x3FA1]  }
0x2c: {  	s7 =	sld [smem:$0x3FA2]  }
0x2d: {  	s3 =	simm.s32 $0x108;
	s8 =	sld [smem:$0x3FA3]  }
0x2e: {  	s3 =	simm.s32 @!p0 $0x1082;
	s9 =	sld [smem:$0x3FA4]  }
0x2f: {  	lr =	sadd.s32 s0, s3;
	s0 =	sld [smem:$0x3F9B]  }
0x30: {  	s3 =	sld [smem:$0x3F9E]  }
0x31: {  	[smem:$0x3FA7] =	sst s10  }
0x32: {  	s10 =	sld [smem:$0x3FA5];
	_ =	sdelay $0x3  }
0x33: {  	p0 =	seq.s32 s10, $0x1;
	s10 =	sld [smem:$0x3FA7];
	_ =	sdelay $0x3  }
0x34: {  	[smem:$0x3FA7] =	sst s10  }
0x35: {  	s10 =	sld [smem:$0x3FA6];
	_ =	sdelay $0x3  }
0x36: {  	p1 =	seq.s32 s10, $0x1;
	s10 =	sld [smem:$0x3FA7];
	_ =	sdelay $0x3  }
0x37: {  	[smem:$0x3FA7] =	sst s10  }
0x38: {  	s10 =	sld [smem:$0x3FA8]  }
0x39: {  	_ = 	snop;
	(pc) =	sbr.ind lr, $3  }
0x3a: {  	_ = 	snop  }
0x3b: {  	_ = 	snop  }
0x3c: {  	p2 =	seq.s32 s10, $0x1;
	s10 =	sld [smem:$0x3FA7]  }
0x3d: {  	_ =	shalt  }
0x3e: {  	_ =	shalt  }
0x3f: {  	_ =	shalt  }
0x40: {  	_ =	shalt  }
0x41: {  	_ =	shalt  }
0x42: {  	_ =	shalt  }
0x43: {  	_ =	shalt  }
0x44: {  	_ =	shalt  }
0x45: {  	_ =	shalt  }
0x46: {  	_ =	shalt  }
0x47: {  	_ =	shalt  }
0x48: {  	_ =	shalt  }
0x49: {  	_ =	shalt  }
0x4a: {  	_ =	shalt  }
0x4b: {  	_ =	shalt  }
0x4c: {  	_ =	shalt  }
0x4d: {  	_ =	shalt  }
0x4e: {  	_ =	shalt  }
0x4f: {  	_ =	shalt  }
0x50: {  	_ =	shalt  }
0x51: {  	_ =	shalt  }
0x52: {  	_ =	shalt  }
0x53: {  	_ =	shalt  }
0x54: {  	_ =	shalt  }
0x55: {  	_ =	shalt  }
0x56: {  	_ =	shalt  }
0x57: {  	_ =	shalt  }
0x58: {  	_ =	shalt  }
0x59: {  	_ =	shalt  }
0x5a: {  	_ =	shalt  }
0x5b: {  	_ =	shalt  }
0x5c: {  	_ =	shalt  }
0x5d: {  	_ =	shalt  }
0x5e: {  	_ =	shalt  }
0x5f: {  	_ =	shalt  }
0x60: {  	_ =	shalt  }
0x61: {  	_ =	shalt  }
0x62: {  	_ =	shalt  }
0x63: {  	_ =	shalt  }
0x64: {  	_ =	shalt  }
0x65: {  	_ =	shalt  }
0x66: {  	_ =	shalt  }
0x67: {  	_ =	shalt  }
0x68: {  	_ =	shalt  }
0x69: {  	_ =	shalt  }
0x6a: {  	_ =	shalt  }
0x6b: {  	_ =	shalt  }
0x6c: {  	_ =	shalt  }
0x6d: {  	_ =	shalt  }
0x6e: {  	_ =	shalt  }
0x6f: {  	_ =	shalt  }
0x70: {  	_ =	shalt  }
0x71: {  	_ =	shalt  }
0x72: {  	_ =	shalt  }
0x73: {  	_ =	shalt  }
0x74: {  	_ =	shalt  }
0x75: {  	_ =	shalt  }
0x76: {  	_ =	shalt  }
0x77: {  	_ =	shalt  }
0x78: {  	_ =	shalt  }
0x79: {  	_ =	shalt  }
0x7a: {  	_ =	shalt  }
0x7b: {  	_ =	shalt  }
0x7c: {  	_ =	shalt  }
0x7d: {  	_ =	shalt  }
0x7e: {  	_ =	shalt  }
0x7f: {  	_ =	shalt  }
0x80: {  	_ =	shalt  }
0x81: {  	_ =	shalt  }
0x82: {  	_ =	shalt  }
0x83: {  	_ =	shalt  }
0x84: {  	_ =	shalt  }
0x85: {  	_ =	shalt  }
0x86: {  	_ =	shalt  }
0x87: {  	_ =	shalt  }
.Lfunc_end0:
.L_simem_size_0:
called_computation.2_lowered:
.L_overlay_start_0:
0x88: {  	s2 =	sld [smem:$0x3FD9]  }
0x89: {  	s3 =	sld [smem:$0x3FFE];
	_ =	sdelay $0x1  }
0x8a: {  	s1 =	srdreg.scid  }
0x8b: {  	s0 =	sand.u32 $0x1, s1  }
0x8c: {  	s16 =	sshll.u32 s0, $0xA;
	s2 =	sadd.s32 s3, s2  }
0x8d: {  	s2 =	sadd.s32 s2, s16  }
0x8e: {  	[smem:$0x3FB3] =	sst s2  }
0x8f: {  	_ = 	snop  }
0x90: {  	(tm) =	ssettm $0x1  }
0x91: {  	s17 =	sld [smem:$0x3FFB];
	_ =	sdelay $0x3  }
0x92: {  	_ =	strace s17  }
0x93: {  	s2 =	sld [smem:$0x3FFC];
	_ =	sdelay $0x3  }
0x94: {  	_ =	strace s2  }
0x95: {  	s2 =	sld [smem:$0x3FFD];
	_ =	sdelay $0x3  }
0x96: {  	_ =	strace s2  }
0x97: {  	_ =	strace $0x8FFFFFFF  }
0x98: {  	s18 =	sld [smem:$0x3FDB];
	_ =	sdelay $0x1  }
0x99: {  	s19 =	simm.s32 $_scs_section_size  }
0x9a: {  	s4 =	simm.s32 $_size__tile_overlayer_lowered;
	s5 =	simm.s32 $_tile_overlayer_lowered  }
0x9b: {  	s22 =	simm.s32 $0x1BFF;
	s21 =	sshll.u32 s5, $0x1;
	s2 =	sadd.s32 s19, s18  }
0x9c: {  	s6 =	simm.s32 $0x0;
	s20 =	sshll.u32 s4, $0x1;
	s4 =	sadd.s32 s21, s2  }
0x9d: {  	[timem:s6], [sflag:s22] =	dma.local [hbm:s4], s20  }
0x9e: {  	_ =	swait.ge [sflag:s22], s20  }
0x9f: {  	s3 =	ssub.s32 $0x0, s20;
	[sflag:s22] =	ssyncset.done $0x0  }
0xa0: {  	[sflag:s22] =	ssyncadd.s32 s3;
	_ =	sdelay $0x1  }
0xa1: {  	s23 =	simm.s32 $0x1B8B  }
0xa2: {  	_ =	swait.ge [sflag:s23], $0x1  }
0xa3: {  	[sflag:s23] =	ssyncset.done $0x0  }
0xa4: {  	s25 =	simm.s32 $0x1B8E;
	s24 =	sld [smem:$0x3FFE];
	[sflag:s23] =	ssyncadd.s32 $0xFFFFFFFF  }
0xa5: {  	s26 =	simm.s32 $execute0_lowered;
	[smem:$0x3FD2] =	sst s25  }
0xa6: {  	s4 =	sshll.u32 s26, $0x1;
	_ =	strace $0x8000004C;
	[dreg:$0x1] =	wrdreg $0xFFFFFFFF  }
0xa7: {  	s28 =	simm.s32 $_size_execute0_lowered;
	s2 =	sadd.s32 s2, s4;
	[dreg:$0x0] =	wrdreg $0x0  }
0xa8: {  	s4 =	sshll.u32 s28, $0x1;
	[dreg:$0x2] =	wrdreg s2  }
0xa9: {  	[dreg:$0x3] =	wrdreg s4  }
0xaa: {  	[dreg:$0x4] =	wrdreg $0xC0  }
0xab: {  	_ =	task [dreg:s6], $0x5FFFF  }
0xac: {  	[dreg:$0x1] =	wrdreg $0xFFFFFFFF  }
0xad: {  	[dreg:$0x0] =	wrdreg $0x60  }
0xae: {  	[dreg:$0x2] =	wrdreg s24  }
0xaf: {  	[dreg:$0x3] =	wrdreg $0x100200  }
0xb0: {  	[dreg:$0x4] =	wrdreg $0x9  }
0xb1: {  	_ =	task.clear_ibuf [dreg:s6], $0x5FFFF;
	_ =	strace $0x9000004C  }
0xb2: {  	s29 =	simm.s32 $0x9;
	_ =	strace $0x8000004E  }
0xb3: {  	_ =	swait.ge [sflag:s29], $0x1  }
0xb4: {  	[sflag:s29] =	ssyncadd.s32 $0xFFFFFFFF  }
0xb5: {  	_ =	strace $0x9000004E  }
0xb6: {  	_ =	sfence  }
0xb7: {  	s30 =	sld [smem:$0x0];
	_ =	sdelay $0x2  }
0xb8: {  	s31 =	sshll.u32 s1, $0xD;
	s1 =	sshrl.u32 s1, $0x2  }
0xb9: {  	s3 =	sand.u32 $0x4000, s31;
	s1 =	sadd.s32 s1, s30  }
0xba: {  	s0 =	sor.u32 s3, s0;
	s1 =	sshll.u32 s1, $0x11  }
0xbb: {  	s0 =	sor.u32 s1, s0  }
0xbc: {  	s0 =	sadd.s32 $0x8F2B, s0  }
0xbd: {  	[sflag:s0] =	ssyncadd.remote.s32 $0x1  }
0xbe: {  	_ =	sfence.sel $0xFFFF  }
0xbf: {  	[dreg:$0x0] =	wrdreg $0xFFFFFFFF;
	(pc) =	sbr.abs _section_cstart, $3  }
0xc0: {  	[dreg:$0x1] =	wrdreg $0xFFFFFFFF  }
0xc1: {  	_ =	task.clear_ibuf [dreg:s6], $0x2FFFF;
	_ =	strace $0x9FFFFFFF  }
0xc2: {  	(tm) =	ssettm $0x7FFFFFFF  }
0xc3: {  	_ =	shalt  }
tec
execute0_lowered:
.L_overlay_start_1:
0x0: {  	(tag) =	ssettag $0x1  }
0x1: {  	s5 =	rddreg [dreg:$0x0]  }
0x2: {  	s2 =	rddreg [dreg:$0x1];
	s3 =	srdreg.scid  }
0x3: {  	s1 =	stileid.u32;
	s0 =	rddreg [dreg:$0x2];
	s11 =	simm.s32 $0x2  }
0x4: {  	s12 =	simm.s32 $0x2710;
	s13 =	simm.s32 $0x50;
	s14 =	simm.s32 $0x4E20  }
0x5: {  	s15 =	simm.s32 $0x1;
	s16 =	simm.s32 $0x26C0;
	s17 =	simm.s32 $0x4DD0  }
0x6: {  	s18 =	simm.s32 $0x0;
	s6 =	sand.u32 $0x1, s3;
	s7 =	smul.u32 $0x9E00, s1  }
0x7: {  	s3 =	simm.s32 $0x0;
	s4 =	sshll.u32 s6, $0x4;
	s8 =	smul.u32 $0x9E000, s6  }
0x8: {  	[smem:$0x7FF] =	sst s3;
	s6 =	ssub.s32 $0x2, s6;
	s4 =	sor.u32 s1, s4  }
0x9: {  	_ =	strace $0x8000004D;
	s9 =	smul.u32 $0x4E2, s4;
	s8 =	sadd.s32 s7, s8  }
0xa: {  	s31 =	sshrl.u32 s6, $0x1;
	s4 =	sadd.s32 $0x3F400, s5;
	s8 =	sshrl.u32 s8, $0x3  }
0xb: {  	s10 =	ssub.s32 s6, s31;
	s9 =	sadd.s32 s9, s5;
	s8 =	sadd.s32 s8, s5  }
0xc: {  	s5 =	sadd.s32 s7, s2;
	s6 =	sadd.s32 $0x4600, s9;
	s7 =	sadd.s32 $0xE400, s9  }
0xd: {  	v0 =	vimm.f32 $0.0e+00;
	s8 =	sadd.s32 $0x52E00, s8;
	s9 =	smax.u32 s10, $0x1;
	s10 =	simm.s32 $0x6220  }
.LBB2_1:
0xe: {  	s20 =	simm.s32 $0x100;
	s19 =	simm.s32 $0x0  }
.LBB2_2:
0xf: {  	p0 =	sne.s32 s20, $0x27700;
	[tilespmem:s19+$0x6250] =	vst v0;
	s21 =	smov.u32 s20;
	s20 =	sadd.s32 $0x100, s20  }
.Ltmp0:
0x10: {  	[tilespmem:s19+$0x6240] =	vst v0;
	(pc) =	sbr.rel @p0 .LBB2_2-.Ltmp0, $3  }
0x11: {  	[tilespmem:s19+$0x6220] =	vst v0  }
0x12: {  	[tilespmem:s19+$0x6230] =	vst v0;
	_ =	sdelay $0x1  }
0x13: {  	s19 =	sshra.s32 s21, $0x2  }
0x14: {  	[tilespmem:s19+$0x6250] =	vst v0  }
0x15: {  	[tilespmem:s19+$0x6240] =	vst v0  }
0x16: {  	[tilespmem:s19+$0x6220] =	vst v0  }
0x17: {  	[tilespmem:s19+$0x6230] =	vst v0  }
0x18: {  	[spmem:s5] =	stream.linear.scatter [tilespmem:s10], [sflag:$0x2], $0x9E00, $0x38;
	[tilespmem:$0x19E20] =	vst v63  }
0x19: {  	_ =	swait.ge [sflag:s11], $0x9E00  }
0x1a: {  	[sflag:s11] =	ssyncset.done $0x0  }
0x1b: {  	[sflag:s11] =	ssyncadd.s32 $0xFFFF6200  }
0x1c: {  	[tilespmem:s3], [sflag:$0x2] =	stream.linear.gather [hbm4b:s6+s3], $0x2710, $0x38;
	[tilespmem:$0x19E20] =	vst v63  }
0x1d: {  	_ =	swait.ge [sflag:s11], $0x2710  }
0x1e: {  	[sflag:s11] =	ssyncset.done $0x0  }
0x1f: {  	[sflag:s11] =	ssyncadd.s32 $0xFFFFD8F0  }
0x20: {  	[tilespmem:s12], [sflag:$0x2] =	stream.linear.gather [hbm4b:s7+s3], $0x2710, $0x38;
	[tilespmem:$0x19E20] =	vst v63  }
0x21: {  	_ =	swait.ge [sflag:s11], $0x2710  }
0x22: {  	[sflag:s11] =	ssyncset.done $0x0  }
0x23: {  	[sflag:s11] =	ssyncadd.s32 $0xFFFFD8F0  }
0x24: {  	s29 =	simm.s32 $0x0;
	[bflag:$0x0] =	sbarrier.arrive $0xFFFF  }
0x25: {  	[tilespmem:s14], [sflag:$0x1] =	stream.indirect.gather [hbm4b:s4+s13], $0x40, s29, s13, $0xb8;
	[tilespmem:$0x19E20] =	vst v63  }
0x26: {  	_ =	swait.ge [sflag:s15], $0x1400  }
0x27: {  	[sflag:s15] =	ssyncset.done $0x0  }
0x28: {  	s30 =	simm.s32 $0x2710;
	[sflag:s15] =	ssyncadd.s32 $0xFFFFEC00  }
0x29: {  	[spmem:s2] =	stream.indirect.scatter.add.f32 [tilespmem:s14], [sflag:$0x2], $0x40, s30, s13, $0xb8;
	[tilespmem:$0x19E20] =	vst v63  }
0x2a: {  	_ =	swait.ge [sflag:s11], $0x1400  }
0x2b: {  	[sflag:s11] =	ssyncset.done $0x0  }
0x2c: {  	s31 =	simm.s32 $0x50;
	[sflag:s11] =	ssyncadd.s32 $0xFFFFEC00  }
0x2d: {  	[tilespmem:s14], [sflag:$0x1] =	stream.indirect.gather [hbm4b:s4+s13], $0x40, s31, s13, $0xb8;
	[tilespmem:$0x19E20] =	vst v63  }
0x2e: {  	_ =	swait.ge [sflag:s15], $0x1400  }
0x2f: {  	[sflag:s15] =	ssyncset.done $0x0  }
0x30: {  	s19 =	simm.s32 $0x2760;
	[sflag:s15] =	ssyncadd.s32 $0xFFFFEC00  }
0x31: {  	[spmem:s2] =	stream.indirect.scatter.add.f32 [tilespmem:s14], [sflag:$0x2], $0x40, s19, s13, $0xb8;
	[tilespmem:$0x19E20] =	vst v63  }
0x32: {  	_ =	swait.ge [sflag:s11], $0x1400  }
0x33: {  	s20 =	simm.s32 $0x0;
	s21 =	simm.s32 $0xF0;
	[sflag:s11] =	ssyncset.done $0x0  }
.LBB2_4:
0x34: {  	s22 =	sadd.s32 $0xFFFFFFB0, s21;
	[sflag:s11] =	ssyncadd.s32 $0xFFFFEC00  }
0x35: {  	[tilespmem:s14], [sflag:$0x1] =	stream.indirect.gather [hbm4b:s4+s13], $0x40, s22, s13, $0xb8;
	[tilespmem:$0x19E20] =	vst v63  }
0x36: {  	_ =	swait.ge [sflag:s15], $0x1400  }
0x37: {  	s19 =	sadd.s32 $0xA0, s19;
	[sflag:s15] =	ssyncset.done $0x0  }
0x38: {  	s22 =	sadd.s32 $0xFFFFFFB0, s19;
	[sflag:s15] =	ssyncadd.s32 $0xFFFFEC00  }
0x39: {  	[spmem:s2] =	stream.indirect.scatter.add.f32 [tilespmem:s14], [sflag:$0x2], $0x40, s22, s13, $0xb8;
	[tilespmem:$0x19E20] =	vst v63  }
0x3a: {  	_ =	swait.ge [sflag:s11], $0x1400  }
0x3b: {  	s20 =	sadd.s32 $0x2, s20;
	[sflag:s11] =	ssyncset.done $0x0  }
0x3c: {  	p0 =	slt.u32 s20, $0x7A;
	[sflag:s11] =	ssyncadd.s32 $0xFFFFEC00  }
0x3d: {  	[tilespmem:s14], [sflag:$0x1] =	stream.indirect.gather [hbm4b:s4+s13], $0x40, s21, s13, $0xb8;
	[tilespmem:$0x19E20] =	vst v63  }
0x3e: {  	_ =	swait.ge [sflag:s15], $0x1400  }
.Ltmp1:
0x3f: {  	[sflag:s15] =	ssyncset.done $0x0;
	(pc) =	sbr.rel @p0 .LBB2_4-.Ltmp1, $4  }
0x40: {  	[sflag:s15] =	ssyncadd.s32 $0xFFFFEC00  }
0x41: {  	[spmem:s2] =	stream.indirect.scatter.add.f32 [tilespmem:s14], [sflag:$0x2], $0x40, s19, s13, $0xb8;
	[tilespmem:$0x19E20] =	vst v63  }
0x42: {  	_ =	swait.ge [sflag:s11], $0x1400  }
0x43: {  	s21 =	sadd.s32 $0xA0, s21;
	[sflag:s11] =	ssyncset.done $0x0  }
0x44: {  	[sflag:s11] =	ssyncadd.s32 $0xFFFFEC00  }
0x45: {  	[tilespmem:s14], [sflag:$0x1] =	stream.indirect.gather [hbm4b:s4+s13], $0x40, s16, s13, $0xb8;
	[tilespmem:$0x19E20] =	vst v63  }
0x46: {  	_ =	swait.ge [sflag:s15], $0x1400  }
0x47: {  	[sflag:s15] =	ssyncset.done $0x0  }
0x48: {  	[sflag:s15] =	ssyncadd.s32 $0xFFFFEC00  }
0x49: {  	[spmem:s2] =	stream.indirect.scatter.add.f32 [tilespmem:s14], [sflag:$0x2], $0x40, s17, s13, $0xb8;
	[tilespmem:$0x19E20] =	vst v63  }
0x4a: {  	_ =	swait.ge [sflag:s11], $0x1400  }
0x4b: {  	s19 =	sshll.u32 s1, $0x6;
	s18 =	sadd.s32 $0x1, s18;
	[sflag:s11] =	ssyncset.done $0x0  }
0x4c: {  	s20 =	sshrl.u32 s5, $0x3;
	p0 =	sne.s32 s18, s9;
	[sflag:s11] =	ssyncadd.s32 $0xFFFFEC00  }
.Ltmp2:
0x4d: {  	s19 =	sor.u32 $0x1C02, s19;
	[bflag:$0x0] =	sbarrier.arrive $0xFFFF;
	(pc) =	sbr.rel @p0 .LBB2_1-.Ltmp2, $4  }
0x4e: {  	[hbm:s8], [sflag:s19] =	dma.local [spmem:s20], $0x13C0  }
0x4f: {  	_ =	swait.ge [sflag:s11], $0x13C0  }
0x50: {  	[sflag:s11] =	ssyncset.done $0x0  }
0x51: {  	[sflag:s11] =	ssyncadd.s32 $0xFFFFEC40  }
0x52: {  	_ =	sfence.sel $0x180000  }
0x53: {  	[bflag:$0x0] =	sbarrier.arrive $0xFFFF  }
0x54: {  	p0 =	sne.s32 s1, $0x0;
	_ =	strace $0x9000004D  }
0x55: {  	s0 =	sadd.s32 @!p0 $0x100000, s0;
	[bflag:$0x2] =	sbarrier.arrive $0xFFFF  }
0x56: {  	[sflag:s0] =	ssyncadd.tile.s32 @!p0 $0x1;
	_ =	shalt  }
.Lfunc_end2:
_tile_overlayer_lowered:
.L_overlay_start_2:
0x57: {  	(tag) =	ssettag $0x2  }
0x58: {  	s0 =	rddreg [dreg:$0x0];
	s2 =	stileid.u32  }
0x59: {  	s1 =	rddreg [dreg:$0x1];
	p0 =	sne.s32 s2, $0x0  }
0x5a: {  	s3 =	rddreg [dreg:$0x2];
	[bflag:$0x3] =	sbarrier.arrive $0xFFFF;
	s2 =	simm.s32 @!p0 $0x1C02  }
0x5b: {  	[timem:s3], [sflag:s2] =	dma.local @!p0 [hbm:s0], s1  }
0x5c: {  	s0 =	simm.s32 @!p0 $0x2  }
0x5d: {  	_ =	swait.ge @!p0 [sflag:s0], s1  }
0x5e: {  	s1 =	ssub.s32 @!p0 $0x0, s1;
	[sflag:s0] =	ssyncset.done @!p0 $0x0  }
0x5f: {  	[sflag:s0] =	ssyncadd.s32 @!p0 s1  }
0x60: {  	[bflag:$0x3] =	sbarrier.arrive $0xFFFF  }
0x61: {  	_ =	shalt  }

// kernel: kernel.22.cloned.1.call-start
scs
__scs_entry_jumppad:
0x0: {  	(pc) =	sbr.rel $0x88, $3  }
0x1: {  	(tag) =	ssettag $0x0;
	lr =	simm.s32 $0x1  }
0x2: {  	[smem:$0x3F8C] =	sst lr;
	_ =	strace $0xD0000000  }
0x3: {  	_ = 	snop  }
0x4: {  	_ = 	snop  }
0x5: {  	_ = 	snop  }
0x6: {  	_ = 	snop  }
0x7: {  	_ = 	snop  }
__scs_overlays_trampoline_lowered:
0x8: {  	[smem:$0x3F9B] =	sst s0  }
0x9: {  	[smem:$0x3F9C] =	sst s1  }
0xa: {  	[smem:$0x3F9D] =	sst s2  }
0xb: {  	[smem:$0x3F9E] =	sst s3  }
0xc: {  	[smem:$0x3F9F] =	sst s4  }
0xd: {  	[smem:$0x3FA0] =	sst s5  }
0xe: {  	[smem:$0x3FA1] =	sst s6  }
0xf: {  	[smem:$0x3FA2] =	sst s7  }
0x10: {  	[smem:$0x3FA3] =	sst s8  }
0x11: {  	[smem:$0x3FA4] =	sst s9;
	s0 =	simm.s32 @!p0 $0x0  }
0x12: {  	s1 =	sld [smem:$0x3F8A];
	s0 =	simm.s32 @p0 $0x1  }
0x13: {  	[smem:$0x3FA5] =	sst s0;
	s0 =	simm.s32 @!p1 $0x0  }
0x14: {  	s2 =	sld [smem:$0x3F89];
	s0 =	simm.s32 @p1 $0x1  }
0x15: {  	[smem:$0x3FA6] =	sst s0;
	s0 =	simm.s32 @!p2 $0x0  }
0x16: {  	s3 =	sld [smem:$0x3FDB];
	s0 =	simm.s32 @p2 $0x1  }
0x17: {  	s4 =	simm.s32 $0x1BF5;
	[smem:$0x3FA8] =	sst s0  }
0x18: {  	s0 =	sld [smem:$0x3F8B];
	_ =	swait.ge [sflag:s4], $0x0  }
0x19: {  	s7 =	sld [smem:$0x3F8C]  }
0x1a: {  	s8 =	sadd.s32 $0xFFFFE003, lr  }
0x1b: {  	s9 =	sadd.s32 $0xFFFFFEF7, lr;
	s5 =	simm.s32 $0xFFFFFFFF;
	p2 =	slt.u32 s8, $0xFFFFF086  }
0x1c: {  	p1 =	slt.u32 s9, $0xF7A;
	s5 =	simm.s32 @!p2 $0x0  }
0x1d: {  	s5 =	simm.s32 @p1 $0x1;
	p0 =	seq.s32 s7, s2  }
0x1e: {  	s7 =	smul.u32 @!p0 $0xF7A, s2;
	p2 =	seq.s32 @!p0 s5, $0x0  }
0x1f: {  	s9 =	smul.u32 $0xF7A, s1;
	s8 =	simm.s32 @!p0 $0x1BF5;
	p2 =	por !p2, p0  }
0x20: {  	[sflag:s8] =	ssyncset.s32 @!p0 $0xFFFFF086;
	s6 =	sadd.s32 @!p0 s3, s7;
	s7 =	simm.s32 @!p0 $0x108  }
0x21: {  	s3 =	sadd.s32 s3, s9;
	s6 =	sadd.s32 @!p0 $0x88, s6;
	s7 =	simm.s32 @p2 $0x1082  }
0x22: {  	[simem:s7], [sflag:s8] =	dma.local @!p0 [hbm:s6], $0xF7A  }
0x23: {  	s9 =	sor.u32 $0xD0000000, s2;
	s6 =	simm.s32 $0x108;
	_ =	swait.ge @!p0 [sflag:s8], $0x0  }
0x24: {  	s3 =	sadd.s32 $0x88, s3;
	s6 =	simm.s32 @!p1 $0x1082;
	[sflag:s4] =	ssyncset.s32 $0xFFFFF086  }
0x25: {  	[simem:s6], [sflag:s4] =	dma.local [hbm:s3], $0xF7A  }
0x26: {  	[smem:$0x3F8C] =	sst s1;
	(tag) =	ssettag s2;
	_ =	strace s9  }
0x27: {  	s1 =	sld [smem:$0x3F9C]  }
0x28: {  	s2 =	sld [smem:$0x3F9D]  }
0x29: {  	s4 =	sld [smem:$0x3F9F]  }
0x2a: {  	p0 =	seq.s32 s5, $0x0;
	s5 =	sld [smem:$0x3FA0]  }
0x2b: {  	s6 =	sld [smem:$0x3FA1]  }
0x2c: {  	s7 =	sld [smem:$0x3FA2]  }
0x2d: {  	s3 =	simm.s32 $0x108;
	s8 =	sld [smem:$0x3FA3]  }
0x2e: {  	s3 =	simm.s32 @!p0 $0x1082;
	s9 =	sld [smem:$0x3FA4]  }
0x2f: {  	lr =	sadd.s32 s0, s3;
	s0 =	sld [smem:$0x3F9B]  }
0x30: {  	s3 =	sld [smem:$0x3F9E]  }
0x31: {  	[smem:$0x3FA7] =	sst s10  }
0x32: {  	s10 =	sld [smem:$0x3FA5];
	_ =	sdelay $0x3  }
0x33: {  	p0 =	seq.s32 s10, $0x1;
	s10 =	sld [smem:$0x3FA7];
	_ =	sdelay $0x3  }
0x34: {  	[smem:$0x3FA7] =	sst s10  }
0x35: {  	s10 =	sld [smem:$0x3FA6];
	_ =	sdelay $0x3  }
0x36: {  	p1 =	seq.s32 s10, $0x1;
	s10 =	sld [smem:$0x3FA7];
	_ =	sdelay $0x3  }
0x37: {  	[smem:$0x3FA7] =	sst s10  }
0x38: {  	s10 =	sld [smem:$0x3FA8]  }
0x39: {  	_ = 	snop;
	(pc) =	sbr.ind lr, $3  }
0x3a: {  	_ = 	snop  }
0x3b: {  	_ = 	snop  }
0x3c: {  	p2 =	seq.s32 s10, $0x1;
	s10 =	sld [smem:$0x3FA7]  }
0x3d: {  	_ =	shalt  }
0x3e: {  	_ =	shalt  }
0x3f: {  	_ =	shalt  }
0x40: {  	_ =	shalt  }
0x41: {  	_ =	shalt  }
0x42: {  	_ =	shalt  }
0x43: {  	_ =	shalt  }
0x44: {  	_ =	shalt  }
0x45: {  	_ =	shalt  }
0x46: {  	_ =	shalt  }
0x47: {  	_ =	shalt  }
0x48: {  	_ =	shalt  }
0x49: {  	_ =	shalt  }
0x4a: {  	_ =	shalt  }
0x4b: {  	_ =	shalt  }
0x4c: {  	_ =	shalt  }
0x4d: {  	_ =	shalt  }
0x4e: {  	_ =	shalt  }
0x4f: {  	_ =	shalt  }
0x50: {  	_ =	shalt  }
0x51: {  	_ =	shalt  }
0x52: {  	_ =	shalt  }
0x53: {  	_ =	shalt  }
0x54: {  	_ =	shalt  }
0x55: {  	_ =	shalt  }
0x56: {  	_ =	shalt  }
0x57: {  	_ =	shalt  }
0x58: {  	_ =	shalt  }
0x59: {  	_ =	shalt  }
0x5a: {  	_ =	shalt  }
0x5b: {  	_ =	shalt  }
0x5c: {  	_ =	shalt  }
0x5d: {  	_ =	shalt  }
0x5e: {  	_ =	shalt  }
0x5f: {  	_ =	shalt  }
0x60: {  	_ =	shalt  }
0x61: {  	_ =	shalt  }
0x62: {  	_ =	shalt  }
0x63: {  	_ =	shalt  }
0x64: {  	_ =	shalt  }
0x65: {  	_ =	shalt  }
0x66: {  	_ =	shalt  }
0x67: {  	_ =	shalt  }
0x68: {  	_ =	shalt  }
0x69: {  	_ =	shalt  }
0x6a: {  	_ =	shalt  }
0x6b: {  	_ =	shalt  }
0x6c: {  	_ =	shalt  }
0x6d: {  	_ =	shalt  }
0x6e: {  	_ =	shalt  }
0x6f: {  	_ =	shalt  }
0x70: {  	_ =	shalt  }
0x71: {  	_ =	shalt  }
0x72: {  	_ =	shalt  }
0x73: {  	_ =	shalt  }
0x74: {  	_ =	shalt  }
0x75: {  	_ =	shalt  }
0x76: {  	_ =	shalt  }
0x77: {  	_ =	shalt  }
0x78: {  	_ =	shalt  }
0x79: {  	_ =	shalt  }
0x7a: {  	_ =	shalt  }
0x7b: {  	_ =	shalt  }
0x7c: {  	_ =	shalt  }
0x7d: {  	_ =	shalt  }
0x7e: {  	_ =	shalt  }
0x7f: {  	_ =	shalt  }
0x80: {  	_ =	shalt  }
0x81: {  	_ =	shalt  }
0x82: {  	_ =	shalt  }
0x83: {  	_ =	shalt  }
0x84: {  	_ =	shalt  }
0x85: {  	_ =	shalt  }
0x86: {  	_ =	shalt  }
0x87: {  	_ =	shalt  }
.Lfunc_end0:
.L_simem_size_0:
called_computation.3_lowered:
.L_overlay_start_0:
0x88: {  	s2 =	sld [smem:$0x3FD9]  }
0x89: {  	s3 =	sld [smem:$0x3FFE];
	_ =	sdelay $0x1  }
0x8a: {  	s1 =	srdreg.scid  }
0x8b: {  	s0 =	sand.u32 $0x1, s1  }
0x8c: {  	s16 =	sshll.u32 s0, $0xA;
	s2 =	sadd.s32 s3, s2  }
0x8d: {  	s2 =	sadd.s32 s2, s16  }
0x8e: {  	[smem:$0x3FB3] =	sst s2  }
0x8f: {  	_ = 	snop  }
0x90: {  	(tm) =	ssettm $0x1  }
0x91: {  	s17 =	sld [smem:$0x3FFB];
	_ =	sdelay $0x3  }
0x92: {  	_ =	strace s17  }
0x93: {  	s2 =	sld [smem:$0x3FFC];
	_ =	sdelay $0x3  }
0x94: {  	_ =	strace s2  }
0x95: {  	s2 =	sld [smem:$0x3FFD];
	_ =	sdelay $0x3  }
0x96: {  	_ =	strace s2  }
0x97: {  	_ =	strace $0x8FFFFFFF  }
0x98: {  	s18 =	sld [smem:$0x3FDB];
	_ =	sdelay $0x1  }
0x99: {  	s19 =	simm.s32 $_scs_section_size  }
0x9a: {  	s4 =	simm.s32 $_size__tile_overlayer_lowered;
	s5 =	simm.s32 $_tile_overlayer_lowered  }
0x9b: {  	s22 =	simm.s32 $0x1BFF;
	s21 =	sshll.u32 s5, $0x1;
	s2 =	sadd.s32 s19, s18  }
0x9c: {  	s6 =	simm.s32 $0x0;
	s20 =	sshll.u32 s4, $0x1;
	s4 =	sadd.s32 s21, s2  }
0x9d: {  	[timem:s6], [sflag:s22] =	dma.local [hbm:s4], s20  }
0x9e: {  	_ =	swait.ge [sflag:s22], s20  }
0x9f: {  	s3 =	ssub.s32 $0x0, s20;
	[sflag:s22] =	ssyncset.done $0x0  }
0xa0: {  	[sflag:s22] =	ssyncadd.s32 s3;
	_ =	sdelay $0x1  }
0xa1: {  	s23 =	simm.s32 $0x1B8B  }
0xa2: {  	_ =	swait.ge [sflag:s23], $0x1  }
0xa3: {  	[sflag:s23] =	ssyncset.done $0x0  }
0xa4: {  	s25 =	simm.s32 $0x1B8E;
	s24 =	sld [smem:$0x3FFE];
	[sflag:s23] =	ssyncadd.s32 $0xFFFFFFFF  }
0xa5: {  	s26 =	simm.s32 $execute0_lowered;
	[smem:$0x3FD2] =	sst s25  }
0xa6: {  	s4 =	sshll.u32 s26, $0x1;
	_ =	strace $0x8000004F;
	[dreg:$0x1] =	wrdreg $0xFFFFFFFF  }
0xa7: {  	s28 =	simm.s32 $_size_execute0_lowered;
	s2 =	sadd.s32 s2, s4;
	[dreg:$0x0] =	wrdreg $0x0  }
0xa8: {  	s4 =	sshll.u32 s28, $0x1;
	[dreg:$0x2] =	wrdreg s2  }
0xa9: {  	[dreg:$0x3] =	wrdreg s4  }
0xaa: {  	[dreg:$0x4] =	wrdreg $0xC0  }
0xab: {  	_ =	task [dreg:s6], $0x5FFFF  }
0xac: {  	[dreg:$0x1] =	wrdreg $0xFFFFFFFF  }
0xad: {  	[dreg:$0x0] =	wrdreg $0x60  }
0xae: {  	[dreg:$0x2] =	wrdreg s24  }
0xaf: {  	[dreg:$0x3] =	wrdreg $0x100200  }
0xb0: {  	[dreg:$0x4] =	wrdreg $0x9  }
0xb1: {  	_ =	task.clear_ibuf [dreg:s6], $0x5FFFF;
	_ =	strace $0x9000004F  }
0xb2: {  	s29 =	simm.s32 $0x9;
	_ =	strace $0x80000051  }
0xb3: {  	_ =	swait.ge [sflag:s29], $0x1  }
0xb4: {  	[sflag:s29] =	ssyncadd.s32 $0xFFFFFFFF  }
0xb5: {  	_ =	strace $0x90000051  }
0xb6: {  	_ =	sfence  }
0xb7: {  	s30 =	sld [smem:$0x0];
	_ =	sdelay $0x2  }
0xb8: {  	s31 =	sshll.u32 s1, $0xD;
	s1 =	sshrl.u32 s1, $0x2  }
0xb9: {  	s3 =	sand.u32 $0x4000, s31;
	s1 =	sadd.s32 s1, s30  }
0xba: {  	s0 =	sor.u32 s3, s0;
	s1 =	sshll.u32 s1, $0x11  }
0xbb: {  	s0 =	sor.u32 s1, s0  }
0xbc: {  	s0 =	sadd.s32 $0x8F2B, s0  }
0xbd: {  	[sflag:s0] =	ssyncadd.remote.s32 $0x1  }
0xbe: {  	_ =	sfence.sel $0xFFFF  }
0xbf: {  	[dreg:$0x0] =	wrdreg $0xFFFFFFFF;
	(pc) =	sbr.abs _section_cstart, $3  }
0xc0: {  	[dreg:$0x1] =	wrdreg $0xFFFFFFFF  }
0xc1: {  	_ =	task.clear_ibuf [dreg:s6], $0x2FFFF;
	_ =	strace $0x9FFFFFFF  }
0xc2: {  	(tm) =	ssettm $0x7FFFFFFF  }
0xc3: {  	_ =	shalt  }
tec
execute0_lowered:
.L_overlay_start_1:
0x0: {  	(tag) =	ssettag $0x1  }
0x1: {  	s5 =	rddreg [dreg:$0x0]  }
0x2: {  	s2 =	rddreg [dreg:$0x1];
	s3 =	srdreg.scid  }
0x3: {  	s1 =	stileid.u32;
	s0 =	rddreg [dreg:$0x2];
	s11 =	simm.s32 $0x2  }
0x4: {  	s12 =	simm.s32 $0x2710;
	s13 =	simm.s32 $0x50;
	s14 =	simm.s32 $0x4E20  }
0x5: {  	s15 =	simm.s32 $0x1;
	s16 =	simm.s32 $0x26C0;
	s17 =	simm.s32 $0x4DD0  }
0x6: {  	s18 =	simm.s32 $0x0;
	s6 =	sand.u32 $0x1, s3;
	s7 =	smul.u32 $0x9E00, s1  }
0x7: {  	s3 =	simm.s32 $0x0;
	s4 =	sshll.u32 s6, $0x4;
	s8 =	smul.u32 $0x9E000, s6  }
0x8: {  	[smem:$0x7FF] =	sst s3;
	s6 =	ssub.s32 $0x2, s6;
	s4 =	sor.u32 s1, s4  }
0x9: {  	_ =	strace $0x80000050;
	s9 =	smul.u32 $0x4E2, s4;
	s8 =	sadd.s32 s7, s8  }
0xa: {  	s31 =	sshrl.u32 s6, $0x1;
	s4 =	sadd.s32 $0x3F400, s5;
	s8 =	sshrl.u32 s8, $0x3  }
0xb: {  	s10 =	ssub.s32 s6, s31;
	s9 =	sadd.s32 s9, s5;
	s8 =	sadd.s32 s8, s5  }
0xc: {  	s5 =	sadd.s32 s7, s2;
	s6 =	sadd.s32 $0x4600, s9;
	s7 =	sadd.s32 $0xE400, s9  }
0xd: {  	v0 =	vimm.f32 $0.0e+00;
	s8 =	sadd.s32 $0x52E00, s8;
	s9 =	smax.u32 s10, $0x1;
	s10 =	simm.s32 $0x6220  }
.LBB2_1:
0xe: {  	s20 =	simm.s32 $0x100;
	s19 =	simm.s32 $0x0  }
.LBB2_2:
0xf: {  	p0 =	sne.s32 s20, $0x27700;
	[tilespmem:s19+$0x6250] =	vst v0;
	s21 =	smov.u32 s20;
	s20 =	sadd.s32 $0x100, s20  }
.Ltmp0:
0x10: {  	[tilespmem:s19+$0x6240] =	vst v0;
	(pc) =	sbr.rel @p0 .LBB2_2-.Ltmp0, $3  }
0x11: {  	[tilespmem:s19+$0x6220] =	vst v0  }
0x12: {  	[tilespmem:s19+$0x6230] =	vst v0;
	_ =	sdelay $0x1  }
0x13: {  	s19 =	sshra.s32 s21, $0x2  }
0x14: {  	[tilespmem:s19+$0x6250] =	vst v0  }
0x15: {  	[tilespmem:s19+$0x6240] =	vst v0  }
0x16: {  	[tilespmem:s19+$0x6220] =	vst v0  }
0x17: {  	[tilespmem:s19+$0x6230] =	vst v0  }
0x18: {  	[spmem:s5] =	stream.linear.scatter [tilespmem:s10], [sflag:$0x2], $0x9E00, $0x38;
	[tilespmem:$0x19E20] =	vst v63  }
0x19: {  	_ =	swait.ge [sflag:s11], $0x9E00  }
0x1a: {  	[sflag:s11] =	ssyncset.done $0x0  }
0x1b: {  	[sflag:s11] =	ssyncadd.s32 $0xFFFF6200  }
0x1c: {  	[tilespmem:s3], [sflag:$0x2] =	stream.linear.gather [hbm4b:s6+s3], $0x2710, $0x38;
	[tilespmem:$0x19E20] =	vst v63  }
0x1d: {  	_ =	swait.ge [sflag:s11], $0x2710  }
0x1e: {  	[sflag:s11] =	ssyncset.done $0x0  }
0x1f: {  	[sflag:s11] =	ssyncadd.s32 $0xFFFFD8F0  }
0x20: {  	[tilespmem:s12], [sflag:$0x2] =	stream.linear.gather [hbm4b:s7+s3], $0x2710, $0x38;
	[tilespmem:$0x19E20] =	vst v63  }
0x21: {  	_ =	swait.ge [sflag:s11], $0x2710  }
0x22: {  	[sflag:s11] =	ssyncset.done $0x0  }
0x23: {  	[sflag:s11] =	ssyncadd.s32 $0xFFFFD8F0  }
0x24: {  	s29 =	simm.s32 $0x0;
	[bflag:$0x0] =	sbarrier.arrive $0xFFFF  }
0x25: {  	[tilespmem:s14], [sflag:$0x1] =	stream.indirect.gather [hbm4b:s4+s13], $0x40, s29, s13, $0xb8;
	[tilespmem:$0x19E20] =	vst v63  }
0x26: {  	_ =	swait.ge [sflag:s15], $0x1400  }
0x27: {  	[sflag:s15] =	ssyncset.done $0x0  }
0x28: {  	s30 =	simm.s32 $0x2710;
	[sflag:s15] =	ssyncadd.s32 $0xFFFFEC00  }
0x29: {  	[spmem:s2] =	stream.indirect.scatter.add.f32 [tilespmem:s14], [sflag:$0x2], $0x40, s30, s13, $0xb8;
	[tilespmem:$0x19E20] =	vst v63  }
0x2a: {  	_ =	swait.ge [sflag:s11], $0x1400  }
0x2b: {  	[sflag:s11] =	ssyncset.done $0x0  }
0x2c: {  	s31 =	simm.s32 $0x50;
	[sflag:s11] =	ssyncadd.s32 $0xFFFFEC00  }
0x2d: {  	[tilespmem:s14], [sflag:$0x1] =	stream.indirect.gather [hbm4b:s4+s13], $0x40, s31, s13, $0xb8;
	[tilespmem:$0x19E20] =	vst v63  }
0x2e: {  	_ =	swait.ge [sflag:s15], $0x1400  }
0x2f: {  	[sflag:s15] =	ssyncset.done $0x0  }
0x30: {  	s19 =	simm.s32 $0x2760;
	[sflag:s15] =	ssyncadd.s32 $0xFFFFEC00  }
0x31: {  	[spmem:s2] =	stream.indirect.scatter.add.f32 [tilespmem:s14], [sflag:$0x2], $0x40, s19, s13, $0xb8;
	[tilespmem:$0x19E20] =	vst v63  }
0x32: {  	_ =	swait.ge [sflag:s11], $0x1400  }
0x33: {  	s20 =	simm.s32 $0x0;
	s21 =	simm.s32 $0xF0;
	[sflag:s11] =	ssyncset.done $0x0  }
.LBB2_4:
0x34: {  	s22 =	sadd.s32 $0xFFFFFFB0, s21;
	[sflag:s11] =	ssyncadd.s32 $0xFFFFEC00  }
0x35: {  	[tilespmem:s14], [sflag:$0x1] =	stream.indirect.gather [hbm4b:s4+s13], $0x40, s22, s13, $0xb8;
	[tilespmem:$0x19E20] =	vst v63  }
0x36: {  	_ =	swait.ge [sflag:s15], $0x1400  }
0x37: {  	s19 =	sadd.s32 $0xA0, s19;
	[sflag:s15] =	ssyncset.done $0x0  }
0x38: {  	s22 =	sadd.s32 $0xFFFFFFB0, s19;
	[sflag:s15] =	ssyncadd.s32 $0xFFFFEC00  }
0x39: {  	[spmem:s2] =	stream.indirect.scatter.add.f32 [tilespmem:s14], [sflag:$0x2], $0x40, s22, s13, $0xb8;
	[tilespmem:$0x19E20] =	vst v63  }
0x3a: {  	_ =	swait.ge [sflag:s11], $0x1400  }
0x3b: {  	s20 =	sadd.s32 $0x2, s20;
	[sflag:s11] =	ssyncset.done $0x0  }
0x3c: {  	p0 =	slt.u32 s20, $0x7A;
	[sflag:s11] =	ssyncadd.s32 $0xFFFFEC00  }
0x3d: {  	[tilespmem:s14], [sflag:$0x1] =	stream.indirect.gather [hbm4b:s4+s13], $0x40, s21, s13, $0xb8;
	[tilespmem:$0x19E20] =	vst v63  }
0x3e: {  	_ =	swait.ge [sflag:s15], $0x1400  }
.Ltmp1:
0x3f: {  	[sflag:s15] =	ssyncset.done $0x0;
	(pc) =	sbr.rel @p0 .LBB2_4-.Ltmp1, $4  }
0x40: {  	[sflag:s15] =	ssyncadd.s32 $0xFFFFEC00  }
0x41: {  	[spmem:s2] =	stream.indirect.scatter.add.f32 [tilespmem:s14], [sflag:$0x2], $0x40, s19, s13, $0xb8;
	[tilespmem:$0x19E20] =	vst v63  }
0x42: {  	_ =	swait.ge [sflag:s11], $0x1400  }
0x43: {  	s21 =	sadd.s32 $0xA0, s21;
	[sflag:s11] =	ssyncset.done $0x0  }
0x44: {  	[sflag:s11] =	ssyncadd.s32 $0xFFFFEC00  }
0x45: {  	[tilespmem:s14], [sflag:$0x1] =	stream.indirect.gather [hbm4b:s4+s13], $0x40, s16, s13, $0xb8;
	[tilespmem:$0x19E20] =	vst v63  }
0x46: {  	_ =	swait.ge [sflag:s15], $0x1400  }
0x47: {  	[sflag:s15] =	ssyncset.done $0x0  }
0x48: {  	[sflag:s15] =	ssyncadd.s32 $0xFFFFEC00  }
0x49: {  	[spmem:s2] =	stream.indirect.scatter.add.f32 [tilespmem:s14], [sflag:$0x2], $0x40, s17, s13, $0xb8;
	[tilespmem:$0x19E20] =	vst v63  }
0x4a: {  	_ =	swait.ge [sflag:s11], $0x1400  }
0x4b: {  	s19 =	sshll.u32 s1, $0x6;
	s18 =	sadd.s32 $0x1, s18;
	[sflag:s11] =	ssyncset.done $0x0  }
0x4c: {  	s20 =	sshrl.u32 s5, $0x3;
	p0 =	sne.s32 s18, s9;
	[sflag:s11] =	ssyncadd.s32 $0xFFFFEC00  }
.Ltmp2:
0x4d: {  	s19 =	sor.u32 $0x1C02, s19;
	[bflag:$0x0] =	sbarrier.arrive $0xFFFF;
	(pc) =	sbr.rel @p0 .LBB2_1-.Ltmp2, $4  }
0x4e: {  	[hbm:s8], [sflag:s19] =	dma.local [spmem:s20], $0x13C0  }
0x4f: {  	_ =	swait.ge [sflag:s11], $0x13C0  }
0x50: {  	[sflag:s11] =	ssyncset.done $0x0  }
0x51: {  	[sflag:s11] =	ssyncadd.s32 $0xFFFFEC40  }
0x52: {  	_ =	sfence.sel $0x180000  }
0x53: {  	[bflag:$0x0] =	sbarrier.arrive $0xFFFF  }
0x54: {  	p0 =	sne.s32 s1, $0x0;
	_ =	strace $0x90000050  }
0x55: {  	s0 =	sadd.s32 @!p0 $0x100000, s0;
	[bflag:$0x2] =	sbarrier.arrive $0xFFFF  }
0x56: {  	[sflag:s0] =	ssyncadd.tile.s32 @!p0 $0x1;
	_ =	shalt  }
.Lfunc_end2:
_tile_overlayer_lowered:
.L_overlay_start_2:
0x57: {  	(tag) =	ssettag $0x2  }
0x58: {  	s0 =	rddreg [dreg:$0x0];
	s2 =	stileid.u32  }
0x59: {  	s1 =	rddreg [dreg:$0x1];
	p0 =	sne.s32 s2, $0x0  }
0x5a: {  	s3 =	rddreg [dreg:$0x2];
	[bflag:$0x3] =	sbarrier.arrive $0xFFFF;
	s2 =	simm.s32 @!p0 $0x1C02  }
0x5b: {  	[timem:s3], [sflag:s2] =	dma.local @!p0 [hbm:s0], s1  }
0x5c: {  	s0 =	simm.s32 @!p0 $0x2  }
0x5d: {  	_ =	swait.ge @!p0 [sflag:s0], s1  }
0x5e: {  	s1 =	ssub.s32 @!p0 $0x0, s1;
	[sflag:s0] =	ssyncset.done @!p0 $0x0  }
0x5f: {  	[sflag:s0] =	ssyncadd.s32 @!p0 s1  }
0x60: {  	[bflag:$0x3] =	sbarrier.arrive $0xFFFF  }
0x61: {  	_ =	shalt  }

// kernel: kernel.25.cloned.1.call-start
scs
__scs_entry_jumppad:
0x0: {  	(pc) =	sbr.rel $0x88, $3  }
0x1: {  	(tag) =	ssettag $0x0;
	lr =	simm.s32 $0x1  }
0x2: {  	[smem:$0x3F8C] =	sst lr;
	_ =	strace $0xD0000000  }
0x3: {  	_ = 	snop  }
0x4: {  	_ = 	snop  }
0x5: {  	_ = 	snop  }
0x6: {  	_ = 	snop  }
0x7: {  	_ = 	snop  }
__scs_overlays_trampoline_lowered:
0x8: {  	[smem:$0x3F9B] =	sst s0  }
0x9: {  	[smem:$0x3F9C] =	sst s1  }
0xa: {  	[smem:$0x3F9D] =	sst s2  }
0xb: {  	[smem:$0x3F9E] =	sst s3  }
0xc: {  	[smem:$0x3F9F] =	sst s4  }
0xd: {  	[smem:$0x3FA0] =	sst s5  }
0xe: {  	[smem:$0x3FA1] =	sst s6  }
0xf: {  	[smem:$0x3FA2] =	sst s7  }
0x10: {  	[smem:$0x3FA3] =	sst s8  }
0x11: {  	[smem:$0x3FA4] =	sst s9;
	s0 =	simm.s32 @!p0 $0x0  }
0x12: {  	s1 =	sld [smem:$0x3F8A];
	s0 =	simm.s32 @p0 $0x1  }
0x13: {  	[smem:$0x3FA5] =	sst s0;
	s0 =	simm.s32 @!p1 $0x0  }
0x14: {  	s2 =	sld [smem:$0x3F89];
	s0 =	simm.s32 @p1 $0x1  }
0x15: {  	[smem:$0x3FA6] =	sst s0;
	s0 =	simm.s32 @!p2 $0x0  }
0x16: {  	s3 =	sld [smem:$0x3FDB];
	s0 =	simm.s32 @p2 $0x1  }
0x17: {  	s4 =	simm.s32 $0x1BF5;
	[smem:$0x3FA8] =	sst s0  }
0x18: {  	s0 =	sld [smem:$0x3F8B];
	_ =	swait.ge [sflag:s4], $0x0  }
0x19: {  	s7 =	sld [smem:$0x3F8C]  }
0x1a: {  	s8 =	sadd.s32 $0xFFFFE003, lr  }
0x1b: {  	s9 =	sadd.s32 $0xFFFFFEF7, lr;
	s5 =	simm.s32 $0xFFFFFFFF;
	p2 =	slt.u32 s8, $0xFFFFF086  }
0x1c: {  	p1 =	slt.u32 s9, $0xF7A;
	s5 =	simm.s32 @!p2 $0x0  }
0x1d: {  	s5 =	simm.s32 @p1 $0x1;
	p0 =	seq.s32 s7, s2  }
0x1e: {  	s7 =	smul.u32 @!p0 $0xF7A, s2;
	p2 =	seq.s32 @!p0 s5, $0x0  }
0x1f: {  	s9 =	smul.u32 $0xF7A, s1;
	s8 =	simm.s32 @!p0 $0x1BF5;
	p2 =	por !p2, p0  }
0x20: {  	[sflag:s8] =	ssyncset.s32 @!p0 $0xFFFFF086;
	s6 =	sadd.s32 @!p0 s3, s7;
	s7 =	simm.s32 @!p0 $0x108  }
0x21: {  	s3 =	sadd.s32 s3, s9;
	s6 =	sadd.s32 @!p0 $0x88, s6;
	s7 =	simm.s32 @p2 $0x1082  }
0x22: {  	[simem:s7], [sflag:s8] =	dma.local @!p0 [hbm:s6], $0xF7A  }
0x23: {  	s9 =	sor.u32 $0xD0000000, s2;
	s6 =	simm.s32 $0x108;
	_ =	swait.ge @!p0 [sflag:s8], $0x0  }
0x24: {  	s3 =	sadd.s32 $0x88, s3;
	s6 =	simm.s32 @!p1 $0x1082;
	[sflag:s4] =	ssyncset.s32 $0xFFFFF086  }
0x25: {  	[simem:s6], [sflag:s4] =	dma.local [hbm:s3], $0xF7A  }
0x26: {  	[smem:$0x3F8C] =	sst s1;
	(tag) =	ssettag s2;
	_ =	strace s9  }
0x27: {  	s1 =	sld [smem:$0x3F9C]  }
0x28: {  	s2 =	sld [smem:$0x3F9D]  }
0x29: {  	s4 =	sld [smem:$0x3F9F]  }
0x2a: {  	p0 =	seq.s32 s5, $0x0;
	s5 =	sld [smem:$0x3FA0]  }
0x2b: {  	s6 =	sld [smem:$0x3FA1]  }
0x2c: {  	s7 =	sld [smem:$0x3FA2]  }
0x2d: {  	s3 =	simm.s32 $0x108;
	s8 =	sld [smem:$0x3FA3]  }
0x2e: {  	s3 =	simm.s32 @!p0 $0x1082;
	s9 =	sld [smem:$0x3FA4]  }
0x2f: {  	lr =	sadd.s32 s0, s3;
	s0 =	sld [smem:$0x3F9B]  }
0x30: {  	s3 =	sld [smem:$0x3F9E]  }
0x31: {  	[smem:$0x3FA7] =	sst s10  }
0x32: {  	s10 =	sld [smem:$0x3FA5];
	_ =	sdelay $0x3  }
0x33: {  	p0 =	seq.s32 s10, $0x1;
	s10 =	sld [smem:$0x3FA7];
	_ =	sdelay $0x3  }
0x34: {  	[smem:$0x3FA7] =	sst s10  }
0x35: {  	s10 =	sld [smem:$0x3FA6];
	_ =	sdelay $0x3  }
0x36: {  	p1 =	seq.s32 s10, $0x1;
	s10 =	sld [smem:$0x3FA7];
	_ =	sdelay $0x3  }
0x37: {  	[smem:$0x3FA7] =	sst s10  }
0x38: {  	s10 =	sld [smem:$0x3FA8]  }
0x39: {  	_ = 	snop;
	(pc) =	sbr.ind lr, $3  }
0x3a: {  	_ = 	snop  }
0x3b: {  	_ = 	snop  }
0x3c: {  	p2 =	seq.s32 s10, $0x1;
	s10 =	sld [smem:$0x3FA7]  }
0x3d: {  	_ =	shalt  }
0x3e: {  	_ =	shalt  }
0x3f: {  	_ =	shalt  }
0x40: {  	_ =	shalt  }
0x41: {  	_ =	shalt  }
0x42: {  	_ =	shalt  }
0x43: {  	_ =	shalt  }
0x44: {  	_ =	shalt  }
0x45: {  	_ =	shalt  }
0x46: {  	_ =	shalt  }
0x47: {  	_ =	shalt  }
0x48: {  	_ =	shalt  }
0x49: {  	_ =	shalt  }
0x4a: {  	_ =	shalt  }
0x4b: {  	_ =	shalt  }
0x4c: {  	_ =	shalt  }
0x4d: {  	_ =	shalt  }
0x4e: {  	_ =	shalt  }
0x4f: {  	_ =	shalt  }
0x50: {  	_ =	shalt  }
0x51: {  	_ =	shalt  }
0x52: {  	_ =	shalt  }
0x53: {  	_ =	shalt  }
0x54: {  	_ =	shalt  }
0x55: {  	_ =	shalt  }
0x56: {  	_ =	shalt  }
0x57: {  	_ =	shalt  }
0x58: {  	_ =	shalt  }
0x59: {  	_ =	shalt  }
0x5a: {  	_ =	shalt  }
0x5b: {  	_ =	shalt  }
0x5c: {  	_ =	shalt  }
0x5d: {  	_ =	shalt  }
0x5e: {  	_ =	shalt  }
0x5f: {  	_ =	shalt  }
0x60: {  	_ =	shalt  }
0x61: {  	_ =	shalt  }
0x62: {  	_ =	shalt  }
0x63: {  	_ =	shalt  }
0x64: {  	_ =	shalt  }
0x65: {  	_ =	shalt  }
0x66: {  	_ =	shalt  }
0x67: {  	_ =	shalt  }
0x68: {  	_ =	shalt  }
0x69: {  	_ =	shalt  }
0x6a: {  	_ =	shalt  }
0x6b: {  	_ =	shalt  }
0x6c: {  	_ =	shalt  }
0x6d: {  	_ =	shalt  }
0x6e: {  	_ =	shalt  }
0x6f: {  	_ =	shalt  }
0x70: {  	_ =	shalt  }
0x71: {  	_ =	shalt  }
0x72: {  	_ =	shalt  }
0x73: {  	_ =	shalt  }
0x74: {  	_ =	shalt  }
0x75: {  	_ =	shalt  }
0x76: {  	_ =	shalt  }
0x77: {  	_ =	shalt  }
0x78: {  	_ =	shalt  }
0x79: {  	_ =	shalt  }
0x7a: {  	_ =	shalt  }
0x7b: {  	_ =	shalt  }
0x7c: {  	_ =	shalt  }
0x7d: {  	_ =	shalt  }
0x7e: {  	_ =	shalt  }
0x7f: {  	_ =	shalt  }
0x80: {  	_ =	shalt  }
0x81: {  	_ =	shalt  }
0x82: {  	_ =	shalt  }
0x83: {  	_ =	shalt  }
0x84: {  	_ =	shalt  }
0x85: {  	_ =	shalt  }
0x86: {  	_ =	shalt  }
0x87: {  	_ =	shalt  }
.Lfunc_end0:
.L_simem_size_0:
called_computation.4_lowered:
.L_overlay_start_0:
0x88: {  	s2 =	sld [smem:$0x3FD9]  }
0x89: {  	s3 =	sld [smem:$0x3FFE];
	_ =	sdelay $0x1  }
0x8a: {  	s1 =	srdreg.scid  }
0x8b: {  	s0 =	sand.u32 $0x1, s1  }
0x8c: {  	s16 =	sshll.u32 s0, $0xA;
	s2 =	sadd.s32 s3, s2  }
0x8d: {  	s2 =	sadd.s32 s2, s16  }
0x8e: {  	[smem:$0x3FB3] =	sst s2  }
0x8f: {  	_ = 	snop  }
0x90: {  	(tm) =	ssettm $0x1  }
0x91: {  	s17 =	sld [smem:$0x3FFB];
	_ =	sdelay $0x3  }
0x92: {  	_ =	strace s17  }
0x93: {  	s2 =	sld [smem:$0x3FFC];
	_ =	sdelay $0x3  }
0x94: {  	_ =	strace s2  }
0x95: {  	s2 =	sld [smem:$0x3FFD];
	_ =	sdelay $0x3  }
0x96: {  	_ =	strace s2  }
0x97: {  	_ =	strace $0x8FFFFFFF  }
0x98: {  	s18 =	sld [smem:$0x3FDB];
	_ =	sdelay $0x1  }
0x99: {  	s19 =	simm.s32 $_scs_section_size  }
0x9a: {  	s4 =	simm.s32 $_size__tile_overlayer_lowered;
	s5 =	simm.s32 $_tile_overlayer_lowered  }
0x9b: {  	s22 =	simm.s32 $0x1BFF;
	s21 =	sshll.u32 s5, $0x1;
	s2 =	sadd.s32 s19, s18  }
0x9c: {  	s6 =	simm.s32 $0x0;
	s20 =	sshll.u32 s4, $0x1;
	s4 =	sadd.s32 s21, s2  }
0x9d: {  	[timem:s6], [sflag:s22] =	dma.local [hbm:s4], s20  }
0x9e: {  	_ =	swait.ge [sflag:s22], s20  }
0x9f: {  	s3 =	ssub.s32 $0x0, s20;
	[sflag:s22] =	ssyncset.done $0x0  }
0xa0: {  	[sflag:s22] =	ssyncadd.s32 s3;
	_ =	sdelay $0x1  }
0xa1: {  	s23 =	simm.s32 $0x1B8B  }
0xa2: {  	_ =	swait.ge [sflag:s23], $0x1  }
0xa3: {  	[sflag:s23] =	ssyncset.done $0x0  }
0xa4: {  	s25 =	simm.s32 $0x1B8E;
	s24 =	sld [smem:$0x3FFE];
	[sflag:s23] =	ssyncadd.s32 $0xFFFFFFFF  }
0xa5: {  	s26 =	simm.s32 $execute0_lowered;
	[smem:$0x3FD2] =	sst s25  }
0xa6: {  	s4 =	sshll.u32 s26, $0x1;
	_ =	strace $0x80000052;
	[dreg:$0x1] =	wrdreg $0xFFFFFFFF  }
0xa7: {  	s28 =	simm.s32 $_size_execute0_lowered;
	s2 =	sadd.s32 s2, s4;
	[dreg:$0x0] =	wrdreg $0x0  }
0xa8: {  	s4 =	sshll.u32 s28, $0x1;
	[dreg:$0x2] =	wrdreg s2  }
0xa9: {  	[dreg:$0x3] =	wrdreg s4  }
0xaa: {  	[dreg:$0x4] =	wrdreg $0xC0  }
0xab: {  	_ =	task [dreg:s6], $0x5FFFF  }
0xac: {  	[dreg:$0x1] =	wrdreg $0xFFFFFFFF  }
0xad: {  	[dreg:$0x0] =	wrdreg $0x60  }
0xae: {  	[dreg:$0x2] =	wrdreg s24  }
0xaf: {  	[dreg:$0x3] =	wrdreg $0x100200  }
0xb0: {  	[dreg:$0x4] =	wrdreg $0x9  }
0xb1: {  	_ =	task.clear_ibuf [dreg:s6], $0x5FFFF;
	_ =	strace $0x90000052  }
0xb2: {  	s29 =	simm.s32 $0x9;
	_ =	strace $0x80000054  }
0xb3: {  	_ =	swait.ge [sflag:s29], $0x1  }
0xb4: {  	[sflag:s29] =	ssyncadd.s32 $0xFFFFFFFF  }
0xb5: {  	_ =	strace $0x90000054  }
0xb6: {  	_ =	sfence  }
0xb7: {  	s30 =	sld [smem:$0x0];
	_ =	sdelay $0x2  }
0xb8: {  	s31 =	sshll.u32 s1, $0xD;
	s1 =	sshrl.u32 s1, $0x2  }
0xb9: {  	s3 =	sand.u32 $0x4000, s31;
	s1 =	sadd.s32 s1, s30  }
0xba: {  	s0 =	sor.u32 s3, s0;
	s1 =	sshll.u32 s1, $0x11  }
0xbb: {  	s0 =	sor.u32 s1, s0  }
0xbc: {  	s0 =	sadd.s32 $0x8F2B, s0  }
0xbd: {  	[sflag:s0] =	ssyncadd.remote.s32 $0x1  }
0xbe: {  	_ =	sfence.sel $0xFFFF  }
0xbf: {  	[dreg:$0x0] =	wrdreg $0xFFFFFFFF;
	(pc) =	sbr.abs _section_cstart, $3  }
0xc0: {  	[dreg:$0x1] =	wrdreg $0xFFFFFFFF  }
0xc1: {  	_ =	task.clear_ibuf [dreg:s6], $0x2FFFF;
	_ =	strace $0x9FFFFFFF  }
0xc2: {  	(tm) =	ssettm $0x7FFFFFFF  }
0xc3: {  	_ =	shalt  }
tec
execute0_lowered:
.L_overlay_start_1:
0x0: {  	(tag) =	ssettag $0x1  }
0x1: {  	s5 =	rddreg [dreg:$0x0]  }
0x2: {  	s2 =	rddreg [dreg:$0x1];
	s3 =	srdreg.scid  }
0x3: {  	s1 =	stileid.u32;
	s0 =	rddreg [dreg:$0x2];
	s11 =	simm.s32 $0x2  }
0x4: {  	s12 =	simm.s32 $0x2710;
	s13 =	simm.s32 $0x50;
	s14 =	simm.s32 $0x4E20  }
0x5: {  	s15 =	simm.s32 $0x1;
	s16 =	simm.s32 $0x26C0;
	s17 =	simm.s32 $0x4DD0  }
0x6: {  	s18 =	simm.s32 $0x0;
	s6 =	sand.u32 $0x1, s3;
	s7 =	smul.u32 $0x9E00, s1  }
0x7: {  	s3 =	simm.s32 $0x0;
	s4 =	sshll.u32 s6, $0x4;
	s8 =	smul.u32 $0x9E000, s6  }
0x8: {  	[smem:$0x7FF] =	sst s3;
	s6 =	ssub.s32 $0x2, s6;
	s4 =	sor.u32 s1, s4  }
0x9: {  	_ =	strace $0x80000053;
	s9 =	smul.u32 $0x4E2, s4;
	s8 =	sadd.s32 s7, s8  }
0xa: {  	s31 =	sshrl.u32 s6, $0x1;
	s4 =	sadd.s32 $0x18200, s5;
	s8 =	sshrl.u32 s8, $0x3  }
0xb: {  	s10 =	ssub.s32 s6, s31;
	s9 =	sadd.s32 s9, s5;
	s8 =	sadd.s32 s8, s5  }
0xc: {  	s5 =	sadd.s32 s7, s2;
	s6 =	sadd.s32 $0x4600, s9;
	s7 =	sadd.s32 $0xE400, s9  }
0xd: {  	v0 =	vimm.f32 $0.0e+00;
	s8 =	sadd.s32 $0x2BC00, s8;
	s9 =	smax.u32 s10, $0x1;
	s10 =	simm.s32 $0x6220  }
.LBB2_1:
0xe: {  	s20 =	simm.s32 $0x100;
	s19 =	simm.s32 $0x0  }
.LBB2_2:
0xf: {  	p0 =	sne.s32 s20, $0x27700;
	[tilespmem:s19+$0x6250] =	vst v0;
	s21 =	smov.u32 s20;
	s20 =	sadd.s32 $0x100, s20  }
.Ltmp0:
0x10: {  	[tilespmem:s19+$0x6240] =	vst v0;
	(pc) =	sbr.rel @p0 .LBB2_2-.Ltmp0, $3  }
0x11: {  	[tilespmem:s19+$0x6220] =	vst v0  }
0x12: {  	[tilespmem:s19+$0x6230] =	vst v0;
	_ =	sdelay $0x1  }
0x13: {  	s19 =	sshra.s32 s21, $0x2  }
0x14: {  	[tilespmem:s19+$0x6250] =	vst v0  }
0x15: {  	[tilespmem:s19+$0x6240] =	vst v0  }
0x16: {  	[tilespmem:s19+$0x6220] =	vst v0  }
0x17: {  	[tilespmem:s19+$0x6230] =	vst v0  }
0x18: {  	[spmem:s5] =	stream.linear.scatter [tilespmem:s10], [sflag:$0x2], $0x9E00, $0x38;
	[tilespmem:$0x19E20] =	vst v63  }
0x19: {  	_ =	swait.ge [sflag:s11], $0x9E00  }
0x1a: {  	[sflag:s11] =	ssyncset.done $0x0  }
0x1b: {  	[sflag:s11] =	ssyncadd.s32 $0xFFFF6200  }
0x1c: {  	[tilespmem:s3], [sflag:$0x2] =	stream.linear.gather [hbm4b:s6+s3], $0x2710, $0x38;
	[tilespmem:$0x19E20] =	vst v63  }
0x1d: {  	_ =	swait.ge [sflag:s11], $0x2710  }
0x1e: {  	[sflag:s11] =	ssyncset.done $0x0  }
0x1f: {  	[sflag:s11] =	ssyncadd.s32 $0xFFFFD8F0  }
0x20: {  	[tilespmem:s12], [sflag:$0x2] =	stream.linear.gather [hbm4b:s7+s3], $0x2710, $0x38;
	[tilespmem:$0x19E20] =	vst v63  }
0x21: {  	_ =	swait.ge [sflag:s11], $0x2710  }
0x22: {  	[sflag:s11] =	ssyncset.done $0x0  }
0x23: {  	[sflag:s11] =	ssyncadd.s32 $0xFFFFD8F0  }
0x24: {  	s29 =	simm.s32 $0x0;
	[bflag:$0x0] =	sbarrier.arrive $0xFFFF  }
0x25: {  	[tilespmem:s14], [sflag:$0x1] =	stream.indirect.gather [hbm4b:s4+s13], $0x40, s29, s13, $0xb8;
	[tilespmem:$0x19E20] =	vst v63  }
0x26: {  	_ =	swait.ge [sflag:s15], $0x1400  }
0x27: {  	[sflag:s15] =	ssyncset.done $0x0  }
0x28: {  	s30 =	simm.s32 $0x2710;
	[sflag:s15] =	ssyncadd.s32 $0xFFFFEC00  }
0x29: {  	[spmem:s2] =	stream.indirect.scatter.add.f32 [tilespmem:s14], [sflag:$0x2], $0x40, s30, s13, $0xb8;
	[tilespmem:$0x19E20] =	vst v63  }
0x2a: {  	_ =	swait.ge [sflag:s11], $0x1400  }
0x2b: {  	[sflag:s11] =	ssyncset.done $0x0  }
0x2c: {  	s31 =	simm.s32 $0x50;
	[sflag:s11] =	ssyncadd.s32 $0xFFFFEC00  }
0x2d: {  	[tilespmem:s14], [sflag:$0x1] =	stream.indirect.gather [hbm4b:s4+s13], $0x40, s31, s13, $0xb8;
	[tilespmem:$0x19E20] =	vst v63  }
0x2e: {  	_ =	swait.ge [sflag:s15], $0x1400  }
0x2f: {  	[sflag:s15] =	ssyncset.done $0x0  }
0x30: {  	s19 =	simm.s32 $0x2760;
	[sflag:s15] =	ssyncadd.s32 $0xFFFFEC00  }
0x31: {  	[spmem:s2] =	stream.indirect.scatter.add.f32 [tilespmem:s14], [sflag:$0x2], $0x40, s19, s13, $0xb8;
	[tilespmem:$0x19E20] =	vst v63  }
0x32: {  	_ =	swait.ge [sflag:s11], $0x1400  }
0x33: {  	s20 =	simm.s32 $0x0;
	s21 =	simm.s32 $0xF0;
	[sflag:s11] =	ssyncset.done $0x0  }
.LBB2_4:
0x34: {  	s22 =	sadd.s32 $0xFFFFFFB0, s21;
	[sflag:s11] =	ssyncadd.s32 $0xFFFFEC00  }
0x35: {  	[tilespmem:s14], [sflag:$0x1] =	stream.indirect.gather [hbm4b:s4+s13], $0x40, s22, s13, $0xb8;
	[tilespmem:$0x19E20] =	vst v63  }
0x36: {  	_ =	swait.ge [sflag:s15], $0x1400  }
0x37: {  	s19 =	sadd.s32 $0xA0, s19;
	[sflag:s15] =	ssyncset.done $0x0  }
0x38: {  	s22 =	sadd.s32 $0xFFFFFFB0, s19;
	[sflag:s15] =	ssyncadd.s32 $0xFFFFEC00  }
0x39: {  	[spmem:s2] =	stream.indirect.scatter.add.f32 [tilespmem:s14], [sflag:$0x2], $0x40, s22, s13, $0xb8;
	[tilespmem:$0x19E20] =	vst v63  }
0x3a: {  	_ =	swait.ge [sflag:s11], $0x1400  }
0x3b: {  	s20 =	sadd.s32 $0x2, s20;
	[sflag:s11] =	ssyncset.done $0x0  }
0x3c: {  	p0 =	slt.u32 s20, $0x7A;
	[sflag:s11] =	ssyncadd.s32 $0xFFFFEC00  }
0x3d: {  	[tilespmem:s14], [sflag:$0x1] =	stream.indirect.gather [hbm4b:s4+s13], $0x40, s21, s13, $0xb8;
	[tilespmem:$0x19E20] =	vst v63  }
0x3e: {  	_ =	swait.ge [sflag:s15], $0x1400  }
.Ltmp1:
0x3f: {  	[sflag:s15] =	ssyncset.done $0x0;
	(pc) =	sbr.rel @p0 .LBB2_4-.Ltmp1, $4  }
0x40: {  	[sflag:s15] =	ssyncadd.s32 $0xFFFFEC00  }
0x41: {  	[spmem:s2] =	stream.indirect.scatter.add.f32 [tilespmem:s14], [sflag:$0x2], $0x40, s19, s13, $0xb8;
	[tilespmem:$0x19E20] =	vst v63  }
0x42: {  	_ =	swait.ge [sflag:s11], $0x1400  }
0x43: {  	s21 =	sadd.s32 $0xA0, s21;
	[sflag:s11] =	ssyncset.done $0x0  }
0x44: {  	[sflag:s11] =	ssyncadd.s32 $0xFFFFEC00  }
0x45: {  	[tilespmem:s14], [sflag:$0x1] =	stream.indirect.gather [hbm4b:s4+s13], $0x40, s16, s13, $0xb8;
	[tilespmem:$0x19E20] =	vst v63  }
0x46: {  	_ =	swait.ge [sflag:s15], $0x1400  }
0x47: {  	[sflag:s15] =	ssyncset.done $0x0  }
0x48: {  	[sflag:s15] =	ssyncadd.s32 $0xFFFFEC00  }
0x49: {  	[spmem:s2] =	stream.indirect.scatter.add.f32 [tilespmem:s14], [sflag:$0x2], $0x40, s17, s13, $0xb8;
	[tilespmem:$0x19E20] =	vst v63  }
0x4a: {  	_ =	swait.ge [sflag:s11], $0x1400  }
0x4b: {  	s19 =	sshll.u32 s1, $0x6;
	s18 =	sadd.s32 $0x1, s18;
	[sflag:s11] =	ssyncset.done $0x0  }
0x4c: {  	s20 =	sshrl.u32 s5, $0x3;
	p0 =	sne.s32 s18, s9;
	[sflag:s11] =	ssyncadd.s32 $0xFFFFEC00  }
.Ltmp2:
0x4d: {  	s19 =	sor.u32 $0x1C02, s19;
	[bflag:$0x0] =	sbarrier.arrive $0xFFFF;
	(pc) =	sbr.rel @p0 .LBB2_1-.Ltmp2, $4  }
0x4e: {  	[hbm:s8], [sflag:s19] =	dma.local [spmem:s20], $0x13C0  }
0x4f: {  	_ =	swait.ge [sflag:s11], $0x13C0  }
0x50: {  	[sflag:s11] =	ssyncset.done $0x0  }
0x51: {  	[sflag:s11] =	ssyncadd.s32 $0xFFFFEC40  }
0x52: {  	_ =	sfence.sel $0x180000  }
0x53: {  	[bflag:$0x0] =	sbarrier.arrive $0xFFFF  }
0x54: {  	p0 =	sne.s32 s1, $0x0;
	_ =	strace $0x90000053  }
0x55: {  	s0 =	sadd.s32 @!p0 $0x100000, s0;
	[bflag:$0x2] =	sbarrier.arrive $0xFFFF  }
0x56: {  	[sflag:s0] =	ssyncadd.tile.s32 @!p0 $0x1;
	_ =	shalt  }
.Lfunc_end2:
_tile_overlayer_lowered:
.L_overlay_start_2:
0x57: {  	(tag) =	ssettag $0x2  }
0x58: {  	s0 =	rddreg [dreg:$0x0];
	s2 =	stileid.u32  }
0x59: {  	s1 =	rddreg [dreg:$0x1];
	p0 =	sne.s32 s2, $0x0  }
0x5a: {  	s3 =	rddreg [dreg:$0x2];
	[bflag:$0x3] =	sbarrier.arrive $0xFFFF;
	s2 =	simm.s32 @!p0 $0x1C02  }
0x5b: {  	[timem:s3], [sflag:s2] =	dma.local @!p0 [hbm:s0], s1  }
0x5c: {  	s0 =	simm.s32 @!p0 $0x2  }
0x5d: {  	_ =	swait.ge @!p0 [sflag:s0], s1  }
0x5e: {  	s1 =	ssub.s32 @!p0 $0x0, s1;
	[sflag:s0] =	ssyncset.done @!p0 $0x0  }
0x5f: {  	[sflag:s0] =	ssyncadd.s32 @!p0 s1  }
0x60: {  	[bflag:$0x3] =	sbarrier.arrive $0xFFFF  }
0x61: {  	_ =	shalt  }

</sc_bundles>
